<compile_context>
chip_gen: v7x
topology: tpu7x:2x2x1
jax: 0.10.2.dev20260603
libtpu: 0.0.44.dev20260713+nightly
codegen_flags: <defaults>
</compile_context>

<pallas_src>
import jax
import jax.numpy as jnp
from jax import lax
from jax.experimental import pallas as pl
from jax.experimental.pallas import tpu as pltpu
from jax.experimental.pallas import tpu_sc as plsc

N = 50000
H = 16
K = 15
CIN = 64
COUT = 64
KP_EXTENT = 1.2
TT = 128

NC = 2
NS = 16
NW = NC * NS
ROWS = N * H
RPW = ROWS // NW
CH = 40
NCH = RPW // CH
R = 5
NG = NCH // R
TNC = N // CH
TBG = (TNC + NS * R - 1) // (NS * R)

BP = 400
GRID = N // BP


def _sc_gather_body(table_hbm, idx_hbm, out_hbm, tbl, idx_v, bufs, gsems, osems):
    c = lax.axis_index("c")
    s = lax.axis_index("s")
    wid = s * NC + c
    base = wid * RPW
    pltpu.sync_copy(idx_hbm.at[wid], idx_v)

    def build_group(g, carry):
        for b in range(R):
            cprev = ((g - 1) * R + b) * NS + s
            cid = (g * R + b) * NS + s

            @pl.when((g > 0) & (cprev < TNC))
            def _(b=b, cprev=cprev):
                pltpu.make_async_copy(
                    bufs.at[b], tbl.at[pl.ds(cprev * CH, CH)], osems.at[b]
                ).wait()

            @pl.when(cid < TNC)
            def _(b=b, cid=cid):
                pltpu.async_copy(
                    table_hbm.at[pl.ds(cid * CH, CH)], bufs.at[b], gsems.at[b]
                )

        for b in range(R):
            cid = (g * R + b) * NS + s

            @pl.when(cid < TNC)
            def _(b=b, cid=cid):
                pltpu.make_async_copy(
                    table_hbm.at[pl.ds(cid * CH, CH)], bufs.at[b], gsems.at[b]
                ).wait()
                pltpu.async_copy(
                    bufs.at[b], tbl.at[pl.ds(cid * CH, CH)], osems.at[b]
                )

        return carry

    lax.fori_loop(0, TBG, build_group, 0)
    for b in range(R):
        clast = ((TBG - 1) * R + b) * NS + s

        @pl.when(clast < TNC)
        def _(b=b, clast=clast):
            pltpu.make_async_copy(
                bufs.at[b], tbl.at[pl.ds(clast * CH, CH)], osems.at[b]
            ).wait()

    plsc.subcore_barrier()

    def gather_group(g, carry):
        for b in range(R):
            j = g * R + b

            @pl.when(g > 0)
            def _(b=b, j=j):
                pltpu.make_async_copy(
                    bufs.at[b], out_hbm.at[pl.ds(base, CH)], osems.at[b]
                ).wait()

            pltpu.async_copy(tbl.at[idx_v.at[j]], bufs.at[b], gsems.at[b])

        for b in range(R):
            j = g * R + b
            pltpu.make_async_copy(
                tbl.at[idx_v.at[j]], bufs.at[b], gsems.at[b]
            ).wait()
            pltpu.async_copy(
                bufs.at[b], out_hbm.at[pl.ds(base + j * CH, CH)], osems.at[b]
            )

        return carry

    lax.fori_loop(0, NG, gather_group, 0)
    for b in range(R):
        pltpu.make_async_copy(
            bufs.at[b], out_hbm.at[pl.ds(base, CH)], osems.at[b]
        ).wait()


def _sc_gather(table, idx3):
    mesh = plsc.VectorSubcoreMesh(
        core_axis_name="c", subcore_axis_name="s", num_cores=NC, num_subcores=NS
    )
    return pl.kernel(
        _sc_gather_body,
        out_type=jax.ShapeDtypeStruct((ROWS, TT), jnp.float32),
        mesh=mesh,
        scratch_types=[
            pltpu.HBM((N, TT), jnp.float32),
            pltpu.VMEM((NCH, CH), jnp.int32),
            pltpu.VMEM((R, CH, TT), jnp.float32),
            pltpu.SemaphoreType.DMA((R,)),
            pltpu.SemaphoreType.DMA((R,)),
        ],
    )(table, idx3)


def _mm(a, b):
    return lax.dot_general(
        a, b, (((1,), (0,)), ((), ())), preferred_element_type=jnp.float32
    )


def _tc_body(g_ref, q_ref, mw_ref, kpsq_ref, rep_ref, w_ref, o_ref):
    q48 = q_ref[...]
    mw = mw_ref[...]
    kpsq = kpsq_ref[...]
    rep = rep_ref[...]

    ch_all = jnp.concatenate(
        [g_ref[h][:, CIN:CIN + 3] for h in range(H)], axis=1
    )
    rel = ch_all - q48
    feat = jnp.concatenate([rel, rel * rel], axis=1)
    sq = jnp.maximum(_mm(feat, mw) + kpsq, 0.0)
    w_all = jnp.maximum(1.0 - jnp.sqrt(sq) * (1.0 / KP_EXTENT), 0.0)

    acc = jnp.zeros((BP, K * CIN), jnp.float32)
    cnt = jnp.zeros((BP, 1), jnp.float32)
    for h in range(H):
        nx_h = g_ref[h][:, 0:CIN]
        wh = w_all[:, h * K:(h + 1) * K]
        acc = acc + _mm(wh, rep) * jnp.concatenate([nx_h] * K, axis=1)
        rsh = jnp.sum(nx_h, axis=1, keepdims=True)
        cnt = cnt + (rsh > 0.0).astype(jnp.float32)

    out = _mm(acc, w_ref[...])
    o_ref[...] = out / jnp.maximum(cnt, 1.0)


def _tc_compute(g3t, q_pts, kernel_points, wflat):
    kpt = kernel_points.T
    kpsq = jnp.sum(kernel_points * kernel_points, axis=1)[None]
    eyeh = jnp.eye(H, dtype=jnp.float32)
    mw = jnp.concatenate(
        [jnp.kron(eyeh, -2.0 * kpt), jnp.kron(eyeh, jnp.ones((3, K)))], axis=0
    )
    kpsq_hk = jnp.tile(kpsq, (1, H))
    q48 = jnp.tile(q_pts, (1, H))
    rep = jnp.repeat(jnp.eye(K, dtype=jnp.float32), CIN, axis=1)
    return pl.pallas_call(
        _tc_body,
        grid=(GRID,),
        in_specs=[
            pl.BlockSpec((H, BP, TT), lambda i: (0, i, 0)),
            pl.BlockSpec((BP, 3 * H), lambda i: (i, 0)),
            pl.BlockSpec((2 * 3 * H, H * K), lambda i: (0, 0)),
            pl.BlockSpec((1, H * K), lambda i: (0, 0)),
            pl.BlockSpec((K, K * CIN), lambda i: (0, 0)),
            pl.BlockSpec((K * CIN, COUT), lambda i: (0, 0)),
        ],
        out_specs=pl.BlockSpec((BP, COUT), lambda i: (i, 0)),
        out_shape=jax.ShapeDtypeStruct((N, COUT), jnp.float32),
    )(g3t, q48, mw, kpsq_hk, rep, wflat)


def kernel(q_pts, s_pts, neighb_inds, x, kernel_points, weights):
    table = jnp.concatenate(
        [x, s_pts, jnp.zeros((N, TT - CIN - 3), jnp.float32)], axis=1
    )
    idx3 = neighb_inds.T.reshape(NW, NCH, CH)
    gathered = _sc_gather(table, idx3)
    g3t = gathered.reshape(H, N, TT)
    wflat = weights.reshape(K * CIN, COUT)
    return _tc_compute(g3t, q_pts, kernel_points, wflat)

# --- scband reference (transcript-rebuilt; emitter-appended) ---
"""Pipeline reference for scband-kpconv-5669356831309 (READ-ONLY COPY).

The authoritative reference and input builder live on the scoring server;
editing this copy changes nothing except your own understanding.
"""

import jax, jax.numpy as jnp
import numpy as np

N = 50000
NEIGH = 16
K = 15
P_DIM = 3
IN_C = 64
OUT_C = 64
KP_EXTENT = 1.2
RADIUS = 2.5


def setup_inputs(seed: int = 0) -> dict:
    key = jax.random.key(seed)
    k1, k2, k3, k4, k5, k6, k7 = jax.random.split(key, 7)
    q_pts = jax.random.uniform(k1, (N, P_DIM), dtype=jnp.float32)
    s_pts = jax.random.uniform(k2, (N, P_DIM), dtype=jnp.float32)
    neighb_inds = jax.random.randint(k3, (N, NEIGH), 0, N, dtype=jnp.int32)
    x = jax.random.normal(k4, (N, IN_C), dtype=jnp.float32)
    # kernel points: fixed='center' -> first point at origin, rest in ball of radius ~0.66*RADIUS
    dirs = jax.random.normal(k5, (K, P_DIM), dtype=jnp.float32)
    dirs = dirs / (jnp.linalg.norm(dirs, axis=1, keepdims=True) + 1e-6)
    radii = jax.random.uniform(k6, (K, 1), dtype=jnp.float32) ** (1.0 / 3.0)
    kernel_points = dirs * radii * (RADIUS * 0.66)
    kernel_points = kernel_points.at[0].set(0.0)
    # kaiming-uniform-like conv weights [K, IN_C, OUT_C]
    bound = 1.0 / np.sqrt(IN_C * K)
    weights = jax.random.uniform(k7, (K, IN_C, OUT_C), dtype=jnp.float32, minval=-bound, maxval=bound)
    return {"q_pts": q_pts, "s_pts": s_pts, "neighb_inds": neighb_inds, "x": x, "kernel_points": kernel_points, "weights": weights}


def reference(q_pts, s_pts, neighb_inds, x, kernel_points, weights):
    # Add a fake shadow point far away (index N refers to it)
    s_pts_pad = jnp.concatenate([s_pts, jnp.full((1, s_pts.shape[1]), 1e6, dtype=s_pts.dtype)], axis=0)
    # Gather neighbor coords: [N, H, 3]
    neighbors = jnp.take(s_pts_pad, neighb_inds, axis=0)
    # Center on query points
    neighbors = neighbors - q_pts[:, None, :]
    # Differences to kernel points: [N, H, K, 3]
    differences = neighbors[:, :, None, :] - kernel_points[None, None, :, :]
    sq_distances = jnp.sum(differences ** 2, axis=-1)  # [N, H, K]
    # KP_influence == 'linear'
    all_weights = jnp.clip(1.0 - jnp.sqrt(sq_distances) / KP_EXTENT, 0.0, None)
    all_weights = jnp.transpose(all_weights, (0, 2, 1))  # [N, K, H]
    # aggregation_mode == 'sum' (no closest-kernel masking)
    # Add shadow feature row of zeros
    x_pad = jnp.concatenate([x, jnp.zeros((1, x.shape[1]), dtype=x.dtype)], axis=0)
    neighb_x = jnp.take(x_pad, neighb_inds, axis=0)  # [N, H, Cin]
    weighted_features = jnp.matmul(all_weights, neighb_x)  # [N, K, Cin]
    weighted_features = jnp.transpose(weighted_features, (1, 0, 2))  # [K, N, Cin]
    kernel_outputs = jnp.matmul(weighted_features, weights)  # [K, N, Cout]
    output = jnp.sum(kernel_outputs, axis=0)  # [N, Cout]
    # density normalization over valid (non-shadow) neighbors
    neighbor_features_sum = jnp.sum(neighb_x, axis=-1)  # [N, H]
    neighbor_num = jnp.sum((neighbor_features_sum > 0.0).astype(output.dtype), axis=-1)
    neighbor_num = jnp.maximum(neighbor_num, 1.0)
    return output / neighbor_num[:, None]


if False:  # reference __main__ guard neutralized (emitter)
    out = reference(**setup_inputs())
    print(out.shape, out.dtype)

if __name__ == "__main__":
    import jax
    _d = setup_inputs()
    print(jax.jit(kernel)(*tuple(_d.values())))

</pallas_src>

<mosaic_0001>
#map = affine_map<(d0, d1) -> (0, 0)>
#map1 = affine_map<(d0, d1) -> (0, 0, 0)>
module attributes {stable_mosaic.version = 14 : i64} {
  func.func @_sc_gather_body(%arg0: i32, %arg1: i32, %arg2: memref<50000x128xf32, #tpu.memory_space<hbm>>, %arg3: memref<32x625x40xi32, #tpu.memory_space<hbm>>, %arg4: memref<800000x128xf32, #tpu.memory_space<hbm>>, %arg5: memref<50000x128xf32, #tpu.memory_space<hbm>>, %arg6: memref<625x40xi32, #tpu.memory_space<vmem>>, %arg7: memref<5x40x128xf32, #tpu.memory_space<vmem>>, %arg8: memref<5x!tpu.dma_semaphore, #tpu.memory_space<semaphore_mem>>, %arg9: memref<5x!tpu.dma_semaphore, #tpu.memory_space<semaphore_mem>>) attributes {dimension_semantics = [#tpu.dimension_semantics<core_parallel>, #tpu.dimension_semantics<subcore_parallel>], iteration_bounds = array<i64: 2, 16>, scalar_prefetch = 0 : i64, scratch_operands = 5 : i64, tpu.core_type = #tpu.core_type<sc_vector_subcore>, window_params = [{transform_indices = #map}, {transform_indices = #map1}, {transform_indices = #map}]} {
    %mul3A = arith.constant 2 : i32
    %mul3A_0 = arith.muli %arg1, %mul3A : i32
    %add3A = arith.addi %mul3A_0, %arg0 : i32
    %mul3A_1 = arith.constant 25000 : i32
    %mul3A_2 = arith.muli %add3A, %mul3A_1 : i32
    "tpu.region"() ({
      %run_scoped3A = tpu.sem_alloc : memref<!tpu.dma_semaphore, #tpu.memory_space<semaphore_mem>>
      %dma_start3A = arith.constant 0 : i32
      %dma_start3A_125 = arith.constant 0 : i32
      %dma_start3A_126 = tpu.memref_slice %arg3[%add3A, %dma_start3A, %dma_start3A_125] : memref<32x625x40xi32, #tpu.memory_space<hbm>> -> memref<1x625x40xi32, #tpu.memory_space<hbm>>
      %dma_start3A_127 = tpu.memref_squeeze %dma_start3A_126 : memref<1x625x40xi32, #tpu.memory_space<hbm>> -> memref<625x40xi32, #tpu.memory_space<hbm>>
      %dma_start3A_128 = arith.constant 0 : i32
      %dma_start3A_129 = arith.constant 0 : i32
      %dma_start3A_130 = tpu.memref_slice %arg3[%add3A, %dma_start3A_128, %dma_start3A_129] : memref<32x625x40xi32, #tpu.memory_space<hbm>> -> memref<1x625x40xi32, #tpu.memory_space<hbm>>
      %dma_start3A_131 = tpu.memref_squeeze %dma_start3A_130 : memref<1x625x40xi32, #tpu.memory_space<hbm>> -> memref<625x40xi32, #tpu.memory_space<hbm>>
      tpu.enqueue_dma source(%dma_start3A_131 : memref<625x40xi32, #tpu.memory_space<hbm>>) target(%arg6 : memref<625x40xi32, #tpu.memory_space<vmem>>) target_semaphore(%run_scoped3A : memref<!tpu.dma_semaphore, #tpu.memory_space<semaphore_mem>>)
      %dma_wait3A_132 = arith.constant 0 : i32
      %dma_wait3A_133 = arith.constant 0 : i32
      %dma_wait3A_134 = tpu.memref_slice %arg3[%add3A, %dma_wait3A_132, %dma_wait3A_133] : memref<32x625x40xi32, #tpu.memory_space<hbm>> -> memref<1x625x40xi32, #tpu.memory_space<hbm>>
      %dma_wait3A_135 = tpu.memref_squeeze %dma_wait3A_134 : memref<1x625x40xi32, #tpu.memory_space<hbm>> -> memref<625x40xi32, #tpu.memory_space<hbm>>
      %dma_wait3A_136 = arith.constant 0 : i32
      %dma_wait3A_137 = arith.constant 0 : i32
      %dma_wait3A_138 = tpu.memref_slice %arg3[%add3A, %dma_wait3A_136, %dma_wait3A_137] : memref<32x625x40xi32, #tpu.memory_space<hbm>> -> memref<1x625x40xi32, #tpu.memory_space<hbm>>
      %dma_wait3A_139 = tpu.memref_squeeze %dma_wait3A_138 : memref<1x625x40xi32, #tpu.memory_space<hbm>> -> memref<625x40xi32, #tpu.memory_space<hbm>>
      tpu.wait_dma2 semaphore(%run_scoped3A : memref<!tpu.dma_semaphore, #tpu.memory_space<semaphore_mem>>) src(%dma_wait3A_139 : memref<625x40xi32, #tpu.memory_space<hbm>>) dst(%arg6 : memref<625x40xi32, #tpu.memory_space<vmem>>)
      tpu.yield
    }) : () -> ()
    %scan3A = arith.constant 0 : i32
    %scan3A_3 = arith.constant 0 : i32
    %scan3A_4 = arith.constant 16 : i32
    %scan3A_5 = arith.addi %scan3A_3, %scan3A_4 : i32
    %scan3A_6 = arith.constant 1 : i32
    scf.for %scan3A_125 = %scan3A_3 to %scan3A_5 step %scan3A_6  : i32 {
      %sub3A = arith.constant 1 : i32
      %sub3A_126 = arith.subi %scan3A_125, %sub3A : i32
      %mul3A_127 = arith.constant 5 : i32
      %mul3A_128 = arith.muli %sub3A_126, %mul3A_127 : i32
      %add3A_129 = arith.constant 0 : i32
      %add3A_130 = arith.addi %mul3A_128, %add3A_129 : i32
      %mul3A_131 = arith.constant 16 : i32
      %mul3A_132 = arith.muli %add3A_130, %mul3A_131 : i32
      %add3A_133 = arith.addi %mul3A_132, %arg1 : i32
      %mul3A_134 = arith.constant 5 : i32
      %mul3A_135 = arith.muli %scan3A_125, %mul3A_134 : i32
      %add3A_136 = arith.constant 0 : i32
      %add3A_137 = arith.addi %mul3A_135, %add3A_136 : i32
      %mul3A_138 = arith.constant 16 : i32
      %mul3A_139 = arith.muli %add3A_137, %mul3A_138 : i32
      %add3A_140 = arith.addi %mul3A_139, %arg1 : i32
      %gt3A = arith.constant 0 : i32
      %gt3A_141 = arith.cmpi sgt, %scan3A_125, %gt3A : i32
      %lt3A_142 = arith.constant 1250 : i32
      %lt3A_143 = arith.cmpi slt, %add3A_133, %lt3A_142 : i32
      %and3A = arith.andi %gt3A_141, %lt3A_143 : i1
      %convert_element_type3A_144 = arith.extui %and3A : i1 to i32
      %cond3A_145 = arith.constant 0 : i32
      %cond3A_146 = arith.cmpi ne, %convert_element_type3A_144, %cond3A_145 : i32
      scf.if %cond3A_146 {
        %mul3A_328 = arith.constant 40 : i32
        %mul3A_329 = arith.muli %add3A_133, %mul3A_328 : i32
        %dma_wait3A_330 = arith.constant 0 : i32
        %dma_wait3A_331 = arith.constant 0 : i32
        %dma_wait3A_332 = arith.constant 0 : i32
        %dma_wait3A_333 = arith.constant 0 : i32
        %dma_wait3A_334 = tpu.memref_slice %arg7[%dma_wait3A_330, %dma_wait3A_332, %dma_wait3A_333] : memref<5x40x128xf32, #tpu.memory_space<vmem>> -> memref<1x40x128xf32, #tpu.memory_space<vmem>>
        %dma_wait3A_335 = tpu.memref_squeeze %dma_wait3A_334 : memref<1x40x128xf32, #tpu.memory_space<vmem>> -> memref<40x128xf32, #tpu.memory_space<vmem>>
        %dma_wait3A_336 = arith.constant 0 : i32
        %dma_wait3A_337 = tpu.memref_slice %arg5[%mul3A_329, %dma_wait3A_336] : memref<50000x128xf32, #tpu.memory_space<hbm>> -> memref<40x128xf32, #tpu.memory_space<hbm>>
        %dma_wait3A_338 = tpu.memref_slice %arg9[%dma_wait3A_331] : memref<5x!tpu.dma_semaphore, #tpu.memory_space<semaphore_mem>> -> memref<1x!tpu.dma_semaphore, #tpu.memory_space<semaphore_mem>>
        %dma_wait3A_339 = tpu.memref_squeeze %dma_wait3A_338 : memref<1x!tpu.dma_semaphore, #tpu.memory_space<semaphore_mem>> -> memref<!tpu.dma_semaphore, #tpu.memory_space<semaphore_mem>>
        %dma_wait3A_340 = arith.constant 0 : i32
        %dma_wait3A_341 = tpu.memref_slice %arg5[%mul3A_329, %dma_wait3A_340] : memref<50000x128xf32, #tpu.memory_space<hbm>> -> memref<40x128xf32, #tpu.memory_space<hbm>>
        %dma_wait3A_342 = arith.constant 0 : i32
        %dma_wait3A_343 = arith.constant 0 : i32
        %dma_wait3A_344 = tpu.memref_slice %arg7[%dma_wait3A_330, %dma_wait3A_342, %dma_wait3A_343] : memref<5x40x128xf32, #tpu.memory_space<vmem>> -> memref<1x40x128xf32, #tpu.memory_space<vmem>>
        %dma_wait3A_345 = tpu.memref_squeeze %dma_wait3A_344 : memref<1x40x128xf32, #tpu.memory_space<vmem>> -> memref<40x128xf32, #tpu.memory_space<vmem>>
        tpu.wait_dma2 semaphore(%dma_wait3A_339 : memref<!tpu.dma_semaphore, #tpu.memory_space<semaphore_mem>>) src(%dma_wait3A_345 : memref<40x128xf32, #tpu.memory_space<vmem>>) dst(%dma_wait3A_341 : memref<40x128xf32, #tpu.memory_space<hbm>>)
      } else {
      }
      %lt3A_147 = arith.constant 1250 : i32
      %lt3A_148 = arith.cmpi slt, %add3A_140, %lt3A_147 : i32
      %convert_element_type3A_149 = arith.extui %lt3A_148 : i1 to i32
      %cond3A_150 = arith.constant 0 : i32
      %cond3A_151 = arith.cmpi ne, %convert_element_type3A_149, %cond3A_150 : i32
      scf.if %cond3A_151 {
        %mul3A_328 = arith.constant 40 : i32
        %mul3A_329 = arith.muli %add3A_140, %mul3A_328 : i32
        %dma_start3A = arith.constant 0 : i32
        %dma_start3A_330 = arith.constant 0 : i32
        %dma_start3A_331 = arith.constant 0 : i32
        %dma_start3A_332 = arith.constant 0 : i32
        %dma_start3A_333 = tpu.memref_slice %arg7[%dma_start3A, %dma_start3A_331, %dma_start3A_332] : memref<5x40x128xf32, #tpu.memory_space<vmem>> -> memref<1x40x128xf32, #tpu.memory_space<vmem>>
        %dma_start3A_334 = tpu.memref_squeeze %dma_start3A_333 : memref<1x40x128xf32, #tpu.memory_space<vmem>> -> memref<40x128xf32, #tpu.memory_space<vmem>>
        %dma_start3A_335 = arith.constant 0 : i32
        %dma_start3A_336 = tpu.memref_slice %arg2[%mul3A_329, %dma_start3A_335] : memref<50000x128xf32, #tpu.memory_space<hbm>> -> memref<40x128xf32, #tpu.memory_space<hbm>>
        %dma_start3A_337 = tpu.memref_slice %arg8[%dma_start3A_330] : memref<5x!tpu.dma_semaphore, #tpu.memory_space<semaphore_mem>> -> memref<1x!tpu.dma_semaphore, #tpu.memory_space<semaphore_mem>>
        %dma_start3A_338 = tpu.memref_squeeze %dma_start3A_337 : memref<1x!tpu.dma_semaphore, #tpu.memory_space<semaphore_mem>> -> memref<!tpu.dma_semaphore, #tpu.memory_space<semaphore_mem>>
        %dma_start3A_339 = arith.constant 0 : i32
        %dma_start3A_340 = arith.constant 0 : i32
        %dma_start3A_341 = tpu.memref_slice %arg7[%dma_start3A, %dma_start3A_339, %dma_start3A_340] : memref<5x40x128xf32, #tpu.memory_space<vmem>> -> memref<1x40x128xf32, #tpu.memory_space<vmem>>
        %dma_start3A_342 = tpu.memref_squeeze %dma_start3A_341 : memref<1x40x128xf32, #tpu.memory_space<vmem>> -> memref<40x128xf32, #tpu.memory_space<vmem>>
        %dma_start3A_343 = arith.constant 0 : i32
        %dma_start3A_344 = tpu.memref_slice %arg2[%mul3A_329, %dma_start3A_343] : memref<50000x128xf32, #tpu.memory_space<hbm>> -> memref<40x128xf32, #tpu.memory_space<hbm>>
        tpu.enqueue_dma source(%dma_start3A_344 : memref<40x128xf32, #tpu.memory_space<hbm>>) target(%dma_start3A_342 : memref<40x128xf32, #tpu.memory_space<vmem>>) target_semaphore(%dma_start3A_338 : memref<!tpu.dma_semaphore, #tpu.memory_space<semaphore_mem>>)
      } else {
      }
      %sub3A_152 = arith.constant 1 : i32
      %sub3A_153 = arith.subi %scan3A_125, %sub3A_152 : i32
      %mul3A_154 = arith.constant 5 : i32
      %mul3A_155 = arith.muli %sub3A_153, %mul3A_154 : i32
      %add3A_156 = arith.constant 1 : i32
      %add3A_157 = arith.addi %mul3A_155, %add3A_156 : i32
      %mul3A_158 = arith.constant 16 : i32
      %mul3A_159 = arith.muli %add3A_157, %mul3A_158 : i32
      %add3A_160 = arith.addi %mul3A_159, %arg1 : i32
      %mul3A_161 = arith.constant 5 : i32
      %mul3A_162 = arith.muli %scan3A_125, %mul3A_161 : i32
      %add3A_163 = arith.constant 1 : i32
      %add3A_164 = arith.addi %mul3A_162, %add3A_163 : i32
      %mul3A_165 = arith.constant 16 : i32
      %mul3A_166 = arith.muli %add3A_164, %mul3A_165 : i32
      %add3A_167 = arith.addi %mul3A_166, %arg1 : i32
      %gt3A_168 = arith.constant 0 : i32
      %gt3A_169 = arith.cmpi sgt, %scan3A_125, %gt3A_168 : i32
      %lt3A_170 = arith.constant 1250 : i32
      %lt3A_171 = arith.cmpi slt, %add3A_160, %lt3A_170 : i32
      %and3A_172 = arith.andi %gt3A_169, %lt3A_171 : i1
      %convert_element_type3A_173 = arith.extui %and3A_172 : i1 to i32
      %cond3A_174 = arith.constant 0 : i32
      %cond3A_175 = arith.cmpi ne, %convert_element_type3A_173, %cond3A_174 : i32
      scf.if %cond3A_175 {
        %mul3A_328 = arith.constant 40 : i32
        %mul3A_329 = arith.muli %add3A_160, %mul3A_328 : i32
        %dma_wait3A_330 = arith.constant 1 : i32
        %dma_wait3A_331 = arith.constant 1 : i32
        %dma_wait3A_332 = arith.constant 0 : i32
        %dma_wait3A_333 = arith.constant 0 : i32
        %dma_wait3A_334 = tpu.memref_slice %arg7[%dma_wait3A_330, %dma_wait3A_332, %dma_wait3A_333] : memref<5x40x128xf32, #tpu.memory_space<vmem>> -> memref<1x40x128xf32, #tpu.memory_space<vmem>>
        %dma_wait3A_335 = tpu.memref_squeeze %dma_wait3A_334 : memref<1x40x128xf32, #tpu.memory_space<vmem>> -> memref<40x128xf32, #tpu.memory_space<vmem>>
        %dma_wait3A_336 = arith.constant 0 : i32
        %dma_wait3A_337 = tpu.memref_slice %arg5[%mul3A_329, %dma_wait3A_336] : memref<50000x128xf32, #tpu.memory_space<hbm>> -> memref<40x128xf32, #tpu.memory_space<hbm>>
        %dma_wait3A_338 = tpu.memref_slice %arg9[%dma_wait3A_331] : memref<5x!tpu.dma_semaphore, #tpu.memory_space<semaphore_mem>> -> memref<1x!tpu.dma_semaphore, #tpu.memory_space<semaphore_mem>>
        %dma_wait3A_339 = tpu.memref_squeeze %dma_wait3A_338 : memref<1x!tpu.dma_semaphore, #tpu.memory_space<semaphore_mem>> -> memref<!tpu.dma_semaphore, #tpu.memory_space<semaphore_mem>>
        %dma_wait3A_340 = arith.constant 0 : i32
        %dma_wait3A_341 = tpu.memref_slice %arg5[%mul3A_329, %dma_wait3A_340] : memref<50000x128xf32, #tpu.memory_space<hbm>> -> memref<40x128xf32, #tpu.memory_space<hbm>>
        %dma_wait3A_342 = arith.constant 0 : i32
        %dma_wait3A_343 = arith.constant 0 : i32
        %dma_wait3A_344 = tpu.memref_slice %arg7[%dma_wait3A_330, %dma_wait3A_342, %dma_wait3A_343] : memref<5x40x128xf32, #tpu.memory_space<vmem>> -> memref<1x40x128xf32, #tpu.memory_space<vmem>>
        %dma_wait3A_345 = tpu.memref_squeeze %dma_wait3A_344 : memref<1x40x128xf32, #tpu.memory_space<vmem>> -> memref<40x128xf32, #tpu.memory_space<vmem>>
        tpu.wait_dma2 semaphore(%dma_wait3A_339 : memref<!tpu.dma_semaphore, #tpu.memory_space<semaphore_mem>>) src(%dma_wait3A_345 : memref<40x128xf32, #tpu.memory_space<vmem>>) dst(%dma_wait3A_341 : memref<40x128xf32, #tpu.memory_space<hbm>>)
      } else {
      }
      %lt3A_176 = arith.constant 1250 : i32
      %lt3A_177 = arith.cmpi slt, %add3A_167, %lt3A_176 : i32
      %convert_element_type3A_178 = arith.extui %lt3A_177 : i1 to i32
      %cond3A_179 = arith.constant 0 : i32
      %cond3A_180 = arith.cmpi ne, %convert_element_type3A_178, %cond3A_179 : i32
      scf.if %cond3A_180 {
        %mul3A_328 = arith.constant 40 : i32
        %mul3A_329 = arith.muli %add3A_167, %mul3A_328 : i32
        %dma_start3A = arith.constant 1 : i32
        %dma_start3A_330 = arith.constant 1 : i32
        %dma_start3A_331 = arith.constant 0 : i32
        %dma_start3A_332 = arith.constant 0 : i32
        %dma_start3A_333 = tpu.memref_slice %arg7[%dma_start3A, %dma_start3A_331, %dma_start3A_332] : memref<5x40x128xf32, #tpu.memory_space<vmem>> -> memref<1x40x128xf32, #tpu.memory_space<vmem>>
        %dma_start3A_334 = tpu.memref_squeeze %dma_start3A_333 : memref<1x40x128xf32, #tpu.memory_space<vmem>> -> memref<40x128xf32, #tpu.memory_space<vmem>>
        %dma_start3A_335 = arith.constant 0 : i32
        %dma_start3A_336 = tpu.memref_slice %arg2[%mul3A_329, %dma_start3A_335] : memref<50000x128xf32, #tpu.memory_space<hbm>> -> memref<40x128xf32, #tpu.memory_space<hbm>>
        %dma_start3A_337 = tpu.memref_slice %arg8[%dma_start3A_330] : memref<5x!tpu.dma_semaphore, #tpu.memory_space<semaphore_mem>> -> memref<1x!tpu.dma_semaphore, #tpu.memory_space<semaphore_mem>>
        %dma_start3A_338 = tpu.memref_squeeze %dma_start3A_337 : memref<1x!tpu.dma_semaphore, #tpu.memory_space<semaphore_mem>> -> memref<!tpu.dma_semaphore, #tpu.memory_space<semaphore_mem>>
        %dma_start3A_339 = arith.constant 0 : i32
        %dma_start3A_340 = arith.constant 0 : i32
        %dma_start3A_341 = tpu.memref_slice %arg7[%dma_start3A, %dma_start3A_339, %dma_start3A_340] : memref<5x40x128xf32, #tpu.memory_space<vmem>> -> memref<1x40x128xf32, #tpu.memory_space<vmem>>
        %dma_start3A_342 = tpu.memref_squeeze %dma_start3A_341 : memref<1x40x128xf32, #tpu.memory_space<vmem>> -> memref<40x128xf32, #tpu.memory_space<vmem>>
        %dma_start3A_343 = arith.constant 0 : i32
        %dma_start3A_344 = tpu.memref_slice %arg2[%mul3A_329, %dma_start3A_343] : memref<50000x128xf32, #tpu.memory_space<hbm>> -> memref<40x128xf32, #tpu.memory_space<hbm>>
        tpu.enqueue_dma source(%dma_start3A_344 : memref<40x128xf32, #tpu.memory_space<hbm>>) target(%dma_start3A_342 : memref<40x128xf32, #tpu.memory_space<vmem>>) target_semaphore(%dma_start3A_338 : memref<!tpu.dma_semaphore, #tpu.memory_space<semaphore_mem>>)
      } else {
      }
      %sub3A_181 = arith.constant 1 : i32
      %sub3A_182 = arith.subi %scan3A_125, %sub3A_181 : i32
      %mul3A_183 = arith.constant 5 : i32
      %mul3A_184 = arith.muli %sub3A_182, %mul3A_183 : i32
      %add3A_185 = arith.constant 2 : i32
      %add3A_186 = arith.addi %mul3A_184, %add3A_185 : i32
      %mul3A_187 = arith.constant 16 : i32
      %mul3A_188 = arith.muli %add3A_186, %mul3A_187 : i32
      %add3A_189 = arith.addi %mul3A_188, %arg1 : i32
      %mul3A_190 = arith.constant 5 : i32
      %mul3A_191 = arith.muli %scan3A_125, %mul3A_190 : i32
      %add3A_192 = arith.constant 2 : i32
      %add3A_193 = arith.addi %mul3A_191, %add3A_192 : i32
      %mul3A_194 = arith.constant 16 : i32
      %mul3A_195 = arith.muli %add3A_193, %mul3A_194 : i32
      %add3A_196 = arith.addi %mul3A_195, %arg1 : i32
      %gt3A_197 = arith.constant 0 : i32
      %gt3A_198 = arith.cmpi sgt, %scan3A_125, %gt3A_197 : i32
      %lt3A_199 = arith.constant 1250 : i32
      %lt3A_200 = arith.cmpi slt, %add3A_189, %lt3A_199 : i32
      %and3A_201 = arith.andi %gt3A_198, %lt3A_200 : i1
      %convert_element_type3A_202 = arith.extui %and3A_201 : i1 to i32
      %cond3A_203 = arith.constant 0 : i32
      %cond3A_204 = arith.cmpi ne, %convert_element_type3A_202, %cond3A_203 : i32
      scf.if %cond3A_204 {
        %mul3A_328 = arith.constant 40 : i32
        %mul3A_329 = arith.muli %add3A_189, %mul3A_328 : i32
        %dma_wait3A_330 = arith.constant 2 : i32
        %dma_wait3A_331 = arith.constant 2 : i32
        %dma_wait3A_332 = arith.constant 0 : i32
        %dma_wait3A_333 = arith.constant 0 : i32
        %dma_wait3A_334 = tpu.memref_slice %arg7[%dma_wait3A_330, %dma_wait3A_332, %dma_wait3A_333] : memref<5x40x128xf32, #tpu.memory_space<vmem>> -> memref<1x40x128xf32, #tpu.memory_space<vmem>>
        %dma_wait3A_335 = tpu.memref_squeeze %dma_wait3A_334 : memref<1x40x128xf32, #tpu.memory_space<vmem>> -> memref<40x128xf32, #tpu.memory_space<vmem>>
        %dma_wait3A_336 = arith.constant 0 : i32
        %dma_wait3A_337 = tpu.memref_slice %arg5[%mul3A_329, %dma_wait3A_336] : memref<50000x128xf32, #tpu.memory_space<hbm>> -> memref<40x128xf32, #tpu.memory_space<hbm>>
        %dma_wait3A_338 = tpu.memref_slice %arg9[%dma_wait3A_331] : memref<5x!tpu.dma_semaphore, #tpu.memory_space<semaphore_mem>> -> memref<1x!tpu.dma_semaphore, #tpu.memory_space<semaphore_mem>>
        %dma_wait3A_339 = tpu.memref_squeeze %dma_wait3A_338 : memref<1x!tpu.dma_semaphore, #tpu.memory_space<semaphore_mem>> -> memref<!tpu.dma_semaphore, #tpu.memory_space<semaphore_mem>>
        %dma_wait3A_340 = arith.constant 0 : i32
        %dma_wait3A_341 = tpu.memref_slice %arg5[%mul3A_329, %dma_wait3A_340] : memref<50000x128xf32, #tpu.memory_space<hbm>> -> memref<40x128xf32, #tpu.memory_space<hbm>>
        %dma_wait3A_342 = arith.constant 0 : i32
        %dma_wait3A_343 = arith.constant 0 : i32
        %dma_wait3A_344 = tpu.memref_slice %arg7[%dma_wait3A_330, %dma_wait3A_342, %dma_wait3A_343] : memref<5x40x128xf32, #tpu.memory_space<vmem>> -> memref<1x40x128xf32, #tpu.memory_space<vmem>>
        %dma_wait3A_345 = tpu.memref_squeeze %dma_wait3A_344 : memref<1x40x128xf32, #tpu.memory_space<vmem>> -> memref<40x128xf32, #tpu.memory_space<vmem>>
        tpu.wait_dma2 semaphore(%dma_wait3A_339 : memref<!tpu.dma_semaphore, #tpu.memory_space<semaphore_mem>>) src(%dma_wait3A_345 : memref<40x128xf32, #tpu.memory_space<vmem>>) dst(%dma_wait3A_341 : memref<40x128xf32, #tpu.memory_space<hbm>>)
      } else {
      }
      %lt3A_205 = arith.constant 1250 : i32
      %lt3A_206 = arith.cmpi slt, %add3A_196, %lt3A_205 : i32
      %convert_element_type3A_207 = arith.extui %lt3A_206 : i1 to i32
      %cond3A_208 = arith.constant 0 : i32
      %cond3A_209 = arith.cmpi ne, %convert_element_type3A_207, %cond3A_208 : i32
      scf.if %cond3A_209 {
        %mul3A_328 = arith.constant 40 : i32
        %mul3A_329 = arith.muli %add3A_196, %mul3A_328 : i32
        %dma_start3A = arith.constant 2 : i32
        %dma_start3A_330 = arith.constant 2 : i32
        %dma_start3A_331 = arith.constant 0 : i32
        %dma_start3A_332 = arith.constant 0 : i32
        %dma_start3A_333 = tpu.memref_slice %arg7[%dma_start3A, %dma_start3A_331, %dma_start3A_332] : memref<5x40x128xf32, #tpu.memory_space<vmem>> -> memref<1x40x128xf32, #tpu.memory_space<vmem>>
        %dma_start3A_334 = tpu.memref_squeeze %dma_start3A_333 : memref<1x40x128xf32, #tpu.memory_space<vmem>> -> memref<40x128xf32, #tpu.memory_space<vmem>>
        %dma_start3A_335 = arith.constant 0 : i32
        %dma_start3A_336 = tpu.memref_slice %arg2[%mul3A_329, %dma_start3A_335] : memref<50000x128xf32, #tpu.memory_space<hbm>> -> memref<40x128xf32, #tpu.memory_space<hbm>>
        %dma_start3A_337 = tpu.memref_slice %arg8[%dma_start3A_330] : memref<5x!tpu.dma_semaphore, #tpu.memory_space<semaphore_mem>> -> memref<1x!tpu.dma_semaphore, #tpu.memory_space<semaphore_mem>>
        %dma_start3A_338 = tpu.memref_squeeze %dma_start3A_337 : memref<1x!tpu.dma_semaphore, #tpu.memory_space<semaphore_mem>> -> memref<!tpu.dma_semaphore, #tpu.memory_space<semaphore_mem>>
        %dma_start3A_339 = arith.constant 0 : i32
        %dma_start3A_340 = arith.constant 0 : i32
        %dma_start3A_341 = tpu.memref_slice %arg7[%dma_start3A, %dma_start3A_339, %dma_start3A_340] : memref<5x40x128xf32, #tpu.memory_space<vmem>> -> memref<1x40x128xf32, #tpu.memory_space<vmem>>
        %dma_start3A_342 = tpu.memref_squeeze %dma_start3A_341 : memref<1x40x128xf32, #tpu.memory_space<vmem>> -> memref<40x128xf32, #tpu.memory_space<vmem>>
        %dma_start3A_343 = arith.constant 0 : i32
        %dma_start3A_344 = tpu.memref_slice %arg2[%mul3A_329, %dma_start3A_343] : memref<50000x128xf32, #tpu.memory_space<hbm>> -> memref<40x128xf32, #tpu.memory_space<hbm>>
        tpu.enqueue_dma source(%dma_start3A_344 : memref<40x128xf32, #tpu.memory_space<hbm>>) target(%dma_start3A_342 : memref<40x128xf32, #tpu.memory_space<vmem>>) target_semaphore(%dma_start3A_338 : memref<!tpu.dma_semaphore, #tpu.memory_space<semaphore_mem>>)
      } else {
      }
      %sub3A_210 = arith.constant 1 : i32
      %sub3A_211 = arith.subi %scan3A_125, %sub3A_210 : i32
      %mul3A_212 = arith.constant 5 : i32
      %mul3A_213 = arith.muli %sub3A_211, %mul3A_212 : i32
      %add3A_214 = arith.constant 3 : i32
      %add3A_215 = arith.addi %mul3A_213, %add3A_214 : i32
      %mul3A_216 = arith.constant 16 : i32
      %mul3A_217 = arith.muli %add3A_215, %mul3A_216 : i32
      %add3A_218 = arith.addi %mul3A_217, %arg1 : i32
      %mul3A_219 = arith.constant 5 : i32
      %mul3A_220 = arith.muli %scan3A_125, %mul3A_219 : i32
      %add3A_221 = arith.constant 3 : i32
      %add3A_222 = arith.addi %mul3A_220, %add3A_221 : i32
      %mul3A_223 = arith.constant 16 : i32
      %mul3A_224 = arith.muli %add3A_222, %mul3A_223 : i32
      %add3A_225 = arith.addi %mul3A_224, %arg1 : i32
      %gt3A_226 = arith.constant 0 : i32
      %gt3A_227 = arith.cmpi sgt, %scan3A_125, %gt3A_226 : i32
      %lt3A_228 = arith.constant 1250 : i32
      %lt3A_229 = arith.cmpi slt, %add3A_218, %lt3A_228 : i32
      %and3A_230 = arith.andi %gt3A_227, %lt3A_229 : i1
      %convert_element_type3A_231 = arith.extui %and3A_230 : i1 to i32
      %cond3A_232 = arith.constant 0 : i32
      %cond3A_233 = arith.cmpi ne, %convert_element_type3A_231, %cond3A_232 : i32
      scf.if %cond3A_233 {
        %mul3A_328 = arith.constant 40 : i32
        %mul3A_329 = arith.muli %add3A_218, %mul3A_328 : i32
        %dma_wait3A_330 = arith.constant 3 : i32
        %dma_wait3A_331 = arith.constant 3 : i32
        %dma_wait3A_332 = arith.constant 0 : i32
        %dma_wait3A_333 = arith.constant 0 : i32
        %dma_wait3A_334 = tpu.memref_slice %arg7[%dma_wait3A_330, %dma_wait3A_332, %dma_wait3A_333] : memref<5x40x128xf32, #tpu.memory_space<vmem>> -> memref<1x40x128xf32, #tpu.memory_space<vmem>>
        %dma_wait3A_335 = tpu.memref_squeeze %dma_wait3A_334 : memref<1x40x128xf32, #tpu.memory_space<vmem>> -> memref<40x128xf32, #tpu.memory_space<vmem>>
        %dma_wait3A_336 = arith.constant 0 : i32
        %dma_wait3A_337 = tpu.memref_slice %arg5[%mul3A_329, %dma_wait3A_336] : memref<50000x128xf32, #tpu.memory_space<hbm>> -> memref<40x128xf32, #tpu.memory_space<hbm>>
        %dma_wait3A_338 = tpu.memref_slice %arg9[%dma_wait3A_331] : memref<5x!tpu.dma_semaphore, #tpu.memory_space<semaphore_mem>> -> memref<1x!tpu.dma_semaphore, #tpu.memory_space<semaphore_mem>>
        %dma_wait3A_339 = tpu.memref_squeeze %dma_wait3A_338 : memref<1x!tpu.dma_semaphore, #tpu.memory_space<semaphore_mem>> -> memref<!tpu.dma_semaphore, #tpu.memory_space<semaphore_mem>>
        %dma_wait3A_340 = arith.constant 0 : i32
        %dma_wait3A_341 = tpu.memref_slice %arg5[%mul3A_329, %dma_wait3A_340] : memref<50000x128xf32, #tpu.memory_space<hbm>> -> memref<40x128xf32, #tpu.memory_space<hbm>>
        %dma_wait3A_342 = arith.constant 0 : i32
        %dma_wait3A_343 = arith.constant 0 : i32
        %dma_wait3A_344 = tpu.memref_slice %arg7[%dma_wait3A_330, %dma_wait3A_342, %dma_wait3A_343] : memref<5x40x128xf32, #tpu.memory_space<vmem>> -> memref<1x40x128xf32, #tpu.memory_space<vmem>>
        %dma_wait3A_345 = tpu.memref_squeeze %dma_wait3A_344 : memref<1x40x128xf32, #tpu.memory_space<vmem>> -> memref<40x128xf32, #tpu.memory_space<vmem>>
        tpu.wait_dma2 semaphore(%dma_wait3A_339 : memref<!tpu.dma_semaphore, #tpu.memory_space<semaphore_mem>>) src(%dma_wait3A_345 : memref<40x128xf32, #tpu.memory_space<vmem>>) dst(%dma_wait3A_341 : memref<40x128xf32, #tpu.memory_space<hbm>>)
      } else {
      }
      %lt3A_234 = arith.constant 1250 : i32
      %lt3A_235 = arith.cmpi slt, %add3A_225, %lt3A_234 : i32
      %convert_element_type3A_236 = arith.extui %lt3A_235 : i1 to i32
      %cond3A_237 = arith.constant 0 : i32
      %cond3A_238 = arith.cmpi ne, %convert_element_type3A_236, %cond3A_237 : i32
      scf.if %cond3A_238 {
        %mul3A_328 = arith.constant 40 : i32
        %mul3A_329 = arith.muli %add3A_225, %mul3A_328 : i32
        %dma_start3A = arith.constant 3 : i32
        %dma_start3A_330 = arith.constant 3 : i32
        %dma_start3A_331 = arith.constant 0 : i32
        %dma_start3A_332 = arith.constant 0 : i32
        %dma_start3A_333 = tpu.memref_slice %arg7[%dma_start3A, %dma_start3A_331, %dma_start3A_332] : memref<5x40x128xf32, #tpu.memory_space<vmem>> -> memref<1x40x128xf32, #tpu.memory_space<vmem>>
        %dma_start3A_334 = tpu.memref_squeeze %dma_start3A_333 : memref<1x40x128xf32, #tpu.memory_space<vmem>> -> memref<40x128xf32, #tpu.memory_space<vmem>>
        %dma_start3A_335 = arith.constant 0 : i32
        %dma_start3A_336 = tpu.memref_slice %arg2[%mul3A_329, %dma_start3A_335] : memref<50000x128xf32, #tpu.memory_space<hbm>> -> memref<40x128xf32, #tpu.memory_space<hbm>>
        %dma_start3A_337 = tpu.memref_slice %arg8[%dma_start3A_330] : memref<5x!tpu.dma_semaphore, #tpu.memory_space<semaphore_mem>> -> memref<1x!tpu.dma_semaphore, #tpu.memory_space<semaphore_mem>>
        %dma_start3A_338 = tpu.memref_squeeze %dma_start3A_337 : memref<1x!tpu.dma_semaphore, #tpu.memory_space<semaphore_mem>> -> memref<!tpu.dma_semaphore, #tpu.memory_space<semaphore_mem>>
        %dma_start3A_339 = arith.constant 0 : i32
        %dma_start3A_340 = arith.constant 0 : i32
        %dma_start3A_341 = tpu.memref_slice %arg7[%dma_start3A, %dma_start3A_339, %dma_start3A_340] : memref<5x40x128xf32, #tpu.memory_space<vmem>> -> memref<1x40x128xf32, #tpu.memory_space<vmem>>
        %dma_start3A_342 = tpu.memref_squeeze %dma_start3A_341 : memref<1x40x128xf32, #tpu.memory_space<vmem>> -> memref<40x128xf32, #tpu.memory_space<vmem>>
        %dma_start3A_343 = arith.constant 0 : i32
        %dma_start3A_344 = tpu.memref_slice %arg2[%mul3A_329, %dma_start3A_343] : memref<50000x128xf32, #tpu.memory_space<hbm>> -> memref<40x128xf32, #tpu.memory_space<hbm>>
        tpu.enqueue_dma source(%dma_start3A_344 : memref<40x128xf32, #tpu.memory_space<hbm>>) target(%dma_start3A_342 : memref<40x128xf32, #tpu.memory_space<vmem>>) target_semaphore(%dma_start3A_338 : memref<!tpu.dma_semaphore, #tpu.memory_space<semaphore_mem>>)
      } else {
      }
      %sub3A_239 = arith.constant 1 : i32
      %sub3A_240 = arith.subi %scan3A_125, %sub3A_239 : i32
      %mul3A_241 = arith.constant 5 : i32
      %mul3A_242 = arith.muli %sub3A_240, %mul3A_241 : i32
      %add3A_243 = arith.constant 4 : i32
      %add3A_244 = arith.addi %mul3A_242, %add3A_243 : i32
      %mul3A_245 = arith.constant 16 : i32
      %mul3A_246 = arith.muli %add3A_244, %mul3A_245 : i32
      %add3A_247 = arith.addi %mul3A_246, %arg1 : i32
      %mul3A_248 = arith.constant 5 : i32
      %mul3A_249 = arith.muli %scan3A_125, %mul3A_248 : i32
      %add3A_250 = arith.constant 4 : i32
      %add3A_251 = arith.addi %mul3A_249, %add3A_250 : i32
      %mul3A_252 = arith.constant 16 : i32
      %mul3A_253 = arith.muli %add3A_251, %mul3A_252 : i32
      %add3A_254 = arith.addi %mul3A_253, %arg1 : i32
      %gt3A_255 = arith.constant 0 : i32
      %gt3A_256 = arith.cmpi sgt, %scan3A_125, %gt3A_255 : i32
      %lt3A_257 = arith.constant 1250 : i32
      %lt3A_258 = arith.cmpi slt, %add3A_247, %lt3A_257 : i32
      %and3A_259 = arith.andi %gt3A_256, %lt3A_258 : i1
      %convert_element_type3A_260 = arith.extui %and3A_259 : i1 to i32
      %cond3A_261 = arith.constant 0 : i32
      %cond3A_262 = arith.cmpi ne, %convert_element_type3A_260, %cond3A_261 : i32
      scf.if %cond3A_262 {
        %mul3A_328 = arith.constant 40 : i32
        %mul3A_329 = arith.muli %add3A_247, %mul3A_328 : i32
        %dma_wait3A_330 = arith.constant 4 : i32
        %dma_wait3A_331 = arith.constant 4 : i32
        %dma_wait3A_332 = arith.constant 0 : i32
        %dma_wait3A_333 = arith.constant 0 : i32
        %dma_wait3A_334 = tpu.memref_slice %arg7[%dma_wait3A_330, %dma_wait3A_332, %dma_wait3A_333] : memref<5x40x128xf32, #tpu.memory_space<vmem>> -> memref<1x40x128xf32, #tpu.memory_space<vmem>>
        %dma_wait3A_335 = tpu.memref_squeeze %dma_wait3A_334 : memref<1x40x128xf32, #tpu.memory_space<vmem>> -> memref<40x128xf32, #tpu.memory_space<vmem>>
        %dma_wait3A_336 = arith.constant 0 : i32
        %dma_wait3A_337 = tpu.memref_slice %arg5[%mul3A_329, %dma_wait3A_336] : memref<50000x128xf32, #tpu.memory_space<hbm>> -> memref<40x128xf32, #tpu.memory_space<hbm>>
        %dma_wait3A_338 = tpu.memref_slice %arg9[%dma_wait3A_331] : memref<5x!tpu.dma_semaphore, #tpu.memory_space<semaphore_mem>> -> memref<1x!tpu.dma_semaphore, #tpu.memory_space<semaphore_mem>>
        %dma_wait3A_339 = tpu.memref_squeeze %dma_wait3A_338 : memref<1x!tpu.dma_semaphore, #tpu.memory_space<semaphore_mem>> -> memref<!tpu.dma_semaphore, #tpu.memory_space<semaphore_mem>>
        %dma_wait3A_340 = arith.constant 0 : i32
        %dma_wait3A_341 = tpu.memref_slice %arg5[%mul3A_329, %dma_wait3A_340] : memref<50000x128xf32, #tpu.memory_space<hbm>> -> memref<40x128xf32, #tpu.memory_space<hbm>>
        %dma_wait3A_342 = arith.constant 0 : i32
        %dma_wait3A_343 = arith.constant 0 : i32
        %dma_wait3A_344 = tpu.memref_slice %arg7[%dma_wait3A_330, %dma_wait3A_342, %dma_wait3A_343] : memref<5x40x128xf32, #tpu.memory_space<vmem>> -> memref<1x40x128xf32, #tpu.memory_space<vmem>>
        %dma_wait3A_345 = tpu.memref_squeeze %dma_wait3A_344 : memref<1x40x128xf32, #tpu.memory_space<vmem>> -> memref<40x128xf32, #tpu.memory_space<vmem>>
        tpu.wait_dma2 semaphore(%dma_wait3A_339 : memref<!tpu.dma_semaphore, #tpu.memory_space<semaphore_mem>>) src(%dma_wait3A_345 : memref<40x128xf32, #tpu.memory_space<vmem>>) dst(%dma_wait3A_341 : memref<40x128xf32, #tpu.memory_space<hbm>>)
      } else {
      }
      %lt3A_263 = arith.constant 1250 : i32
      %lt3A_264 = arith.cmpi slt, %add3A_254, %lt3A_263 : i32
      %convert_element_type3A_265 = arith.extui %lt3A_264 : i1 to i32
      %cond3A_266 = arith.constant 0 : i32
      %cond3A_267 = arith.cmpi ne, %convert_element_type3A_265, %cond3A_266 : i32
      scf.if %cond3A_267 {
        %mul3A_328 = arith.constant 40 : i32
        %mul3A_329 = arith.muli %add3A_254, %mul3A_328 : i32
        %dma_start3A = arith.constant 4 : i32
        %dma_start3A_330 = arith.constant 4 : i32
        %dma_start3A_331 = arith.constant 0 : i32
        %dma_start3A_332 = arith.constant 0 : i32
        %dma_start3A_333 = tpu.memref_slice %arg7[%dma_start3A, %dma_start3A_331, %dma_start3A_332] : memref<5x40x128xf32, #tpu.memory_space<vmem>> -> memref<1x40x128xf32, #tpu.memory_space<vmem>>
        %dma_start3A_334 = tpu.memref_squeeze %dma_start3A_333 : memref<1x40x128xf32, #tpu.memory_space<vmem>> -> memref<40x128xf32, #tpu.memory_space<vmem>>
        %dma_start3A_335 = arith.constant 0 : i32
        %dma_start3A_336 = tpu.memref_slice %arg2[%mul3A_329, %dma_start3A_335] : memref<50000x128xf32, #tpu.memory_space<hbm>> -> memref<40x128xf32, #tpu.memory_space<hbm>>
        %dma_start3A_337 = tpu.memref_slice %arg8[%dma_start3A_330] : memref<5x!tpu.dma_semaphore, #tpu.memory_space<semaphore_mem>> -> memref<1x!tpu.dma_semaphore, #tpu.memory_space<semaphore_mem>>
        %dma_start3A_338 = tpu.memref_squeeze %dma_start3A_337 : memref<1x!tpu.dma_semaphore, #tpu.memory_space<semaphore_mem>> -> memref<!tpu.dma_semaphore, #tpu.memory_space<semaphore_mem>>
        %dma_start3A_339 = arith.constant 0 : i32
        %dma_start3A_340 = arith.constant 0 : i32
        %dma_start3A_341 = tpu.memref_slice %arg7[%dma_start3A, %dma_start3A_339, %dma_start3A_340] : memref<5x40x128xf32, #tpu.memory_space<vmem>> -> memref<1x40x128xf32, #tpu.memory_space<vmem>>
        %dma_start3A_342 = tpu.memref_squeeze %dma_start3A_341 : memref<1x40x128xf32, #tpu.memory_space<vmem>> -> memref<40x128xf32, #tpu.memory_space<vmem>>
        %dma_start3A_343 = arith.constant 0 : i32
        %dma_start3A_344 = tpu.memref_slice %arg2[%mul3A_329, %dma_start3A_343] : memref<50000x128xf32, #tpu.memory_space<hbm>> -> memref<40x128xf32, #tpu.memory_space<hbm>>
        tpu.enqueue_dma source(%dma_start3A_344 : memref<40x128xf32, #tpu.memory_space<hbm>>) target(%dma_start3A_342 : memref<40x128xf32, #tpu.memory_space<vmem>>) target_semaphore(%dma_start3A_338 : memref<!tpu.dma_semaphore, #tpu.memory_space<semaphore_mem>>)
      } else {
      }
      %mul3A_268 = arith.constant 5 : i32
      %mul3A_269 = arith.muli %scan3A_125, %mul3A_268 : i32
      %add3A_270 = arith.constant 0 : i32
      %add3A_271 = arith.addi %mul3A_269, %add3A_270 : i32
      %mul3A_272 = arith.constant 16 : i32
      %mul3A_273 = arith.muli %add3A_271, %mul3A_272 : i32
      %add3A_274 = arith.addi %mul3A_273, %arg1 : i32
      %lt3A_275 = arith.constant 1250 : i32
      %lt3A_276 = arith.cmpi slt, %add3A_274, %lt3A_275 : i32
      %convert_element_type3A_277 = arith.extui %lt3A_276 : i1 to i32
      %cond3A_278 = arith.constant 0 : i32
      %cond3A_279 = arith.cmpi ne, %convert_element_type3A_277, %cond3A_278 : i32
      scf.if %cond3A_279 {
        %mul3A_328 = arith.constant 40 : i32
        %mul3A_329 = arith.muli %add3A_274, %mul3A_328 : i32
        %dma_wait3A_330 = arith.constant 0 : i32
        %dma_wait3A_331 = arith.constant 0 : i32
        %dma_wait3A_332 = arith.constant 0 : i32
        %dma_wait3A_333 = arith.constant 0 : i32
        %dma_wait3A_334 = tpu.memref_slice %arg7[%dma_wait3A_330, %dma_wait3A_332, %dma_wait3A_333] : memref<5x40x128xf32, #tpu.memory_space<vmem>> -> memref<1x40x128xf32, #tpu.memory_space<vmem>>
        %dma_wait3A_335 = tpu.memref_squeeze %dma_wait3A_334 : memref<1x40x128xf32, #tpu.memory_space<vmem>> -> memref<40x128xf32, #tpu.memory_space<vmem>>
        %dma_wait3A_336 = arith.constant 0 : i32
        %dma_wait3A_337 = tpu.memref_slice %arg2[%mul3A_329, %dma_wait3A_336] : memref<50000x128xf32, #tpu.memory_space<hbm>> -> memref<40x128xf32, #tpu.memory_space<hbm>>
        %dma_wait3A_338 = tpu.memref_slice %arg8[%dma_wait3A_331] : memref<5x!tpu.dma_semaphore, #tpu.memory_space<semaphore_mem>> -> memref<1x!tpu.dma_semaphore, #tpu.memory_space<semaphore_mem>>
        %dma_wait3A_339 = tpu.memref_squeeze %dma_wait3A_338 : memref<1x!tpu.dma_semaphore, #tpu.memory_space<semaphore_mem>> -> memref<!tpu.dma_semaphore, #tpu.memory_space<semaphore_mem>>
        %dma_wait3A_340 = arith.constant 0 : i32
        %dma_wait3A_341 = arith.constant 0 : i32
        %dma_wait3A_342 = tpu.memref_slice %arg7[%dma_wait3A_330, %dma_wait3A_340, %dma_wait3A_341] : memref<5x40x128xf32, #tpu.memory_space<vmem>> -> memref<1x40x128xf32, #tpu.memory_space<vmem>>
        %dma_wait3A_343 = tpu.memref_squeeze %dma_wait3A_342 : memref<1x40x128xf32, #tpu.memory_space<vmem>> -> memref<40x128xf32, #tpu.memory_space<vmem>>
        %dma_wait3A_344 = arith.constant 0 : i32
        %dma_wait3A_345 = tpu.memref_slice %arg2[%mul3A_329, %dma_wait3A_344] : memref<50000x128xf32, #tpu.memory_space<hbm>> -> memref<40x128xf32, #tpu.memory_space<hbm>>
        tpu.wait_dma2 semaphore(%dma_wait3A_339 : memref<!tpu.dma_semaphore, #tpu.memory_space<semaphore_mem>>) src(%dma_wait3A_345 : memref<40x128xf32, #tpu.memory_space<hbm>>) dst(%dma_wait3A_343 : memref<40x128xf32, #tpu.memory_space<vmem>>)
        %mul3A_346 = arith.constant 40 : i32
        %mul3A_347 = arith.muli %add3A_274, %mul3A_346 : i32
        %dma_start3A = arith.constant 0 : i32
        %dma_start3A_348 = arith.constant 0 : i32
        %dma_start3A_349 = arith.constant 0 : i32
        %dma_start3A_350 = arith.constant 0 : i32
        %dma_start3A_351 = tpu.memref_slice %arg7[%dma_start3A, %dma_start3A_349, %dma_start3A_350] : memref<5x40x128xf32, #tpu.memory_space<vmem>> -> memref<1x40x128xf32, #tpu.memory_space<vmem>>
        %dma_start3A_352 = tpu.memref_squeeze %dma_start3A_351 : memref<1x40x128xf32, #tpu.memory_space<vmem>> -> memref<40x128xf32, #tpu.memory_space<vmem>>
        %dma_start3A_353 = arith.constant 0 : i32
        %dma_start3A_354 = tpu.memref_slice %arg5[%mul3A_347, %dma_start3A_353] : memref<50000x128xf32, #tpu.memory_space<hbm>> -> memref<40x128xf32, #tpu.memory_space<hbm>>
        %dma_start3A_355 = tpu.memref_slice %arg9[%dma_start3A_348] : memref<5x!tpu.dma_semaphore, #tpu.memory_space<semaphore_mem>> -> memref<1x!tpu.dma_semaphore, #tpu.memory_space<semaphore_mem>>
        %dma_start3A_356 = tpu.memref_squeeze %dma_start3A_355 : memref<1x!tpu.dma_semaphore, #tpu.memory_space<semaphore_mem>> -> memref<!tpu.dma_semaphore, #tpu.memory_space<semaphore_mem>>
        %dma_start3A_357 = arith.constant 0 : i32
        %dma_start3A_358 = tpu.memref_slice %arg5[%mul3A_347, %dma_start3A_357] : memref<50000x128xf32, #tpu.memory_space<hbm>> -> memref<40x128xf32, #tpu.memory_space<hbm>>
        %dma_start3A_359 = arith.constant 0 : i32
        %dma_start3A_360 = arith.constant 0 : i32
        %dma_start3A_361 = tpu.memref_slice %arg7[%dma_start3A, %dma_start3A_359, %dma_start3A_360] : memref<5x40x128xf32, #tpu.memory_space<vmem>> -> memref<1x40x128xf32, #tpu.memory_space<vmem>>
        %dma_start3A_362 = tpu.memref_squeeze %dma_start3A_361 : memref<1x40x128xf32, #tpu.memory_space<vmem>> -> memref<40x128xf32, #tpu.memory_space<vmem>>
        tpu.enqueue_dma source(%dma_start3A_362 : memref<40x128xf32, #tpu.memory_space<vmem>>) target(%dma_start3A_358 : memref<40x128xf32, #tpu.memory_space<hbm>>) target_semaphore(%dma_start3A_356 : memref<!tpu.dma_semaphore, #tpu.memory_space<semaphore_mem>>)
      } else {
      }
      %mul3A_280 = arith.constant 5 : i32
      %mul3A_281 = arith.muli %scan3A_125, %mul3A_280 : i32
      %add3A_282 = arith.constant 1 : i32
      %add3A_283 = arith.addi %mul3A_281, %add3A_282 : i32
      %mul3A_284 = arith.constant 16 : i32
      %mul3A_285 = arith.muli %add3A_283, %mul3A_284 : i32
      %add3A_286 = arith.addi %mul3A_285, %arg1 : i32
      %lt3A_287 = arith.constant 1250 : i32
      %lt3A_288 = arith.cmpi slt, %add3A_286, %lt3A_287 : i32
      %convert_element_type3A_289 = arith.extui %lt3A_288 : i1 to i32
      %cond3A_290 = arith.constant 0 : i32
      %cond3A_291 = arith.cmpi ne, %convert_element_type3A_289, %cond3A_290 : i32
      scf.if %cond3A_291 {
        %mul3A_328 = arith.constant 40 : i32
        %mul3A_329 = arith.muli %add3A_286, %mul3A_328 : i32
        %dma_wait3A_330 = arith.constant 1 : i32
        %dma_wait3A_331 = arith.constant 1 : i32
        %dma_wait3A_332 = arith.constant 0 : i32
        %dma_wait3A_333 = arith.constant 0 : i32
        %dma_wait3A_334 = tpu.memref_slice %arg7[%dma_wait3A_330, %dma_wait3A_332, %dma_wait3A_333] : memref<5x40x128xf32, #tpu.memory_space<vmem>> -> memref<1x40x128xf32, #tpu.memory_space<vmem>>
        %dma_wait3A_335 = tpu.memref_squeeze %dma_wait3A_334 : memref<1x40x128xf32, #tpu.memory_space<vmem>> -> memref<40x128xf32, #tpu.memory_space<vmem>>
        %dma_wait3A_336 = arith.constant 0 : i32
        %dma_wait3A_337 = tpu.memref_slice %arg2[%mul3A_329, %dma_wait3A_336] : memref<50000x128xf32, #tpu.memory_space<hbm>> -> memref<40x128xf32, #tpu.memory_space<hbm>>
        %dma_wait3A_338 = tpu.memref_slice %arg8[%dma_wait3A_331] : memref<5x!tpu.dma_semaphore, #tpu.memory_space<semaphore_mem>> -> memref<1x!tpu.dma_semaphore, #tpu.memory_space<semaphore_mem>>
        %dma_wait3A_339 = tpu.memref_squeeze %dma_wait3A_338 : memref<1x!tpu.dma_semaphore, #tpu.memory_space<semaphore_mem>> -> memref<!tpu.dma_semaphore, #tpu.memory_space<semaphore_mem>>
        %dma_wait3A_340 = arith.constant 0 : i32
        %dma_wait3A_341 = arith.constant 0 : i32
        %dma_wait3A_342 = tpu.memref_slice %arg7[%dma_wait3A_330, %dma_wait3A_340, %dma_wait3A_341] : memref<5x40x128xf32, #tpu.memory_space<vmem>> -> memref<1x40x128xf32, #tpu.memory_space<vmem>>
        %dma_wait3A_343 = tpu.memref_squeeze %dma_wait3A_342 : memref<1x40x128xf32, #tpu.memory_space<vmem>> -> memref<40x128xf32, #tpu.memory_space<vmem>>
        %dma_wait3A_344 = arith.constant 0 : i32
        %dma_wait3A_345 = tpu.memref_slice %arg2[%mul3A_329, %dma_wait3A_344] : memref<50000x128xf32, #tpu.memory_space<hbm>> -> memref<40x128xf32, #tpu.memory_space<hbm>>
        tpu.wait_dma2 semaphore(%dma_wait3A_339 : memref<!tpu.dma_semaphore, #tpu.memory_space<semaphore_mem>>) src(%dma_wait3A_345 : memref<40x128xf32, #tpu.memory_space<hbm>>) dst(%dma_wait3A_343 : memref<40x128xf32, #tpu.memory_space<vmem>>)
        %mul3A_346 = arith.constant 40 : i32
        %mul3A_347 = arith.muli %add3A_286, %mul3A_346 : i32
        %dma_start3A = arith.constant 1 : i32
        %dma_start3A_348 = arith.constant 1 : i32
        %dma_start3A_349 = arith.constant 0 : i32
        %dma_start3A_350 = arith.constant 0 : i32
        %dma_start3A_351 = tpu.memref_slice %arg7[%dma_start3A, %dma_start3A_349, %dma_start3A_350] : memref<5x40x128xf32, #tpu.memory_space<vmem>> -> memref<1x40x128xf32, #tpu.memory_space<vmem>>
        %dma_start3A_352 = tpu.memref_squeeze %dma_start3A_351 : memref<1x40x128xf32, #tpu.memory_space<vmem>> -> memref<40x128xf32, #tpu.memory_space<vmem>>
        %dma_start3A_353 = arith.constant 0 : i32
        %dma_start3A_354 = tpu.memref_slice %arg5[%mul3A_347, %dma_start3A_353] : memref<50000x128xf32, #tpu.memory_space<hbm>> -> memref<40x128xf32, #tpu.memory_space<hbm>>
        %dma_start3A_355 = tpu.memref_slice %arg9[%dma_start3A_348] : memref<5x!tpu.dma_semaphore, #tpu.memory_space<semaphore_mem>> -> memref<1x!tpu.dma_semaphore, #tpu.memory_space<semaphore_mem>>
        %dma_start3A_356 = tpu.memref_squeeze %dma_start3A_355 : memref<1x!tpu.dma_semaphore, #tpu.memory_space<semaphore_mem>> -> memref<!tpu.dma_semaphore, #tpu.memory_space<semaphore_mem>>
        %dma_start3A_357 = arith.constant 0 : i32
        %dma_start3A_358 = tpu.memref_slice %arg5[%mul3A_347, %dma_start3A_357] : memref<50000x128xf32, #tpu.memory_space<hbm>> -> memref<40x128xf32, #tpu.memory_space<hbm>>
        %dma_start3A_359 = arith.constant 0 : i32
        %dma_start3A_360 = arith.constant 0 : i32
        %dma_start3A_361 = tpu.memref_slice %arg7[%dma_start3A, %dma_start3A_359, %dma_start3A_360] : memref<5x40x128xf32, #tpu.memory_space<vmem>> -> memref<1x40x128xf32, #tpu.memory_space<vmem>>
        %dma_start3A_362 = tpu.memref_squeeze %dma_start3A_361 : memref<1x40x128xf32, #tpu.memory_space<vmem>> -> memref<40x128xf32, #tpu.memory_space<vmem>>
        tpu.enqueue_dma source(%dma_start3A_362 : memref<40x128xf32, #tpu.memory_space<vmem>>) target(%dma_start3A_358 : memref<40x128xf32, #tpu.memory_space<hbm>>) target_semaphore(%dma_start3A_356 : memref<!tpu.dma_semaphore, #tpu.memory_space<semaphore_mem>>)
      } else {
      }
      %mul3A_292 = arith.constant 5 : i32
      %mul3A_293 = arith.muli %scan3A_125, %mul3A_292 : i32
      %add3A_294 = arith.constant 2 : i32
      %add3A_295 = arith.addi %mul3A_293, %add3A_294 : i32
      %mul3A_296 = arith.constant 16 : i32
      %mul3A_297 = arith.muli %add3A_295, %mul3A_296 : i32
      %add3A_298 = arith.addi %mul3A_297, %arg1 : i32
      %lt3A_299 = arith.constant 1250 : i32
      %lt3A_300 = arith.cmpi slt, %add3A_298, %lt3A_299 : i32
      %convert_element_type3A_301 = arith.extui %lt3A_300 : i1 to i32
      %cond3A_302 = arith.constant 0 : i32
      %cond3A_303 = arith.cmpi ne, %convert_element_type3A_301, %cond3A_302 : i32
      scf.if %cond3A_303 {
        %mul3A_328 = arith.constant 40 : i32
        %mul3A_329 = arith.muli %add3A_298, %mul3A_328 : i32
        %dma_wait3A_330 = arith.constant 2 : i32
        %dma_wait3A_331 = arith.constant 2 : i32
        %dma_wait3A_332 = arith.constant 0 : i32
        %dma_wait3A_333 = arith.constant 0 : i32
        %dma_wait3A_334 = tpu.memref_slice %arg7[%dma_wait3A_330, %dma_wait3A_332, %dma_wait3A_333] : memref<5x40x128xf32, #tpu.memory_space<vmem>> -> memref<1x40x128xf32, #tpu.memory_space<vmem>>
        %dma_wait3A_335 = tpu.memref_squeeze %dma_wait3A_334 : memref<1x40x128xf32, #tpu.memory_space<vmem>> -> memref<40x128xf32, #tpu.memory_space<vmem>>
        %dma_wait3A_336 = arith.constant 0 : i32
        %dma_wait3A_337 = tpu.memref_slice %arg2[%mul3A_329, %dma_wait3A_336] : memref<50000x128xf32, #tpu.memory_space<hbm>> -> memref<40x128xf32, #tpu.memory_space<hbm>>
        %dma_wait3A_338 = tpu.memref_slice %arg8[%dma_wait3A_331] : memref<5x!tpu.dma_semaphore, #tpu.memory_space<semaphore_mem>> -> memref<1x!tpu.dma_semaphore, #tpu.memory_space<semaphore_mem>>
        %dma_wait3A_339 = tpu.memref_squeeze %dma_wait3A_338 : memref<1x!tpu.dma_semaphore, #tpu.memory_space<semaphore_mem>> -> memref<!tpu.dma_semaphore, #tpu.memory_space<semaphore_mem>>
        %dma_wait3A_340 = arith.constant 0 : i32
        %dma_wait3A_341 = arith.constant 0 : i32
        %dma_wait3A_342 = tpu.memref_slice %arg7[%dma_wait3A_330, %dma_wait3A_340, %dma_wait3A_341] : memref<5x40x128xf32, #tpu.memory_space<vmem>> -> memref<1x40x128xf32, #tpu.memory_space<vmem>>
        %dma_wait3A_343 = tpu.memref_squeeze %dma_wait3A_342 : memref<1x40x128xf32, #tpu.memory_space<vmem>> -> memref<40x128xf32, #tpu.memory_space<vmem>>
        %dma_wait3A_344 = arith.constant 0 : i32
        %dma_wait3A_345 = tpu.memref_slice %arg2[%mul3A_329, %dma_wait3A_344] : memref<50000x128xf32, #tpu.memory_space<hbm>> -> memref<40x128xf32, #tpu.memory_space<hbm>>
        tpu.wait_dma2 semaphore(%dma_wait3A_339 : memref<!tpu.dma_semaphore, #tpu.memory_space<semaphore_mem>>) src(%dma_wait3A_345 : memref<40x128xf32, #tpu.memory_space<hbm>>) dst(%dma_wait3A_343 : memref<40x128xf32, #tpu.memory_space<vmem>>)
        %mul3A_346 = arith.constant 40 : i32
        %mul3A_347 = arith.muli %add3A_298, %mul3A_346 : i32
        %dma_start3A = arith.constant 2 : i32
        %dma_start3A_348 = arith.constant 2 : i32
        %dma_start3A_349 = arith.constant 0 : i32
        %dma_start3A_350 = arith.constant 0 : i32
        %dma_start3A_351 = tpu.memref_slice %arg7[%dma_start3A, %dma_start3A_349, %dma_start3A_350] : memref<5x40x128xf32, #tpu.memory_space<vmem>> -> memref<1x40x128xf32, #tpu.memory_space<vmem>>
        %dma_start3A_352 = tpu.memref_squeeze %dma_start3A_351 : memref<1x40x128xf32, #tpu.memory_space<vmem>> -> memref<40x128xf32, #tpu.memory_space<vmem>>
        %dma_start3A_353 = arith.constant 0 : i32
        %dma_start3A_354 = tpu.memref_slice %arg5[%mul3A_347, %dma_start3A_353] : memref<50000x128xf32, #tpu.memory_space<hbm>> -> memref<40x128xf32, #tpu.memory_space<hbm>>
        %dma_start3A_355 = tpu.memref_slice %arg9[%dma_start3A_348] : memref<5x!tpu.dma_semaphore, #tpu.memory_space<semaphore_mem>> -> memref<1x!tpu.dma_semaphore, #tpu.memory_space<semaphore_mem>>
        %dma_start3A_356 = tpu.memref_squeeze %dma_start3A_355 : memref<1x!tpu.dma_semaphore, #tpu.memory_space<semaphore_mem>> -> memref<!tpu.dma_semaphore, #tpu.memory_space<semaphore_mem>>
        %dma_start3A_357 = arith.constant 0 : i32
        %dma_start3A_358 = tpu.memref_slice %arg5[%mul3A_347, %dma_start3A_357] : memref<50000x128xf32, #tpu.memory_space<hbm>> -> memref<40x128xf32, #tpu.memory_space<hbm>>
        %dma_start3A_359 = arith.constant 0 : i32
        %dma_start3A_360 = arith.constant 0 : i32
        %dma_start3A_361 = tpu.memref_slice %arg7[%dma_start3A, %dma_start3A_359, %dma_start3A_360] : memref<5x40x128xf32, #tpu.memory_space<vmem>> -> memref<1x40x128xf32, #tpu.memory_space<vmem>>
        %dma_start3A_362 = tpu.memref_squeeze %dma_start3A_361 : memref<1x40x128xf32, #tpu.memory_space<vmem>> -> memref<40x128xf32, #tpu.memory_space<vmem>>
        tpu.enqueue_dma source(%dma_start3A_362 : memref<40x128xf32, #tpu.memory_space<vmem>>) target(%dma_start3A_358 : memref<40x128xf32, #tpu.memory_space<hbm>>) target_semaphore(%dma_start3A_356 : memref<!tpu.dma_semaphore, #tpu.memory_space<semaphore_mem>>)
      } else {
      }
      %mul3A_304 = arith.constant 5 : i32
      %mul3A_305 = arith.muli %scan3A_125, %mul3A_304 : i32
      %add3A_306 = arith.constant 3 : i32
      %add3A_307 = arith.addi %mul3A_305, %add3A_306 : i32
      %mul3A_308 = arith.constant 16 : i32
      %mul3A_309 = arith.muli %add3A_307, %mul3A_308 : i32
      %add3A_310 = arith.addi %mul3A_309, %arg1 : i32
      %lt3A_311 = arith.constant 1250 : i32
      %lt3A_312 = arith.cmpi slt, %add3A_310, %lt3A_311 : i32
      %convert_element_type3A_313 = arith.extui %lt3A_312 : i1 to i32
      %cond3A_314 = arith.constant 0 : i32
      %cond3A_315 = arith.cmpi ne, %convert_element_type3A_313, %cond3A_314 : i32
      scf.if %cond3A_315 {
        %mul3A_328 = arith.constant 40 : i32
        %mul3A_329 = arith.muli %add3A_310, %mul3A_328 : i32
        %dma_wait3A_330 = arith.constant 3 : i32
        %dma_wait3A_331 = arith.constant 3 : i32
        %dma_wait3A_332 = arith.constant 0 : i32
        %dma_wait3A_333 = arith.constant 0 : i32
        %dma_wait3A_334 = tpu.memref_slice %arg7[%dma_wait3A_330, %dma_wait3A_332, %dma_wait3A_333] : memref<5x40x128xf32, #tpu.memory_space<vmem>> -> memref<1x40x128xf32, #tpu.memory_space<vmem>>
        %dma_wait3A_335 = tpu.memref_squeeze %dma_wait3A_334 : memref<1x40x128xf32, #tpu.memory_space<vmem>> -> memref<40x128xf32, #tpu.memory_space<vmem>>
        %dma_wait3A_336 = arith.constant 0 : i32
        %dma_wait3A_337 = tpu.memref_slice %arg2[%mul3A_329, %dma_wait3A_336] : memref<50000x128xf32, #tpu.memory_space<hbm>> -> memref<40x128xf32, #tpu.memory_space<hbm>>
        %dma_wait3A_338 = tpu.memref_slice %arg8[%dma_wait3A_331] : memref<5x!tpu.dma_semaphore, #tpu.memory_space<semaphore_mem>> -> memref<1x!tpu.dma_semaphore, #tpu.memory_space<semaphore_mem>>
        %dma_wait3A_339 = tpu.memref_squeeze %dma_wait3A_338 : memref<1x!tpu.dma_semaphore, #tpu.memory_space<semaphore_mem>> -> memref<!tpu.dma_semaphore, #tpu.memory_space<semaphore_mem>>
        %dma_wait3A_340 = arith.constant 0 : i32
        %dma_wait3A_341 = arith.constant 0 : i32
        %dma_wait3A_342 = tpu.memref_slice %arg7[%dma_wait3A_330, %dma_wait3A_340, %dma_wait3A_341] : memref<5x40x128xf32, #tpu.memory_space<vmem>> -> memref<1x40x128xf32, #tpu.memory_space<vmem>>
        %dma_wait3A_343 = tpu.memref_squeeze %dma_wait3A_342 : memref<1x40x128xf32, #tpu.memory_space<vmem>> -> memref<40x128xf32, #tpu.memory_space<vmem>>
        %dma_wait3A_344 = arith.constant 0 : i32
        %dma_wait3A_345 = tpu.memref_slice %arg2[%mul3A_329, %dma_wait3A_344] : memref<50000x128xf32, #tpu.memory_space<hbm>> -> memref<40x128xf32, #tpu.memory_space<hbm>>
        tpu.wait_dma2 semaphore(%dma_wait3A_339 : memref<!tpu.dma_semaphore, #tpu.memory_space<semaphore_mem>>) src(%dma_wait3A_345 : memref<40x128xf32, #tpu.memory_space<hbm>>) dst(%dma_wait3A_343 : memref<40x128xf32, #tpu.memory_space<vmem>>)
        %mul3A_346 = arith.constant 40 : i32
        %mul3A_347 = arith.muli %add3A_310, %mul3A_346 : i32
        %dma_start3A = arith.constant 3 : i32
        %dma_start3A_348 = arith.constant 3 : i32
        %dma_start3A_349 = arith.constant 0 : i32
        %dma_start3A_350 = arith.constant 0 : i32
        %dma_start3A_351 = tpu.memref_slice %arg7[%dma_start3A, %dma_start3A_349, %dma_start3A_350] : memref<5x40x128xf32, #tpu.memory_space<vmem>> -> memref<1x40x128xf32, #tpu.memory_space<vmem>>
        %dma_start3A_352 = tpu.memref_squeeze %dma_start3A_351 : memref<1x40x128xf32, #tpu.memory_space<vmem>> -> memref<40x128xf32, #tpu.memory_space<vmem>>
        %dma_start3A_353 = arith.constant 0 : i32
        %dma_start3A_354 = tpu.memref_slice %arg5[%mul3A_347, %dma_start3A_353] : memref<50000x128xf32, #tpu.memory_space<hbm>> -> memref<40x128xf32, #tpu.memory_space<hbm>>
        %dma_start3A_355 = tpu.memref_slice %arg9[%dma_start3A_348] : memref<5x!tpu.dma_semaphore, #tpu.memory_space<semaphore_mem>> -> memref<1x!tpu.dma_semaphore, #tpu.memory_space<semaphore_mem>>
        %dma_start3A_356 = tpu.memref_squeeze %dma_start3A_355 : memref<1x!tpu.dma_semaphore, #tpu.memory_space<semaphore_mem>> -> memref<!tpu.dma_semaphore, #tpu.memory_space<semaphore_mem>>
        %dma_start3A_357 = arith.constant 0 : i32
        %dma_start3A_358 = tpu.memref_slice %arg5[%mul3A_347, %dma_start3A_357] : memref<50000x128xf32, #tpu.memory_space<hbm>> -> memref<40x128xf32, #tpu.memory_space<hbm>>
        %dma_start3A_359 = arith.constant 0 : i32
        %dma_start3A_360 = arith.constant 0 : i32
        %dma_start3A_361 = tpu.memref_slice %arg7[%dma_start3A, %dma_start3A_359, %dma_start3A_360] : memref<5x40x128xf32, #tpu.memory_space<vmem>> -> memref<1x40x128xf32, #tpu.memory_space<vmem>>
        %dma_start3A_362 = tpu.memref_squeeze %dma_start3A_361 : memref<1x40x128xf32, #tpu.memory_space<vmem>> -> memref<40x128xf32, #tpu.memory_space<vmem>>
        tpu.enqueue_dma source(%dma_start3A_362 : memref<40x128xf32, #tpu.memory_space<vmem>>) target(%dma_start3A_358 : memref<40x128xf32, #tpu.memory_space<hbm>>) target_semaphore(%dma_start3A_356 : memref<!tpu.dma_semaphore, #tpu.memory_space<semaphore_mem>>)
      } else {
      }
      %mul3A_316 = arith.constant 5 : i32
      %mul3A_317 = arith.muli %scan3A_125, %mul3A_316 : i32
      %add3A_318 = arith.constant 4 : i32
      %add3A_319 = arith.addi %mul3A_317, %add3A_318 : i32
      %mul3A_320 = arith.constant 16 : i32
      %mul3A_321 = arith.muli %add3A_319, %mul3A_320 : i32
      %add3A_322 = arith.addi %mul3A_321, %arg1 : i32
      %lt3A_323 = arith.constant 1250 : i32
      %lt3A_324 = arith.cmpi slt, %add3A_322, %lt3A_323 : i32
      %convert_element_type3A_325 = arith.extui %lt3A_324 : i1 to i32
      %cond3A_326 = arith.constant 0 : i32
      %cond3A_327 = arith.cmpi ne, %convert_element_type3A_325, %cond3A_326 : i32
      scf.if %cond3A_327 {
        %mul3A_328 = arith.constant 40 : i32
        %mul3A_329 = arith.muli %add3A_322, %mul3A_328 : i32
        %dma_wait3A_330 = arith.constant 4 : i32
        %dma_wait3A_331 = arith.constant 4 : i32
        %dma_wait3A_332 = arith.constant 0 : i32
        %dma_wait3A_333 = arith.constant 0 : i32
        %dma_wait3A_334 = tpu.memref_slice %arg7[%dma_wait3A_330, %dma_wait3A_332, %dma_wait3A_333] : memref<5x40x128xf32, #tpu.memory_space<vmem>> -> memref<1x40x128xf32, #tpu.memory_space<vmem>>
        %dma_wait3A_335 = tpu.memref_squeeze %dma_wait3A_334 : memref<1x40x128xf32, #tpu.memory_space<vmem>> -> memref<40x128xf32, #tpu.memory_space<vmem>>
        %dma_wait3A_336 = arith.constant 0 : i32
        %dma_wait3A_337 = tpu.memref_slice %arg2[%mul3A_329, %dma_wait3A_336] : memref<50000x128xf32, #tpu.memory_space<hbm>> -> memref<40x128xf32, #tpu.memory_space<hbm>>
        %dma_wait3A_338 = tpu.memref_slice %arg8[%dma_wait3A_331] : memref<5x!tpu.dma_semaphore, #tpu.memory_space<semaphore_mem>> -> memref<1x!tpu.dma_semaphore, #tpu.memory_space<semaphore_mem>>
        %dma_wait3A_339 = tpu.memref_squeeze %dma_wait3A_338 : memref<1x!tpu.dma_semaphore, #tpu.memory_space<semaphore_mem>> -> memref<!tpu.dma_semaphore, #tpu.memory_space<semaphore_mem>>
        %dma_wait3A_340 = arith.constant 0 : i32
        %dma_wait3A_341 = arith.constant 0 : i32
        %dma_wait3A_342 = tpu.memref_slice %arg7[%dma_wait3A_330, %dma_wait3A_340, %dma_wait3A_341] : memref<5x40x128xf32, #tpu.memory_space<vmem>> -> memref<1x40x128xf32, #tpu.memory_space<vmem>>
        %dma_wait3A_343 = tpu.memref_squeeze %dma_wait3A_342 : memref<1x40x128xf32, #tpu.memory_space<vmem>> -> memref<40x128xf32, #tpu.memory_space<vmem>>
        %dma_wait3A_344 = arith.constant 0 : i32
        %dma_wait3A_345 = tpu.memref_slice %arg2[%mul3A_329, %dma_wait3A_344] : memref<50000x128xf32, #tpu.memory_space<hbm>> -> memref<40x128xf32, #tpu.memory_space<hbm>>
        tpu.wait_dma2 semaphore(%dma_wait3A_339 : memref<!tpu.dma_semaphore, #tpu.memory_space<semaphore_mem>>) src(%dma_wait3A_345 : memref<40x128xf32, #tpu.memory_space<hbm>>) dst(%dma_wait3A_343 : memref<40x128xf32, #tpu.memory_space<vmem>>)
        %mul3A_346 = arith.constant 40 : i32
        %mul3A_347 = arith.muli %add3A_322, %mul3A_346 : i32
        %dma_start3A = arith.constant 4 : i32
        %dma_start3A_348 = arith.constant 4 : i32
        %dma_start3A_349 = arith.constant 0 : i32
        %dma_start3A_350 = arith.constant 0 : i32
        %dma_start3A_351 = tpu.memref_slice %arg7[%dma_start3A, %dma_start3A_349, %dma_start3A_350] : memref<5x40x128xf32, #tpu.memory_space<vmem>> -> memref<1x40x128xf32, #tpu.memory_space<vmem>>
        %dma_start3A_352 = tpu.memref_squeeze %dma_start3A_351 : memref<1x40x128xf32, #tpu.memory_space<vmem>> -> memref<40x128xf32, #tpu.memory_space<vmem>>
        %dma_start3A_353 = arith.constant 0 : i32
        %dma_start3A_354 = tpu.memref_slice %arg5[%mul3A_347, %dma_start3A_353] : memref<50000x128xf32, #tpu.memory_space<hbm>> -> memref<40x128xf32, #tpu.memory_space<hbm>>
        %dma_start3A_355 = tpu.memref_slice %arg9[%dma_start3A_348] : memref<5x!tpu.dma_semaphore, #tpu.memory_space<semaphore_mem>> -> memref<1x!tpu.dma_semaphore, #tpu.memory_space<semaphore_mem>>
        %dma_start3A_356 = tpu.memref_squeeze %dma_start3A_355 : memref<1x!tpu.dma_semaphore, #tpu.memory_space<semaphore_mem>> -> memref<!tpu.dma_semaphore, #tpu.memory_space<semaphore_mem>>
        %dma_start3A_357 = arith.constant 0 : i32
        %dma_start3A_358 = tpu.memref_slice %arg5[%mul3A_347, %dma_start3A_357] : memref<50000x128xf32, #tpu.memory_space<hbm>> -> memref<40x128xf32, #tpu.memory_space<hbm>>
        %dma_start3A_359 = arith.constant 0 : i32
        %dma_start3A_360 = arith.constant 0 : i32
        %dma_start3A_361 = tpu.memref_slice %arg7[%dma_start3A, %dma_start3A_359, %dma_start3A_360] : memref<5x40x128xf32, #tpu.memory_space<vmem>> -> memref<1x40x128xf32, #tpu.memory_space<vmem>>
        %dma_start3A_362 = tpu.memref_squeeze %dma_start3A_361 : memref<1x40x128xf32, #tpu.memory_space<vmem>> -> memref<40x128xf32, #tpu.memory_space<vmem>>
        tpu.enqueue_dma source(%dma_start3A_362 : memref<40x128xf32, #tpu.memory_space<vmem>>) target(%dma_start3A_358 : memref<40x128xf32, #tpu.memory_space<hbm>>) target_semaphore(%dma_start3A_356 : memref<!tpu.dma_semaphore, #tpu.memory_space<semaphore_mem>>)
      } else {
      }
    }
    %scan3A_7 = arith.constant 16 : i32
    %add3A_8 = arith.constant 1200 : i32
    %add3A_9 = arith.addi %add3A_8, %arg1 : i32
    %lt3A = arith.constant 1250 : i32
    %lt3A_10 = arith.cmpi slt, %add3A_9, %lt3A : i32
    %convert_element_type3A = arith.extui %lt3A_10 : i1 to i32
    %cond3A = arith.constant 0 : i32
    %cond3A_11 = arith.cmpi ne, %convert_element_type3A, %cond3A : i32
    scf.if %cond3A_11 {
      %mul3A_125 = arith.constant 40 : i32
      %mul3A_126 = arith.muli %add3A_9, %mul3A_125 : i32
      %dma_wait3A_127 = arith.constant 0 : i32
      %dma_wait3A_128 = arith.constant 0 : i32
      %dma_wait3A_129 = arith.constant 0 : i32
      %dma_wait3A_130 = arith.constant 0 : i32
      %dma_wait3A_131 = tpu.memref_slice %arg7[%dma_wait3A_127, %dma_wait3A_129, %dma_wait3A_130] : memref<5x40x128xf32, #tpu.memory_space<vmem>> -> memref<1x40x128xf32, #tpu.memory_space<vmem>>
      %dma_wait3A_132 = tpu.memref_squeeze %dma_wait3A_131 : memref<1x40x128xf32, #tpu.memory_space<vmem>> -> memref<40x128xf32, #tpu.memory_space<vmem>>
      %dma_wait3A_133 = arith.constant 0 : i32
      %dma_wait3A_134 = tpu.memref_slice %arg5[%mul3A_126, %dma_wait3A_133] : memref<50000x128xf32, #tpu.memory_space<hbm>> -> memref<40x128xf32, #tpu.memory_space<hbm>>
      %dma_wait3A_135 = tpu.memref_slice %arg9[%dma_wait3A_128] : memref<5x!tpu.dma_semaphore, #tpu.memory_space<semaphore_mem>> -> memref<1x!tpu.dma_semaphore, #tpu.memory_space<semaphore_mem>>
      %dma_wait3A_136 = tpu.memref_squeeze %dma_wait3A_135 : memref<1x!tpu.dma_semaphore, #tpu.memory_space<semaphore_mem>> -> memref<!tpu.dma_semaphore, #tpu.memory_space<semaphore_mem>>
      %dma_wait3A_137 = arith.constant 0 : i32
      %dma_wait3A_138 = tpu.memref_slice %arg5[%mul3A_126, %dma_wait3A_137] : memref<50000x128xf32, #tpu.memory_space<hbm>> -> memref<40x128xf32, #tpu.memory_space<hbm>>
      %dma_wait3A_139 = arith.constant 0 : i32
      %dma_wait3A_140 = arith.constant 0 : i32
      %dma_wait3A_141 = tpu.memref_slice %arg7[%dma_wait3A_127, %dma_wait3A_139, %dma_wait3A_140] : memref<5x40x128xf32, #tpu.memory_space<vmem>> -> memref<1x40x128xf32, #tpu.memory_space<vmem>>
      %dma_wait3A_142 = tpu.memref_squeeze %dma_wait3A_141 : memref<1x40x128xf32, #tpu.memory_space<vmem>> -> memref<40x128xf32, #tpu.memory_space<vmem>>
      tpu.wait_dma2 semaphore(%dma_wait3A_136 : memref<!tpu.dma_semaphore, #tpu.memory_space<semaphore_mem>>) src(%dma_wait3A_142 : memref<40x128xf32, #tpu.memory_space<vmem>>) dst(%dma_wait3A_138 : memref<40x128xf32, #tpu.memory_space<hbm>>)
    } else {
    }
    %add3A_12 = arith.constant 1216 : i32
    %add3A_13 = arith.addi %add3A_12, %arg1 : i32
    %lt3A_14 = arith.constant 1250 : i32
    %lt3A_15 = arith.cmpi slt, %add3A_13, %lt3A_14 : i32
    %convert_element_type3A_16 = arith.extui %lt3A_15 : i1 to i32
    %cond3A_17 = arith.constant 0 : i32
    %cond3A_18 = arith.cmpi ne, %convert_element_type3A_16, %cond3A_17 : i32
    scf.if %cond3A_18 {
      %mul3A_125 = arith.constant 40 : i32
      %mul3A_126 = arith.muli %add3A_13, %mul3A_125 : i32
      %dma_wait3A_127 = arith.constant 1 : i32
      %dma_wait3A_128 = arith.constant 1 : i32
      %dma_wait3A_129 = arith.constant 0 : i32
      %dma_wait3A_130 = arith.constant 0 : i32
      %dma_wait3A_131 = tpu.memref_slice %arg7[%dma_wait3A_127, %dma_wait3A_129, %dma_wait3A_130] : memref<5x40x128xf32, #tpu.memory_space<vmem>> -> memref<1x40x128xf32, #tpu.memory_space<vmem>>
      %dma_wait3A_132 = tpu.memref_squeeze %dma_wait3A_131 : memref<1x40x128xf32, #tpu.memory_space<vmem>> -> memref<40x128xf32, #tpu.memory_space<vmem>>
      %dma_wait3A_133 = arith.constant 0 : i32
      %dma_wait3A_134 = tpu.memref_slice %arg5[%mul3A_126, %dma_wait3A_133] : memref<50000x128xf32, #tpu.memory_space<hbm>> -> memref<40x128xf32, #tpu.memory_space<hbm>>
      %dma_wait3A_135 = tpu.memref_slice %arg9[%dma_wait3A_128] : memref<5x!tpu.dma_semaphore, #tpu.memory_space<semaphore_mem>> -> memref<1x!tpu.dma_semaphore, #tpu.memory_space<semaphore_mem>>
      %dma_wait3A_136 = tpu.memref_squeeze %dma_wait3A_135 : memref<1x!tpu.dma_semaphore, #tpu.memory_space<semaphore_mem>> -> memref<!tpu.dma_semaphore, #tpu.memory_space<semaphore_mem>>
      %dma_wait3A_137 = arith.constant 0 : i32
      %dma_wait3A_138 = tpu.memref_slice %arg5[%mul3A_126, %dma_wait3A_137] : memref<50000x128xf32, #tpu.memory_space<hbm>> -> memref<40x128xf32, #tpu.memory_space<hbm>>
      %dma_wait3A_139 = arith.constant 0 : i32
      %dma_wait3A_140 = arith.constant 0 : i32
      %dma_wait3A_141 = tpu.memref_slice %arg7[%dma_wait3A_127, %dma_wait3A_139, %dma_wait3A_140] : memref<5x40x128xf32, #tpu.memory_space<vmem>> -> memref<1x40x128xf32, #tpu.memory_space<vmem>>
      %dma_wait3A_142 = tpu.memref_squeeze %dma_wait3A_141 : memref<1x40x128xf32, #tpu.memory_space<vmem>> -> memref<40x128xf32, #tpu.memory_space<vmem>>
      tpu.wait_dma2 semaphore(%dma_wait3A_136 : memref<!tpu.dma_semaphore, #tpu.memory_space<semaphore_mem>>) src(%dma_wait3A_142 : memref<40x128xf32, #tpu.memory_space<vmem>>) dst(%dma_wait3A_138 : memref<40x128xf32, #tpu.memory_space<hbm>>)
    } else {
    }
    %add3A_19 = arith.constant 1232 : i32
    %add3A_20 = arith.addi %add3A_19, %arg1 : i32
    %lt3A_21 = arith.constant 1250 : i32
    %lt3A_22 = arith.cmpi slt, %add3A_20, %lt3A_21 : i32
    %convert_element_type3A_23 = arith.extui %lt3A_22 : i1 to i32
    %cond3A_24 = arith.constant 0 : i32
    %cond3A_25 = arith.cmpi ne, %convert_element_type3A_23, %cond3A_24 : i32
    scf.if %cond3A_25 {
      %mul3A_125 = arith.constant 40 : i32
      %mul3A_126 = arith.muli %add3A_20, %mul3A_125 : i32
      %dma_wait3A_127 = arith.constant 2 : i32
      %dma_wait3A_128 = arith.constant 2 : i32
      %dma_wait3A_129 = arith.constant 0 : i32
      %dma_wait3A_130 = arith.constant 0 : i32
      %dma_wait3A_131 = tpu.memref_slice %arg7[%dma_wait3A_127, %dma_wait3A_129, %dma_wait3A_130] : memref<5x40x128xf32, #tpu.memory_space<vmem>> -> memref<1x40x128xf32, #tpu.memory_space<vmem>>
      %dma_wait3A_132 = tpu.memref_squeeze %dma_wait3A_131 : memref<1x40x128xf32, #tpu.memory_space<vmem>> -> memref<40x128xf32, #tpu.memory_space<vmem>>
      %dma_wait3A_133 = arith.constant 0 : i32
      %dma_wait3A_134 = tpu.memref_slice %arg5[%mul3A_126, %dma_wait3A_133] : memref<50000x128xf32, #tpu.memory_space<hbm>> -> memref<40x128xf32, #tpu.memory_space<hbm>>
      %dma_wait3A_135 = tpu.memref_slice %arg9[%dma_wait3A_128] : memref<5x!tpu.dma_semaphore, #tpu.memory_space<semaphore_mem>> -> memref<1x!tpu.dma_semaphore, #tpu.memory_space<semaphore_mem>>
      %dma_wait3A_136 = tpu.memref_squeeze %dma_wait3A_135 : memref<1x!tpu.dma_semaphore, #tpu.memory_space<semaphore_mem>> -> memref<!tpu.dma_semaphore, #tpu.memory_space<semaphore_mem>>
      %dma_wait3A_137 = arith.constant 0 : i32
      %dma_wait3A_138 = tpu.memref_slice %arg5[%mul3A_126, %dma_wait3A_137] : memref<50000x128xf32, #tpu.memory_space<hbm>> -> memref<40x128xf32, #tpu.memory_space<hbm>>
      %dma_wait3A_139 = arith.constant 0 : i32
      %dma_wait3A_140 = arith.constant 0 : i32
      %dma_wait3A_141 = tpu.memref_slice %arg7[%dma_wait3A_127, %dma_wait3A_139, %dma_wait3A_140] : memref<5x40x128xf32, #tpu.memory_space<vmem>> -> memref<1x40x128xf32, #tpu.memory_space<vmem>>
      %dma_wait3A_142 = tpu.memref_squeeze %dma_wait3A_141 : memref<1x40x128xf32, #tpu.memory_space<vmem>> -> memref<40x128xf32, #tpu.memory_space<vmem>>
      tpu.wait_dma2 semaphore(%dma_wait3A_136 : memref<!tpu.dma_semaphore, #tpu.memory_space<semaphore_mem>>) src(%dma_wait3A_142 : memref<40x128xf32, #tpu.memory_space<vmem>>) dst(%dma_wait3A_138 : memref<40x128xf32, #tpu.memory_space<hbm>>)
    } else {
    }
    %add3A_26 = arith.constant 1248 : i32
    %add3A_27 = arith.addi %add3A_26, %arg1 : i32
    %lt3A_28 = arith.constant 1250 : i32
    %lt3A_29 = arith.cmpi slt, %add3A_27, %lt3A_28 : i32
    %convert_element_type3A_30 = arith.extui %lt3A_29 : i1 to i32
    %cond3A_31 = arith.constant 0 : i32
    %cond3A_32 = arith.cmpi ne, %convert_element_type3A_30, %cond3A_31 : i32
    scf.if %cond3A_32 {
      %mul3A_125 = arith.constant 40 : i32
      %mul3A_126 = arith.muli %add3A_27, %mul3A_125 : i32
      %dma_wait3A_127 = arith.constant 3 : i32
      %dma_wait3A_128 = arith.constant 3 : i32
      %dma_wait3A_129 = arith.constant 0 : i32
      %dma_wait3A_130 = arith.constant 0 : i32
      %dma_wait3A_131 = tpu.memref_slice %arg7[%dma_wait3A_127, %dma_wait3A_129, %dma_wait3A_130] : memref<5x40x128xf32, #tpu.memory_space<vmem>> -> memref<1x40x128xf32, #tpu.memory_space<vmem>>
      %dma_wait3A_132 = tpu.memref_squeeze %dma_wait3A_131 : memref<1x40x128xf32, #tpu.memory_space<vmem>> -> memref<40x128xf32, #tpu.memory_space<vmem>>
      %dma_wait3A_133 = arith.constant 0 : i32
      %dma_wait3A_134 = tpu.memref_slice %arg5[%mul3A_126, %dma_wait3A_133] : memref<50000x128xf32, #tpu.memory_space<hbm>> -> memref<40x128xf32, #tpu.memory_space<hbm>>
      %dma_wait3A_135 = tpu.memref_slice %arg9[%dma_wait3A_128] : memref<5x!tpu.dma_semaphore, #tpu.memory_space<semaphore_mem>> -> memref<1x!tpu.dma_semaphore, #tpu.memory_space<semaphore_mem>>
      %dma_wait3A_136 = tpu.memref_squeeze %dma_wait3A_135 : memref<1x!tpu.dma_semaphore, #tpu.memory_space<semaphore_mem>> -> memref<!tpu.dma_semaphore, #tpu.memory_space<semaphore_mem>>
      %dma_wait3A_137 = arith.constant 0 : i32
      %dma_wait3A_138 = tpu.memref_slice %arg5[%mul3A_126, %dma_wait3A_137] : memref<50000x128xf32, #tpu.memory_space<hbm>> -> memref<40x128xf32, #tpu.memory_space<hbm>>
      %dma_wait3A_139 = arith.constant 0 : i32
      %dma_wait3A_140 = arith.constant 0 : i32
      %dma_wait3A_141 = tpu.memref_slice %arg7[%dma_wait3A_127, %dma_wait3A_139, %dma_wait3A_140] : memref<5x40x128xf32, #tpu.memory_space<vmem>> -> memref<1x40x128xf32, #tpu.memory_space<vmem>>
      %dma_wait3A_142 = tpu.memref_squeeze %dma_wait3A_141 : memref<1x40x128xf32, #tpu.memory_space<vmem>> -> memref<40x128xf32, #tpu.memory_space<vmem>>
      tpu.wait_dma2 semaphore(%dma_wait3A_136 : memref<!tpu.dma_semaphore, #tpu.memory_space<semaphore_mem>>) src(%dma_wait3A_142 : memref<40x128xf32, #tpu.memory_space<vmem>>) dst(%dma_wait3A_138 : memref<40x128xf32, #tpu.memory_space<hbm>>)
    } else {
    }
    %add3A_33 = arith.constant 1264 : i32
    %add3A_34 = arith.addi %add3A_33, %arg1 : i32
    %lt3A_35 = arith.constant 1250 : i32
    %lt3A_36 = arith.cmpi slt, %add3A_34, %lt3A_35 : i32
    %convert_element_type3A_37 = arith.extui %lt3A_36 : i1 to i32
    %cond3A_38 = arith.constant 0 : i32
    %cond3A_39 = arith.cmpi ne, %convert_element_type3A_37, %cond3A_38 : i32
    scf.if %cond3A_39 {
      %mul3A_125 = arith.constant 40 : i32
      %mul3A_126 = arith.muli %add3A_34, %mul3A_125 : i32
      %dma_wait3A_127 = arith.constant 4 : i32
      %dma_wait3A_128 = arith.constant 4 : i32
      %dma_wait3A_129 = arith.constant 0 : i32
      %dma_wait3A_130 = arith.constant 0 : i32
      %dma_wait3A_131 = tpu.memref_slice %arg7[%dma_wait3A_127, %dma_wait3A_129, %dma_wait3A_130] : memref<5x40x128xf32, #tpu.memory_space<vmem>> -> memref<1x40x128xf32, #tpu.memory_space<vmem>>
      %dma_wait3A_132 = tpu.memref_squeeze %dma_wait3A_131 : memref<1x40x128xf32, #tpu.memory_space<vmem>> -> memref<40x128xf32, #tpu.memory_space<vmem>>
      %dma_wait3A_133 = arith.constant 0 : i32
      %dma_wait3A_134 = tpu.memref_slice %arg5[%mul3A_126, %dma_wait3A_133] : memref<50000x128xf32, #tpu.memory_space<hbm>> -> memref<40x128xf32, #tpu.memory_space<hbm>>
      %dma_wait3A_135 = tpu.memref_slice %arg9[%dma_wait3A_128] : memref<5x!tpu.dma_semaphore, #tpu.memory_space<semaphore_mem>> -> memref<1x!tpu.dma_semaphore, #tpu.memory_space<semaphore_mem>>
      %dma_wait3A_136 = tpu.memref_squeeze %dma_wait3A_135 : memref<1x!tpu.dma_semaphore, #tpu.memory_space<semaphore_mem>> -> memref<!tpu.dma_semaphore, #tpu.memory_space<semaphore_mem>>
      %dma_wait3A_137 = arith.constant 0 : i32
      %dma_wait3A_138 = tpu.memref_slice %arg5[%mul3A_126, %dma_wait3A_137] : memref<50000x128xf32, #tpu.memory_space<hbm>> -> memref<40x128xf32, #tpu.memory_space<hbm>>
      %dma_wait3A_139 = arith.constant 0 : i32
      %dma_wait3A_140 = arith.constant 0 : i32
      %dma_wait3A_141 = tpu.memref_slice %arg7[%dma_wait3A_127, %dma_wait3A_139, %dma_wait3A_140] : memref<5x40x128xf32, #tpu.memory_space<vmem>> -> memref<1x40x128xf32, #tpu.memory_space<vmem>>
      %dma_wait3A_142 = tpu.memref_squeeze %dma_wait3A_141 : memref<1x40x128xf32, #tpu.memory_space<vmem>> -> memref<40x128xf32, #tpu.memory_space<vmem>>
      tpu.wait_dma2 semaphore(%dma_wait3A_136 : memref<!tpu.dma_semaphore, #tpu.memory_space<semaphore_mem>>) src(%dma_wait3A_142 : memref<40x128xf32, #tpu.memory_space<vmem>>) dst(%dma_wait3A_138 : memref<40x128xf32, #tpu.memory_space<hbm>>)
    } else {
    }
    %barrier3A = arith.constant 0 : index
    tpu.barrier barrier_id(%barrier3A)
    %scan3A_40 = arith.constant 0 : i32
    %scan3A_41 = arith.constant 0 : i32
    %scan3A_42 = arith.constant 125 : i32
    %scan3A_43 = arith.addi %scan3A_41, %scan3A_42 : i32
    %scan3A_44 = arith.constant 1 : i32
    scf.for %scan3A_125 = %scan3A_41 to %scan3A_43 step %scan3A_44  : i32 {
      %mul3A_126 = arith.constant 5 : i32
      %mul3A_127 = arith.muli %scan3A_125, %mul3A_126 : i32
      %add3A_128 = arith.constant 0 : i32
      %add3A_129 = arith.addi %mul3A_127, %add3A_128 : i32
      %gt3A = arith.constant 0 : i32
      %gt3A_130 = arith.cmpi sgt, %scan3A_125, %gt3A : i32
      %convert_element_type3A_131 = arith.extui %gt3A_130 : i1 to i32
      %cond3A_132 = arith.constant 0 : i32
      %cond3A_133 = arith.cmpi ne, %convert_element_type3A_131, %cond3A_132 : i32
      scf.if %cond3A_133 {
        %dma_wait3A_424 = arith.constant 0 : i32
        %dma_wait3A_425 = arith.constant 0 : i32
        %dma_wait3A_426 = arith.constant 0 : i32
        %dma_wait3A_427 = arith.constant 0 : i32
        %dma_wait3A_428 = tpu.memref_slice %arg7[%dma_wait3A_424, %dma_wait3A_426, %dma_wait3A_427] : memref<5x40x128xf32, #tpu.memory_space<vmem>> -> memref<1x40x128xf32, #tpu.memory_space<vmem>>
        %dma_wait3A_429 = tpu.memref_squeeze %dma_wait3A_428 : memref<1x40x128xf32, #tpu.memory_space<vmem>> -> memref<40x128xf32, #tpu.memory_space<vmem>>
        %dma_wait3A_430 = arith.constant 0 : i32
        %dma_wait3A_431 = tpu.memref_slice %arg4[%mul3A_2, %dma_wait3A_430] : memref<800000x128xf32, #tpu.memory_space<hbm>> -> memref<40x128xf32, #tpu.memory_space<hbm>>
        %dma_wait3A_432 = tpu.memref_slice %arg9[%dma_wait3A_425] : memref<5x!tpu.dma_semaphore, #tpu.memory_space<semaphore_mem>> -> memref<1x!tpu.dma_semaphore, #tpu.memory_space<semaphore_mem>>
        %dma_wait3A_433 = tpu.memref_squeeze %dma_wait3A_432 : memref<1x!tpu.dma_semaphore, #tpu.memory_space<semaphore_mem>> -> memref<!tpu.dma_semaphore, #tpu.memory_space<semaphore_mem>>
        %dma_wait3A_434 = arith.constant 0 : i32
        %dma_wait3A_435 = tpu.memref_slice %arg4[%mul3A_2, %dma_wait3A_434] : memref<800000x128xf32, #tpu.memory_space<hbm>> -> memref<40x128xf32, #tpu.memory_space<hbm>>
        %dma_wait3A_436 = arith.constant 0 : i32
        %dma_wait3A_437 = arith.constant 0 : i32
        %dma_wait3A_438 = tpu.memref_slice %arg7[%dma_wait3A_424, %dma_wait3A_436, %dma_wait3A_437] : memref<5x40x128xf32, #tpu.memory_space<vmem>> -> memref<1x40x128xf32, #tpu.memory_space<vmem>>
        %dma_wait3A_439 = tpu.memref_squeeze %dma_wait3A_438 : memref<1x40x128xf32, #tpu.memory_space<vmem>> -> memref<40x128xf32, #tpu.memory_space<vmem>>
        tpu.wait_dma2 semaphore(%dma_wait3A_433 : memref<!tpu.dma_semaphore, #tpu.memory_space<semaphore_mem>>) src(%dma_wait3A_439 : memref<40x128xf32, #tpu.memory_space<vmem>>) dst(%dma_wait3A_435 : memref<40x128xf32, #tpu.memory_space<hbm>>)
      } else {
      }
      %dma_start3A = arith.constant 0 : i32
      %dma_start3A_134 = arith.constant 0 : i32
      %dma_start3A_135 = arith.constant 0 : i32
      %dma_start3A_136 = arith.constant 0 : i32
      %dma_start3A_137 = tpu.memref_slice %arg7[%dma_start3A, %dma_start3A_135, %dma_start3A_136] : memref<5x40x128xf32, #tpu.memory_space<vmem>> -> memref<1x40x128xf32, #tpu.memory_space<vmem>>
      %dma_start3A_138 = tpu.memref_squeeze %dma_start3A_137 : memref<1x40x128xf32, #tpu.memory_space<vmem>> -> memref<40x128xf32, #tpu.memory_space<vmem>>
      %dma_start3A_139 = arith.constant 0 : i32
      %dma_start3A_140 = tpu.memref_slice %arg6[%add3A_129, %dma_start3A_139] : memref<625x40xi32, #tpu.memory_space<vmem>> -> memref<1x40xi32, #tpu.memory_space<vmem>>
      %dma_start3A_141 = tpu.memref_squeeze %dma_start3A_140 : memref<1x40xi32, #tpu.memory_space<vmem>> -> memref<40xi32, #tpu.memory_space<vmem>>
      %dma_start3A_142 = arith.constant 0 : i32
      %dma_start3A_143 = arith.constant 0 : i32
      %dma_start3A_144 = tpu.memref_slice %arg5[%dma_start3A_142, %dma_start3A_143] : memref<50000x128xf32, #tpu.memory_space<hbm>> -> memref<50000x128xf32, #tpu.memory_space<hbm>>
      %dma_start3A_145 = tpu.memref_slice %arg8[%dma_start3A_134] : memref<5x!tpu.dma_semaphore, #tpu.memory_space<semaphore_mem>> -> memref<1x!tpu.dma_semaphore, #tpu.memory_space<semaphore_mem>>
      %dma_start3A_146 = tpu.memref_squeeze %dma_start3A_145 : memref<1x!tpu.dma_semaphore, #tpu.memory_space<semaphore_mem>> -> memref<!tpu.dma_semaphore, #tpu.memory_space<semaphore_mem>>
      tpu.enqueue_indirect_dma source(%dma_start3A_144 : memref<50000x128xf32, #tpu.memory_space<hbm>>) target(%dma_start3A_138 : memref<40x128xf32, #tpu.memory_space<vmem>>) offsets(%dma_start3A_141 : memref<40xi32, #tpu.memory_space<vmem>>) semaphore(%dma_start3A_146 : memref<!tpu.dma_semaphore, #tpu.memory_space<semaphore_mem>>)
      %mul3A_147 = arith.constant 5 : i32
      %mul3A_148 = arith.muli %scan3A_125, %mul3A_147 : i32
      %add3A_149 = arith.constant 1 : i32
      %add3A_150 = arith.addi %mul3A_148, %add3A_149 : i32
      %gt3A_151 = arith.constant 0 : i32
      %gt3A_152 = arith.cmpi sgt, %scan3A_125, %gt3A_151 : i32
      %convert_element_type3A_153 = arith.extui %gt3A_152 : i1 to i32
      %cond3A_154 = arith.constant 0 : i32
      %cond3A_155 = arith.cmpi ne, %convert_element_type3A_153, %cond3A_154 : i32
      scf.if %cond3A_155 {
        %dma_wait3A_424 = arith.constant 1 : i32
        %dma_wait3A_425 = arith.constant 1 : i32
        %dma_wait3A_426 = arith.constant 0 : i32
        %dma_wait3A_427 = arith.constant 0 : i32
        %dma_wait3A_428 = tpu.memref_slice %arg7[%dma_wait3A_424, %dma_wait3A_426, %dma_wait3A_427] : memref<5x40x128xf32, #tpu.memory_space<vmem>> -> memref<1x40x128xf32, #tpu.memory_space<vmem>>
        %dma_wait3A_429 = tpu.memref_squeeze %dma_wait3A_428 : memref<1x40x128xf32, #tpu.memory_space<vmem>> -> memref<40x128xf32, #tpu.memory_space<vmem>>
        %dma_wait3A_430 = arith.constant 0 : i32
        %dma_wait3A_431 = tpu.memref_slice %arg4[%mul3A_2, %dma_wait3A_430] : memref<800000x128xf32, #tpu.memory_space<hbm>> -> memref<40x128xf32, #tpu.memory_space<hbm>>
        %dma_wait3A_432 = tpu.memref_slice %arg9[%dma_wait3A_425] : memref<5x!tpu.dma_semaphore, #tpu.memory_space<semaphore_mem>> -> memref<1x!tpu.dma_semaphore, #tpu.memory_space<semaphore_mem>>
        %dma_wait3A_433 = tpu.memref_squeeze %dma_wait3A_432 : memref<1x!tpu.dma_semaphore, #tpu.memory_space<semaphore_mem>> -> memref<!tpu.dma_semaphore, #tpu.memory_space<semaphore_mem>>
        %dma_wait3A_434 = arith.constant 0 : i32
        %dma_wait3A_435 = tpu.memref_slice %arg4[%mul3A_2, %dma_wait3A_434] : memref<800000x128xf32, #tpu.memory_space<hbm>> -> memref<40x128xf32, #tpu.memory_space<hbm>>
        %dma_wait3A_436 = arith.constant 0 : i32
        %dma_wait3A_437 = arith.constant 0 : i32
        %dma_wait3A_438 = tpu.memref_slice %arg7[%dma_wait3A_424, %dma_wait3A_436, %dma_wait3A_437] : memref<5x40x128xf32, #tpu.memory_space<vmem>> -> memref<1x40x128xf32, #tpu.memory_space<vmem>>
        %dma_wait3A_439 = tpu.memref_squeeze %dma_wait3A_438 : memref<1x40x128xf32, #tpu.memory_space<vmem>> -> memref<40x128xf32, #tpu.memory_space<vmem>>
        tpu.wait_dma2 semaphore(%dma_wait3A_433 : memref<!tpu.dma_semaphore, #tpu.memory_space<semaphore_mem>>) src(%dma_wait3A_439 : memref<40x128xf32, #tpu.memory_space<vmem>>) dst(%dma_wait3A_435 : memref<40x128xf32, #tpu.memory_space<hbm>>)
      } else {
      }
      %dma_start3A_156 = arith.constant 1 : i32
      %dma_start3A_157 = arith.constant 1 : i32
      %dma_start3A_158 = arith.constant 0 : i32
      %dma_start3A_159 = arith.constant 0 : i32
      %dma_start3A_160 = tpu.memref_slice %arg7[%dma_start3A_156, %dma_start3A_158, %dma_start3A_159] : memref<5x40x128xf32, #tpu.memory_space<vmem>> -> memref<1x40x128xf32, #tpu.memory_space<vmem>>
      %dma_start3A_161 = tpu.memref_squeeze %dma_start3A_160 : memref<1x40x128xf32, #tpu.memory_space<vmem>> -> memref<40x128xf32, #tpu.memory_space<vmem>>
      %dma_start3A_162 = arith.constant 0 : i32
      %dma_start3A_163 = tpu.memref_slice %arg6[%add3A_150, %dma_start3A_162] : memref<625x40xi32, #tpu.memory_space<vmem>> -> memref<1x40xi32, #tpu.memory_space<vmem>>
      %dma_start3A_164 = tpu.memref_squeeze %dma_start3A_163 : memref<1x40xi32, #tpu.memory_space<vmem>> -> memref<40xi32, #tpu.memory_space<vmem>>
      %dma_start3A_165 = arith.constant 0 : i32
      %dma_start3A_166 = arith.constant 0 : i32
      %dma_start3A_167 = tpu.memref_slice %arg5[%dma_start3A_165, %dma_start3A_166] : memref<50000x128xf32, #tpu.memory_space<hbm>> -> memref<50000x128xf32, #tpu.memory_space<hbm>>
      %dma_start3A_168 = tpu.memref_slice %arg8[%dma_start3A_157] : memref<5x!tpu.dma_semaphore, #tpu.memory_space<semaphore_mem>> -> memref<1x!tpu.dma_semaphore, #tpu.memory_space<semaphore_mem>>
      %dma_start3A_169 = tpu.memref_squeeze %dma_start3A_168 : memref<1x!tpu.dma_semaphore, #tpu.memory_space<semaphore_mem>> -> memref<!tpu.dma_semaphore, #tpu.memory_space<semaphore_mem>>
      tpu.enqueue_indirect_dma source(%dma_start3A_167 : memref<50000x128xf32, #tpu.memory_space<hbm>>) target(%dma_start3A_161 : memref<40x128xf32, #tpu.memory_space<vmem>>) offsets(%dma_start3A_164 : memref<40xi32, #tpu.memory_space<vmem>>) semaphore(%dma_start3A_169 : memref<!tpu.dma_semaphore, #tpu.memory_space<semaphore_mem>>)
      %mul3A_170 = arith.constant 5 : i32
      %mul3A_171 = arith.muli %scan3A_125, %mul3A_170 : i32
      %add3A_172 = arith.constant 2 : i32
      %add3A_173 = arith.addi %mul3A_171, %add3A_172 : i32
      %gt3A_174 = arith.constant 0 : i32
      %gt3A_175 = arith.cmpi sgt, %scan3A_125, %gt3A_174 : i32
      %convert_element_type3A_176 = arith.extui %gt3A_175 : i1 to i32
      %cond3A_177 = arith.constant 0 : i32
      %cond3A_178 = arith.cmpi ne, %convert_element_type3A_176, %cond3A_177 : i32
      scf.if %cond3A_178 {
        %dma_wait3A_424 = arith.constant 2 : i32
        %dma_wait3A_425 = arith.constant 2 : i32
        %dma_wait3A_426 = arith.constant 0 : i32
        %dma_wait3A_427 = arith.constant 0 : i32
        %dma_wait3A_428 = tpu.memref_slice %arg7[%dma_wait3A_424, %dma_wait3A_426, %dma_wait3A_427] : memref<5x40x128xf32, #tpu.memory_space<vmem>> -> memref<1x40x128xf32, #tpu.memory_space<vmem>>
        %dma_wait3A_429 = tpu.memref_squeeze %dma_wait3A_428 : memref<1x40x128xf32, #tpu.memory_space<vmem>> -> memref<40x128xf32, #tpu.memory_space<vmem>>
        %dma_wait3A_430 = arith.constant 0 : i32
        %dma_wait3A_431 = tpu.memref_slice %arg4[%mul3A_2, %dma_wait3A_430] : memref<800000x128xf32, #tpu.memory_space<hbm>> -> memref<40x128xf32, #tpu.memory_space<hbm>>
        %dma_wait3A_432 = tpu.memref_slice %arg9[%dma_wait3A_425] : memref<5x!tpu.dma_semaphore, #tpu.memory_space<semaphore_mem>> -> memref<1x!tpu.dma_semaphore, #tpu.memory_space<semaphore_mem>>
        %dma_wait3A_433 = tpu.memref_squeeze %dma_wait3A_432 : memref<1x!tpu.dma_semaphore, #tpu.memory_space<semaphore_mem>> -> memref<!tpu.dma_semaphore, #tpu.memory_space<semaphore_mem>>
        %dma_wait3A_434 = arith.constant 0 : i32
        %dma_wait3A_435 = tpu.memref_slice %arg4[%mul3A_2, %dma_wait3A_434] : memref<800000x128xf32, #tpu.memory_space<hbm>> -> memref<40x128xf32, #tpu.memory_space<hbm>>
        %dma_wait3A_436 = arith.constant 0 : i32
        %dma_wait3A_437 = arith.constant 0 : i32
        %dma_wait3A_438 = tpu.memref_slice %arg7[%dma_wait3A_424, %dma_wait3A_436, %dma_wait3A_437] : memref<5x40x128xf32, #tpu.memory_space<vmem>> -> memref<1x40x128xf32, #tpu.memory_space<vmem>>
        %dma_wait3A_439 = tpu.memref_squeeze %dma_wait3A_438 : memref<1x40x128xf32, #tpu.memory_space<vmem>> -> memref<40x128xf32, #tpu.memory_space<vmem>>
        tpu.wait_dma2 semaphore(%dma_wait3A_433 : memref<!tpu.dma_semaphore, #tpu.memory_space<semaphore_mem>>) src(%dma_wait3A_439 : memref<40x128xf32, #tpu.memory_space<vmem>>) dst(%dma_wait3A_435 : memref<40x128xf32, #tpu.memory_space<hbm>>)
      } else {
      }
      %dma_start3A_179 = arith.constant 2 : i32
      %dma_start3A_180 = arith.constant 2 : i32
      %dma_start3A_181 = arith.constant 0 : i32
      %dma_start3A_182 = arith.constant 0 : i32
      %dma_start3A_183 = tpu.memref_slice %arg7[%dma_start3A_179, %dma_start3A_181, %dma_start3A_182] : memref<5x40x128xf32, #tpu.memory_space<vmem>> -> memref<1x40x128xf32, #tpu.memory_space<vmem>>
      %dma_start3A_184 = tpu.memref_squeeze %dma_start3A_183 : memref<1x40x128xf32, #tpu.memory_space<vmem>> -> memref<40x128xf32, #tpu.memory_space<vmem>>
      %dma_start3A_185 = arith.constant 0 : i32
      %dma_start3A_186 = tpu.memref_slice %arg6[%add3A_173, %dma_start3A_185] : memref<625x40xi32, #tpu.memory_space<vmem>> -> memref<1x40xi32, #tpu.memory_space<vmem>>
      %dma_start3A_187 = tpu.memref_squeeze %dma_start3A_186 : memref<1x40xi32, #tpu.memory_space<vmem>> -> memref<40xi32, #tpu.memory_space<vmem>>
      %dma_start3A_188 = arith.constant 0 : i32
      %dma_start3A_189 = arith.constant 0 : i32
      %dma_start3A_190 = tpu.memref_slice %arg5[%dma_start3A_188, %dma_start3A_189] : memref<50000x128xf32, #tpu.memory_space<hbm>> -> memref<50000x128xf32, #tpu.memory_space<hbm>>
      %dma_start3A_191 = tpu.memref_slice %arg8[%dma_start3A_180] : memref<5x!tpu.dma_semaphore, #tpu.memory_space<semaphore_mem>> -> memref<1x!tpu.dma_semaphore, #tpu.memory_space<semaphore_mem>>
      %dma_start3A_192 = tpu.memref_squeeze %dma_start3A_191 : memref<1x!tpu.dma_semaphore, #tpu.memory_space<semaphore_mem>> -> memref<!tpu.dma_semaphore, #tpu.memory_space<semaphore_mem>>
      tpu.enqueue_indirect_dma source(%dma_start3A_190 : memref<50000x128xf32, #tpu.memory_space<hbm>>) target(%dma_start3A_184 : memref<40x128xf32, #tpu.memory_space<vmem>>) offsets(%dma_start3A_187 : memref<40xi32, #tpu.memory_space<vmem>>) semaphore(%dma_start3A_192 : memref<!tpu.dma_semaphore, #tpu.memory_space<semaphore_mem>>)
      %mul3A_193 = arith.constant 5 : i32
      %mul3A_194 = arith.muli %scan3A_125, %mul3A_193 : i32
      %add3A_195 = arith.constant 3 : i32
      %add3A_196 = arith.addi %mul3A_194, %add3A_195 : i32
      %gt3A_197 = arith.constant 0 : i32
      %gt3A_198 = arith.cmpi sgt, %scan3A_125, %gt3A_197 : i32
      %convert_element_type3A_199 = arith.extui %gt3A_198 : i1 to i32
      %cond3A_200 = arith.constant 0 : i32
      %cond3A_201 = arith.cmpi ne, %convert_element_type3A_199, %cond3A_200 : i32
      scf.if %cond3A_201 {
        %dma_wait3A_424 = arith.constant 3 : i32
        %dma_wait3A_425 = arith.constant 3 : i32
        %dma_wait3A_426 = arith.constant 0 : i32
        %dma_wait3A_427 = arith.constant 0 : i32
        %dma_wait3A_428 = tpu.memref_slice %arg7[%dma_wait3A_424, %dma_wait3A_426, %dma_wait3A_427] : memref<5x40x128xf32, #tpu.memory_space<vmem>> -> memref<1x40x128xf32, #tpu.memory_space<vmem>>
        %dma_wait3A_429 = tpu.memref_squeeze %dma_wait3A_428 : memref<1x40x128xf32, #tpu.memory_space<vmem>> -> memref<40x128xf32, #tpu.memory_space<vmem>>
        %dma_wait3A_430 = arith.constant 0 : i32
        %dma_wait3A_431 = tpu.memref_slice %arg4[%mul3A_2, %dma_wait3A_430] : memref<800000x128xf32, #tpu.memory_space<hbm>> -> memref<40x128xf32, #tpu.memory_space<hbm>>
        %dma_wait3A_432 = tpu.memref_slice %arg9[%dma_wait3A_425] : memref<5x!tpu.dma_semaphore, #tpu.memory_space<semaphore_mem>> -> memref<1x!tpu.dma_semaphore, #tpu.memory_space<semaphore_mem>>
        %dma_wait3A_433 = tpu.memref_squeeze %dma_wait3A_432 : memref<1x!tpu.dma_semaphore, #tpu.memory_space<semaphore_mem>> -> memref<!tpu.dma_semaphore, #tpu.memory_space<semaphore_mem>>
        %dma_wait3A_434 = arith.constant 0 : i32
        %dma_wait3A_435 = tpu.memref_slice %arg4[%mul3A_2, %dma_wait3A_434] : memref<800000x128xf32, #tpu.memory_space<hbm>> -> memref<40x128xf32, #tpu.memory_space<hbm>>
        %dma_wait3A_436 = arith.constant 0 : i32
        %dma_wait3A_437 = arith.constant 0 : i32
        %dma_wait3A_438 = tpu.memref_slice %arg7[%dma_wait3A_424, %dma_wait3A_436, %dma_wait3A_437] : memref<5x40x128xf32, #tpu.memory_space<vmem>> -> memref<1x40x128xf32, #tpu.memory_space<vmem>>
        %dma_wait3A_439 = tpu.memref_squeeze %dma_wait3A_438 : memref<1x40x128xf32, #tpu.memory_space<vmem>> -> memref<40x128xf32, #tpu.memory_space<vmem>>
        tpu.wait_dma2 semaphore(%dma_wait3A_433 : memref<!tpu.dma_semaphore, #tpu.memory_space<semaphore_mem>>) src(%dma_wait3A_439 : memref<40x128xf32, #tpu.memory_space<vmem>>) dst(%dma_wait3A_435 : memref<40x128xf32, #tpu.memory_space<hbm>>)
      } else {
      }
      %dma_start3A_202 = arith.constant 3 : i32
      %dma_start3A_203 = arith.constant 3 : i32
      %dma_start3A_204 = arith.constant 0 : i32
      %dma_start3A_205 = arith.constant 0 : i32
      %dma_start3A_206 = tpu.memref_slice %arg7[%dma_start3A_202, %dma_start3A_204, %dma_start3A_205] : memref<5x40x128xf32, #tpu.memory_space<vmem>> -> memref<1x40x128xf32, #tpu.memory_space<vmem>>
      %dma_start3A_207 = tpu.memref_squeeze %dma_start3A_206 : memref<1x40x128xf32, #tpu.memory_space<vmem>> -> memref<40x128xf32, #tpu.memory_space<vmem>>
      %dma_start3A_208 = arith.constant 0 : i32
      %dma_start3A_209 = tpu.memref_slice %arg6[%add3A_196, %dma_start3A_208] : memref<625x40xi32, #tpu.memory_space<vmem>> -> memref<1x40xi32, #tpu.memory_space<vmem>>
      %dma_start3A_210 = tpu.memref_squeeze %dma_start3A_209 : memref<1x40xi32, #tpu.memory_space<vmem>> -> memref<40xi32, #tpu.memory_space<vmem>>
      %dma_start3A_211 = arith.constant 0 : i32
      %dma_start3A_212 = arith.constant 0 : i32
      %dma_start3A_213 = tpu.memref_slice %arg5[%dma_start3A_211, %dma_start3A_212] : memref<50000x128xf32, #tpu.memory_space<hbm>> -> memref<50000x128xf32, #tpu.memory_space<hbm>>
      %dma_start3A_214 = tpu.memref_slice %arg8[%dma_start3A_203] : memref<5x!tpu.dma_semaphore, #tpu.memory_space<semaphore_mem>> -> memref<1x!tpu.dma_semaphore, #tpu.memory_space<semaphore_mem>>
      %dma_start3A_215 = tpu.memref_squeeze %dma_start3A_214 : memref<1x!tpu.dma_semaphore, #tpu.memory_space<semaphore_mem>> -> memref<!tpu.dma_semaphore, #tpu.memory_space<semaphore_mem>>
      tpu.enqueue_indirect_dma source(%dma_start3A_213 : memref<50000x128xf32, #tpu.memory_space<hbm>>) target(%dma_start3A_207 : memref<40x128xf32, #tpu.memory_space<vmem>>) offsets(%dma_start3A_210 : memref<40xi32, #tpu.memory_space<vmem>>) semaphore(%dma_start3A_215 : memref<!tpu.dma_semaphore, #tpu.memory_space<semaphore_mem>>)
      %mul3A_216 = arith.constant 5 : i32
      %mul3A_217 = arith.muli %scan3A_125, %mul3A_216 : i32
      %add3A_218 = arith.constant 4 : i32
      %add3A_219 = arith.addi %mul3A_217, %add3A_218 : i32
      %gt3A_220 = arith.constant 0 : i32
      %gt3A_221 = arith.cmpi sgt, %scan3A_125, %gt3A_220 : i32
      %convert_element_type3A_222 = arith.extui %gt3A_221 : i1 to i32
      %cond3A_223 = arith.constant 0 : i32
      %cond3A_224 = arith.cmpi ne, %convert_element_type3A_222, %cond3A_223 : i32
      scf.if %cond3A_224 {
        %dma_wait3A_424 = arith.constant 4 : i32
        %dma_wait3A_425 = arith.constant 4 : i32
        %dma_wait3A_426 = arith.constant 0 : i32
        %dma_wait3A_427 = arith.constant 0 : i32
        %dma_wait3A_428 = tpu.memref_slice %arg7[%dma_wait3A_424, %dma_wait3A_426, %dma_wait3A_427] : memref<5x40x128xf32, #tpu.memory_space<vmem>> -> memref<1x40x128xf32, #tpu.memory_space<vmem>>
        %dma_wait3A_429 = tpu.memref_squeeze %dma_wait3A_428 : memref<1x40x128xf32, #tpu.memory_space<vmem>> -> memref<40x128xf32, #tpu.memory_space<vmem>>
        %dma_wait3A_430 = arith.constant 0 : i32
        %dma_wait3A_431 = tpu.memref_slice %arg4[%mul3A_2, %dma_wait3A_430] : memref<800000x128xf32, #tpu.memory_space<hbm>> -> memref<40x128xf32, #tpu.memory_space<hbm>>
        %dma_wait3A_432 = tpu.memref_slice %arg9[%dma_wait3A_425] : memref<5x!tpu.dma_semaphore, #tpu.memory_space<semaphore_mem>> -> memref<1x!tpu.dma_semaphore, #tpu.memory_space<semaphore_mem>>
        %dma_wait3A_433 = tpu.memref_squeeze %dma_wait3A_432 : memref<1x!tpu.dma_semaphore, #tpu.memory_space<semaphore_mem>> -> memref<!tpu.dma_semaphore, #tpu.memory_space<semaphore_mem>>
        %dma_wait3A_434 = arith.constant 0 : i32
        %dma_wait3A_435 = tpu.memref_slice %arg4[%mul3A_2, %dma_wait3A_434] : memref<800000x128xf32, #tpu.memory_space<hbm>> -> memref<40x128xf32, #tpu.memory_space<hbm>>
        %dma_wait3A_436 = arith.constant 0 : i32
        %dma_wait3A_437 = arith.constant 0 : i32
        %dma_wait3A_438 = tpu.memref_slice %arg7[%dma_wait3A_424, %dma_wait3A_436, %dma_wait3A_437] : memref<5x40x128xf32, #tpu.memory_space<vmem>> -> memref<1x40x128xf32, #tpu.memory_space<vmem>>
        %dma_wait3A_439 = tpu.memref_squeeze %dma_wait3A_438 : memref<1x40x128xf32, #tpu.memory_space<vmem>> -> memref<40x128xf32, #tpu.memory_space<vmem>>
        tpu.wait_dma2 semaphore(%dma_wait3A_433 : memref<!tpu.dma_semaphore, #tpu.memory_space<semaphore_mem>>) src(%dma_wait3A_439 : memref<40x128xf32, #tpu.memory_space<vmem>>) dst(%dma_wait3A_435 : memref<40x128xf32, #tpu.memory_space<hbm>>)
      } else {
      }
      %dma_start3A_225 = arith.constant 4 : i32
      %dma_start3A_226 = arith.constant 4 : i32
      %dma_start3A_227 = arith.constant 0 : i32
      %dma_start3A_228 = arith.constant 0 : i32
      %dma_start3A_229 = tpu.memref_slice %arg7[%dma_start3A_225, %dma_start3A_227, %dma_start3A_228] : memref<5x40x128xf32, #tpu.memory_space<vmem>> -> memref<1x40x128xf32, #tpu.memory_space<vmem>>
      %dma_start3A_230 = tpu.memref_squeeze %dma_start3A_229 : memref<1x40x128xf32, #tpu.memory_space<vmem>> -> memref<40x128xf32, #tpu.memory_space<vmem>>
      %dma_start3A_231 = arith.constant 0 : i32
      %dma_start3A_232 = tpu.memref_slice %arg6[%add3A_219, %dma_start3A_231] : memref<625x40xi32, #tpu.memory_space<vmem>> -> memref<1x40xi32, #tpu.memory_space<vmem>>
      %dma_start3A_233 = tpu.memref_squeeze %dma_start3A_232 : memref<1x40xi32, #tpu.memory_space<vmem>> -> memref<40xi32, #tpu.memory_space<vmem>>
      %dma_start3A_234 = arith.constant 0 : i32
      %dma_start3A_235 = arith.constant 0 : i32
      %dma_start3A_236 = tpu.memref_slice %arg5[%dma_start3A_234, %dma_start3A_235] : memref<50000x128xf32, #tpu.memory_space<hbm>> -> memref<50000x128xf32, #tpu.memory_space<hbm>>
      %dma_start3A_237 = tpu.memref_slice %arg8[%dma_start3A_226] : memref<5x!tpu.dma_semaphore, #tpu.memory_space<semaphore_mem>> -> memref<1x!tpu.dma_semaphore, #tpu.memory_space<semaphore_mem>>
      %dma_start3A_238 = tpu.memref_squeeze %dma_start3A_237 : memref<1x!tpu.dma_semaphore, #tpu.memory_space<semaphore_mem>> -> memref<!tpu.dma_semaphore, #tpu.memory_space<semaphore_mem>>
      tpu.enqueue_indirect_dma source(%dma_start3A_236 : memref<50000x128xf32, #tpu.memory_space<hbm>>) target(%dma_start3A_230 : memref<40x128xf32, #tpu.memory_space<vmem>>) offsets(%dma_start3A_233 : memref<40xi32, #tpu.memory_space<vmem>>) semaphore(%dma_start3A_238 : memref<!tpu.dma_semaphore, #tpu.memory_space<semaphore_mem>>)
      %mul3A_239 = arith.constant 5 : i32
      %mul3A_240 = arith.muli %scan3A_125, %mul3A_239 : i32
      %add3A_241 = arith.constant 0 : i32
      %add3A_242 = arith.addi %mul3A_240, %add3A_241 : i32
      %dma_wait3A_243 = arith.constant 0 : i32
      %dma_wait3A_244 = arith.constant 0 : i32
      %dma_wait3A_245 = arith.constant 0 : i32
      %dma_wait3A_246 = arith.constant 0 : i32
      %dma_wait3A_247 = tpu.memref_slice %arg7[%dma_wait3A_243, %dma_wait3A_245, %dma_wait3A_246] : memref<5x40x128xf32, #tpu.memory_space<vmem>> -> memref<1x40x128xf32, #tpu.memory_space<vmem>>
      %dma_wait3A_248 = tpu.memref_squeeze %dma_wait3A_247 : memref<1x40x128xf32, #tpu.memory_space<vmem>> -> memref<40x128xf32, #tpu.memory_space<vmem>>
      %dma_wait3A_249 = arith.constant 0 : i32
      %dma_wait3A_250 = tpu.memref_slice %arg6[%add3A_242, %dma_wait3A_249] : memref<625x40xi32, #tpu.memory_space<vmem>> -> memref<1x40xi32, #tpu.memory_space<vmem>>
      %dma_wait3A_251 = tpu.memref_squeeze %dma_wait3A_250 : memref<1x40xi32, #tpu.memory_space<vmem>> -> memref<40xi32, #tpu.memory_space<vmem>>
      %dma_wait3A_252 = arith.constant 0 : i32
      %dma_wait3A_253 = arith.constant 0 : i32
      %dma_wait3A_254 = tpu.memref_slice %arg5[%dma_wait3A_252, %dma_wait3A_253] : memref<50000x128xf32, #tpu.memory_space<hbm>> -> memref<50000x128xf32, #tpu.memory_space<hbm>>
      %dma_wait3A_255 = tpu.memref_slice %arg8[%dma_wait3A_244] : memref<5x!tpu.dma_semaphore, #tpu.memory_space<semaphore_mem>> -> memref<1x!tpu.dma_semaphore, #tpu.memory_space<semaphore_mem>>
      %dma_wait3A_256 = tpu.memref_squeeze %dma_wait3A_255 : memref<1x!tpu.dma_semaphore, #tpu.memory_space<semaphore_mem>> -> memref<!tpu.dma_semaphore, #tpu.memory_space<semaphore_mem>>
      tpu.wait_indirect_dma semaphore(%dma_wait3A_256 : memref<!tpu.dma_semaphore, #tpu.memory_space<semaphore_mem>>) src(%dma_wait3A_254 : memref<50000x128xf32, #tpu.memory_space<hbm>>) dst(%dma_wait3A_248 : memref<40x128xf32, #tpu.memory_space<vmem>>)
      %mul3A_257 = arith.constant 40 : i32
      %mul3A_258 = arith.muli %add3A_242, %mul3A_257 : i32
      %add3A_259 = arith.addi %mul3A_2, %mul3A_258 : i32
      %dma_start3A_260 = arith.constant 0 : i32
      %dma_start3A_261 = arith.constant 0 : i32
      %dma_start3A_262 = arith.constant 0 : i32
      %dma_start3A_263 = arith.constant 0 : i32
      %dma_start3A_264 = tpu.memref_slice %arg7[%dma_start3A_260, %dma_start3A_262, %dma_start3A_263] : memref<5x40x128xf32, #tpu.memory_space<vmem>> -> memref<1x40x128xf32, #tpu.memory_space<vmem>>
      %dma_start3A_265 = tpu.memref_squeeze %dma_start3A_264 : memref<1x40x128xf32, #tpu.memory_space<vmem>> -> memref<40x128xf32, #tpu.memory_space<vmem>>
      %dma_start3A_266 = arith.constant 0 : i32
      %dma_start3A_267 = tpu.memref_slice %arg4[%add3A_259, %dma_start3A_266] : memref<800000x128xf32, #tpu.memory_space<hbm>> -> memref<40x128xf32, #tpu.memory_space<hbm>>
      %dma_start3A_268 = tpu.memref_slice %arg9[%dma_start3A_261] : memref<5x!tpu.dma_semaphore, #tpu.memory_space<semaphore_mem>> -> memref<1x!tpu.dma_semaphore, #tpu.memory_space<semaphore_mem>>
      %dma_start3A_269 = tpu.memref_squeeze %dma_start3A_268 : memref<1x!tpu.dma_semaphore, #tpu.memory_space<semaphore_mem>> -> memref<!tpu.dma_semaphore, #tpu.memory_space<semaphore_mem>>
      %dma_start3A_270 = arith.constant 0 : i32
      %dma_start3A_271 = tpu.memref_slice %arg4[%add3A_259, %dma_start3A_270] : memref<800000x128xf32, #tpu.memory_space<hbm>> -> memref<40x128xf32, #tpu.memory_space<hbm>>
      %dma_start3A_272 = arith.constant 0 : i32
      %dma_start3A_273 = arith.constant 0 : i32
      %dma_start3A_274 = tpu.memref_slice %arg7[%dma_start3A_260, %dma_start3A_272, %dma_start3A_273] : memref<5x40x128xf32, #tpu.memory_space<vmem>> -> memref<1x40x128xf32, #tpu.memory_space<vmem>>
      %dma_start3A_275 = tpu.memref_squeeze %dma_start3A_274 : memref<1x40x128xf32, #tpu.memory_space<vmem>> -> memref<40x128xf32, #tpu.memory_space<vmem>>
      tpu.enqueue_dma source(%dma_start3A_275 : memref<40x128xf32, #tpu.memory_space<vmem>>) target(%dma_start3A_271 : memref<40x128xf32, #tpu.memory_space<hbm>>) target_semaphore(%dma_start3A_269 : memref<!tpu.dma_semaphore, #tpu.memory_space<semaphore_mem>>)
      %mul3A_276 = arith.constant 5 : i32
      %mul3A_277 = arith.muli %scan3A_125, %mul3A_276 : i32
      %add3A_278 = arith.constant 1 : i32
      %add3A_279 = arith.addi %mul3A_277, %add3A_278 : i32
      %dma_wait3A_280 = arith.constant 1 : i32
      %dma_wait3A_281 = arith.constant 1 : i32
      %dma_wait3A_282 = arith.constant 0 : i32
      %dma_wait3A_283 = arith.constant 0 : i32
      %dma_wait3A_284 = tpu.memref_slice %arg7[%dma_wait3A_280, %dma_wait3A_282, %dma_wait3A_283] : memref<5x40x128xf32, #tpu.memory_space<vmem>> -> memref<1x40x128xf32, #tpu.memory_space<vmem>>
      %dma_wait3A_285 = tpu.memref_squeeze %dma_wait3A_284 : memref<1x40x128xf32, #tpu.memory_space<vmem>> -> memref<40x128xf32, #tpu.memory_space<vmem>>
      %dma_wait3A_286 = arith.constant 0 : i32
      %dma_wait3A_287 = tpu.memref_slice %arg6[%add3A_279, %dma_wait3A_286] : memref<625x40xi32, #tpu.memory_space<vmem>> -> memref<1x40xi32, #tpu.memory_space<vmem>>
      %dma_wait3A_288 = tpu.memref_squeeze %dma_wait3A_287 : memref<1x40xi32, #tpu.memory_space<vmem>> -> memref<40xi32, #tpu.memory_space<vmem>>
      %dma_wait3A_289 = arith.constant 0 : i32
      %dma_wait3A_290 = arith.constant 0 : i32
      %dma_wait3A_291 = tpu.memref_slice %arg5[%dma_wait3A_289, %dma_wait3A_290] : memref<50000x128xf32, #tpu.memory_space<hbm>> -> memref<50000x128xf32, #tpu.memory_space<hbm>>
      %dma_wait3A_292 = tpu.memref_slice %arg8[%dma_wait3A_281] : memref<5x!tpu.dma_semaphore, #tpu.memory_space<semaphore_mem>> -> memref<1x!tpu.dma_semaphore, #tpu.memory_space<semaphore_mem>>
      %dma_wait3A_293 = tpu.memref_squeeze %dma_wait3A_292 : memref<1x!tpu.dma_semaphore, #tpu.memory_space<semaphore_mem>> -> memref<!tpu.dma_semaphore, #tpu.memory_space<semaphore_mem>>
      tpu.wait_indirect_dma semaphore(%dma_wait3A_293 : memref<!tpu.dma_semaphore, #tpu.memory_space<semaphore_mem>>) src(%dma_wait3A_291 : memref<50000x128xf32, #tpu.memory_space<hbm>>) dst(%dma_wait3A_285 : memref<40x128xf32, #tpu.memory_space<vmem>>)
      %mul3A_294 = arith.constant 40 : i32
      %mul3A_295 = arith.muli %add3A_279, %mul3A_294 : i32
      %add3A_296 = arith.addi %mul3A_2, %mul3A_295 : i32
      %dma_start3A_297 = arith.constant 1 : i32
      %dma_start3A_298 = arith.constant 1 : i32
      %dma_start3A_299 = arith.constant 0 : i32
      %dma_start3A_300 = arith.constant 0 : i32
      %dma_start3A_301 = tpu.memref_slice %arg7[%dma_start3A_297, %dma_start3A_299, %dma_start3A_300] : memref<5x40x128xf32, #tpu.memory_space<vmem>> -> memref<1x40x128xf32, #tpu.memory_space<vmem>>
      %dma_start3A_302 = tpu.memref_squeeze %dma_start3A_301 : memref<1x40x128xf32, #tpu.memory_space<vmem>> -> memref<40x128xf32, #tpu.memory_space<vmem>>
      %dma_start3A_303 = arith.constant 0 : i32
      %dma_start3A_304 = tpu.memref_slice %arg4[%add3A_296, %dma_start3A_303] : memref<800000x128xf32, #tpu.memory_space<hbm>> -> memref<40x128xf32, #tpu.memory_space<hbm>>
      %dma_start3A_305 = tpu.memref_slice %arg9[%dma_start3A_298] : memref<5x!tpu.dma_semaphore, #tpu.memory_space<semaphore_mem>> -> memref<1x!tpu.dma_semaphore, #tpu.memory_space<semaphore_mem>>
      %dma_start3A_306 = tpu.memref_squeeze %dma_start3A_305 : memref<1x!tpu.dma_semaphore, #tpu.memory_space<semaphore_mem>> -> memref<!tpu.dma_semaphore, #tpu.memory_space<semaphore_mem>>
      %dma_start3A_307 = arith.constant 0 : i32
      %dma_start3A_308 = tpu.memref_slice %arg4[%add3A_296, %dma_start3A_307] : memref<800000x128xf32, #tpu.memory_space<hbm>> -> memref<40x128xf32, #tpu.memory_space<hbm>>
      %dma_start3A_309 = arith.constant 0 : i32
      %dma_start3A_310 = arith.constant 0 : i32
      %dma_start3A_311 = tpu.memref_slice %arg7[%dma_start3A_297, %dma_start3A_309, %dma_start3A_310] : memref<5x40x128xf32, #tpu.memory_space<vmem>> -> memref<1x40x128xf32, #tpu.memory_space<vmem>>
      %dma_start3A_312 = tpu.memref_squeeze %dma_start3A_311 : memref<1x40x128xf32, #tpu.memory_space<vmem>> -> memref<40x128xf32, #tpu.memory_space<vmem>>
      tpu.enqueue_dma source(%dma_start3A_312 : memref<40x128xf32, #tpu.memory_space<vmem>>) target(%dma_start3A_308 : memref<40x128xf32, #tpu.memory_space<hbm>>) target_semaphore(%dma_start3A_306 : memref<!tpu.dma_semaphore, #tpu.memory_space<semaphore_mem>>)
      %mul3A_313 = arith.constant 5 : i32
      %mul3A_314 = arith.muli %scan3A_125, %mul3A_313 : i32
      %add3A_315 = arith.constant 2 : i32
      %add3A_316 = arith.addi %mul3A_314, %add3A_315 : i32
      %dma_wait3A_317 = arith.constant 2 : i32
      %dma_wait3A_318 = arith.constant 2 : i32
      %dma_wait3A_319 = arith.constant 0 : i32
      %dma_wait3A_320 = arith.constant 0 : i32
      %dma_wait3A_321 = tpu.memref_slice %arg7[%dma_wait3A_317, %dma_wait3A_319, %dma_wait3A_320] : memref<5x40x128xf32, #tpu.memory_space<vmem>> -> memref<1x40x128xf32, #tpu.memory_space<vmem>>
      %dma_wait3A_322 = tpu.memref_squeeze %dma_wait3A_321 : memref<1x40x128xf32, #tpu.memory_space<vmem>> -> memref<40x128xf32, #tpu.memory_space<vmem>>
      %dma_wait3A_323 = arith.constant 0 : i32
      %dma_wait3A_324 = tpu.memref_slice %arg6[%add3A_316, %dma_wait3A_323] : memref<625x40xi32, #tpu.memory_space<vmem>> -> memref<1x40xi32, #tpu.memory_space<vmem>>
      %dma_wait3A_325 = tpu.memref_squeeze %dma_wait3A_324 : memref<1x40xi32, #tpu.memory_space<vmem>> -> memref<40xi32, #tpu.memory_space<vmem>>
      %dma_wait3A_326 = arith.constant 0 : i32
      %dma_wait3A_327 = arith.constant 0 : i32
      %dma_wait3A_328 = tpu.memref_slice %arg5[%dma_wait3A_326, %dma_wait3A_327] : memref<50000x128xf32, #tpu.memory_space<hbm>> -> memref<50000x128xf32, #tpu.memory_space<hbm>>
      %dma_wait3A_329 = tpu.memref_slice %arg8[%dma_wait3A_318] : memref<5x!tpu.dma_semaphore, #tpu.memory_space<semaphore_mem>> -> memref<1x!tpu.dma_semaphore, #tpu.memory_space<semaphore_mem>>
      %dma_wait3A_330 = tpu.memref_squeeze %dma_wait3A_329 : memref<1x!tpu.dma_semaphore, #tpu.memory_space<semaphore_mem>> -> memref<!tpu.dma_semaphore, #tpu.memory_space<semaphore_mem>>
      tpu.wait_indirect_dma semaphore(%dma_wait3A_330 : memref<!tpu.dma_semaphore, #tpu.memory_space<semaphore_mem>>) src(%dma_wait3A_328 : memref<50000x128xf32, #tpu.memory_space<hbm>>) dst(%dma_wait3A_322 : memref<40x128xf32, #tpu.memory_space<vmem>>)
      %mul3A_331 = arith.constant 40 : i32
      %mul3A_332 = arith.muli %add3A_316, %mul3A_331 : i32
      %add3A_333 = arith.addi %mul3A_2, %mul3A_332 : i32
      %dma_start3A_334 = arith.constant 2 : i32
      %dma_start3A_335 = arith.constant 2 : i32
      %dma_start3A_336 = arith.constant 0 : i32
      %dma_start3A_337 = arith.constant 0 : i32
      %dma_start3A_338 = tpu.memref_slice %arg7[%dma_start3A_334, %dma_start3A_336, %dma_start3A_337] : memref<5x40x128xf32, #tpu.memory_space<vmem>> -> memref<1x40x128xf32, #tpu.memory_space<vmem>>
      %dma_start3A_339 = tpu.memref_squeeze %dma_start3A_338 : memref<1x40x128xf32, #tpu.memory_space<vmem>> -> memref<40x128xf32, #tpu.memory_space<vmem>>
      %dma_start3A_340 = arith.constant 0 : i32
      %dma_start3A_341 = tpu.memref_slice %arg4[%add3A_333, %dma_start3A_340] : memref<800000x128xf32, #tpu.memory_space<hbm>> -> memref<40x128xf32, #tpu.memory_space<hbm>>
      %dma_start3A_342 = tpu.memref_slice %arg9[%dma_start3A_335] : memref<5x!tpu.dma_semaphore, #tpu.memory_space<semaphore_mem>> -> memref<1x!tpu.dma_semaphore, #tpu.memory_space<semaphore_mem>>
      %dma_start3A_343 = tpu.memref_squeeze %dma_start3A_342 : memref<1x!tpu.dma_semaphore, #tpu.memory_space<semaphore_mem>> -> memref<!tpu.dma_semaphore, #tpu.memory_space<semaphore_mem>>
      %dma_start3A_344 = arith.constant 0 : i32
      %dma_start3A_345 = tpu.memref_slice %arg4[%add3A_333, %dma_start3A_344] : memref<800000x128xf32, #tpu.memory_space<hbm>> -> memref<40x128xf32, #tpu.memory_space<hbm>>
      %dma_start3A_346 = arith.constant 0 : i32
      %dma_start3A_347 = arith.constant 0 : i32
      %dma_start3A_348 = tpu.memref_slice %arg7[%dma_start3A_334, %dma_start3A_346, %dma_start3A_347] : memref<5x40x128xf32, #tpu.memory_space<vmem>> -> memref<1x40x128xf32, #tpu.memory_space<vmem>>
      %dma_start3A_349 = tpu.memref_squeeze %dma_start3A_348 : memref<1x40x128xf32, #tpu.memory_space<vmem>> -> memref<40x128xf32, #tpu.memory_space<vmem>>
      tpu.enqueue_dma source(%dma_start3A_349 : memref<40x128xf32, #tpu.memory_space<vmem>>) target(%dma_start3A_345 : memref<40x128xf32, #tpu.memory_space<hbm>>) target_semaphore(%dma_start3A_343 : memref<!tpu.dma_semaphore, #tpu.memory_space<semaphore_mem>>)
      %mul3A_350 = arith.constant 5 : i32
      %mul3A_351 = arith.muli %scan3A_125, %mul3A_350 : i32
      %add3A_352 = arith.constant 3 : i32
      %add3A_353 = arith.addi %mul3A_351, %add3A_352 : i32
      %dma_wait3A_354 = arith.constant 3 : i32
      %dma_wait3A_355 = arith.constant 3 : i32
      %dma_wait3A_356 = arith.constant 0 : i32
      %dma_wait3A_357 = arith.constant 0 : i32
      %dma_wait3A_358 = tpu.memref_slice %arg7[%dma_wait3A_354, %dma_wait3A_356, %dma_wait3A_357] : memref<5x40x128xf32, #tpu.memory_space<vmem>> -> memref<1x40x128xf32, #tpu.memory_space<vmem>>
      %dma_wait3A_359 = tpu.memref_squeeze %dma_wait3A_358 : memref<1x40x128xf32, #tpu.memory_space<vmem>> -> memref<40x128xf32, #tpu.memory_space<vmem>>
      %dma_wait3A_360 = arith.constant 0 : i32
      %dma_wait3A_361 = tpu.memref_slice %arg6[%add3A_353, %dma_wait3A_360] : memref<625x40xi32, #tpu.memory_space<vmem>> -> memref<1x40xi32, #tpu.memory_space<vmem>>
      %dma_wait3A_362 = tpu.memref_squeeze %dma_wait3A_361 : memref<1x40xi32, #tpu.memory_space<vmem>> -> memref<40xi32, #tpu.memory_space<vmem>>
      %dma_wait3A_363 = arith.constant 0 : i32
      %dma_wait3A_364 = arith.constant 0 : i32
      %dma_wait3A_365 = tpu.memref_slice %arg5[%dma_wait3A_363, %dma_wait3A_364] : memref<50000x128xf32, #tpu.memory_space<hbm>> -> memref<50000x128xf32, #tpu.memory_space<hbm>>
      %dma_wait3A_366 = tpu.memref_slice %arg8[%dma_wait3A_355] : memref<5x!tpu.dma_semaphore, #tpu.memory_space<semaphore_mem>> -> memref<1x!tpu.dma_semaphore, #tpu.memory_space<semaphore_mem>>
      %dma_wait3A_367 = tpu.memref_squeeze %dma_wait3A_366 : memref<1x!tpu.dma_semaphore, #tpu.memory_space<semaphore_mem>> -> memref<!tpu.dma_semaphore, #tpu.memory_space<semaphore_mem>>
      tpu.wait_indirect_dma semaphore(%dma_wait3A_367 : memref<!tpu.dma_semaphore, #tpu.memory_space<semaphore_mem>>) src(%dma_wait3A_365 : memref<50000x128xf32, #tpu.memory_space<hbm>>) dst(%dma_wait3A_359 : memref<40x128xf32, #tpu.memory_space<vmem>>)
      %mul3A_368 = arith.constant 40 : i32
      %mul3A_369 = arith.muli %add3A_353, %mul3A_368 : i32
      %add3A_370 = arith.addi %mul3A_2, %mul3A_369 : i32
      %dma_start3A_371 = arith.constant 3 : i32
      %dma_start3A_372 = arith.constant 3 : i32
      %dma_start3A_373 = arith.constant 0 : i32
      %dma_start3A_374 = arith.constant 0 : i32
      %dma_start3A_375 = tpu.memref_slice %arg7[%dma_start3A_371, %dma_start3A_373, %dma_start3A_374] : memref<5x40x128xf32, #tpu.memory_space<vmem>> -> memref<1x40x128xf32, #tpu.memory_space<vmem>>
      %dma_start3A_376 = tpu.memref_squeeze %dma_start3A_375 : memref<1x40x128xf32, #tpu.memory_space<vmem>> -> memref<40x128xf32, #tpu.memory_space<vmem>>
      %dma_start3A_377 = arith.constant 0 : i32
      %dma_start3A_378 = tpu.memref_slice %arg4[%add3A_370, %dma_start3A_377] : memref<800000x128xf32, #tpu.memory_space<hbm>> -> memref<40x128xf32, #tpu.memory_space<hbm>>
      %dma_start3A_379 = tpu.memref_slice %arg9[%dma_start3A_372] : memref<5x!tpu.dma_semaphore, #tpu.memory_space<semaphore_mem>> -> memref<1x!tpu.dma_semaphore, #tpu.memory_space<semaphore_mem>>
      %dma_start3A_380 = tpu.memref_squeeze %dma_start3A_379 : memref<1x!tpu.dma_semaphore, #tpu.memory_space<semaphore_mem>> -> memref<!tpu.dma_semaphore, #tpu.memory_space<semaphore_mem>>
      %dma_start3A_381 = arith.constant 0 : i32
      %dma_start3A_382 = tpu.memref_slice %arg4[%add3A_370, %dma_start3A_381] : memref<800000x128xf32, #tpu.memory_space<hbm>> -> memref<40x128xf32, #tpu.memory_space<hbm>>
      %dma_start3A_383 = arith.constant 0 : i32
      %dma_start3A_384 = arith.constant 0 : i32
      %dma_start3A_385 = tpu.memref_slice %arg7[%dma_start3A_371, %dma_start3A_383, %dma_start3A_384] : memref<5x40x128xf32, #tpu.memory_space<vmem>> -> memref<1x40x128xf32, #tpu.memory_space<vmem>>
      %dma_start3A_386 = tpu.memref_squeeze %dma_start3A_385 : memref<1x40x128xf32, #tpu.memory_space<vmem>> -> memref<40x128xf32, #tpu.memory_space<vmem>>
      tpu.enqueue_dma source(%dma_start3A_386 : memref<40x128xf32, #tpu.memory_space<vmem>>) target(%dma_start3A_382 : memref<40x128xf32, #tpu.memory_space<hbm>>) target_semaphore(%dma_start3A_380 : memref<!tpu.dma_semaphore, #tpu.memory_space<semaphore_mem>>)
      %mul3A_387 = arith.constant 5 : i32
      %mul3A_388 = arith.muli %scan3A_125, %mul3A_387 : i32
      %add3A_389 = arith.constant 4 : i32
      %add3A_390 = arith.addi %mul3A_388, %add3A_389 : i32
      %dma_wait3A_391 = arith.constant 4 : i32
      %dma_wait3A_392 = arith.constant 4 : i32
      %dma_wait3A_393 = arith.constant 0 : i32
      %dma_wait3A_394 = arith.constant 0 : i32
      %dma_wait3A_395 = tpu.memref_slice %arg7[%dma_wait3A_391, %dma_wait3A_393, %dma_wait3A_394] : memref<5x40x128xf32, #tpu.memory_space<vmem>> -> memref<1x40x128xf32, #tpu.memory_space<vmem>>
      %dma_wait3A_396 = tpu.memref_squeeze %dma_wait3A_395 : memref<1x40x128xf32, #tpu.memory_space<vmem>> -> memref<40x128xf32, #tpu.memory_space<vmem>>
      %dma_wait3A_397 = arith.constant 0 : i32
      %dma_wait3A_398 = tpu.memref_slice %arg6[%add3A_390, %dma_wait3A_397] : memref<625x40xi32, #tpu.memory_space<vmem>> -> memref<1x40xi32, #tpu.memory_space<vmem>>
      %dma_wait3A_399 = tpu.memref_squeeze %dma_wait3A_398 : memref<1x40xi32, #tpu.memory_space<vmem>> -> memref<40xi32, #tpu.memory_space<vmem>>
      %dma_wait3A_400 = arith.constant 0 : i32
      %dma_wait3A_401 = arith.constant 0 : i32
      %dma_wait3A_402 = tpu.memref_slice %arg5[%dma_wait3A_400, %dma_wait3A_401] : memref<50000x128xf32, #tpu.memory_space<hbm>> -> memref<50000x128xf32, #tpu.memory_space<hbm>>
      %dma_wait3A_403 = tpu.memref_slice %arg8[%dma_wait3A_392] : memref<5x!tpu.dma_semaphore, #tpu.memory_space<semaphore_mem>> -> memref<1x!tpu.dma_semaphore, #tpu.memory_space<semaphore_mem>>
      %dma_wait3A_404 = tpu.memref_squeeze %dma_wait3A_403 : memref<1x!tpu.dma_semaphore, #tpu.memory_space<semaphore_mem>> -> memref<!tpu.dma_semaphore, #tpu.memory_space<semaphore_mem>>
      tpu.wait_indirect_dma semaphore(%dma_wait3A_404 : memref<!tpu.dma_semaphore, #tpu.memory_space<semaphore_mem>>) src(%dma_wait3A_402 : memref<50000x128xf32, #tpu.memory_space<hbm>>) dst(%dma_wait3A_396 : memref<40x128xf32, #tpu.memory_space<vmem>>)
      %mul3A_405 = arith.constant 40 : i32
      %mul3A_406 = arith.muli %add3A_390, %mul3A_405 : i32
      %add3A_407 = arith.addi %mul3A_2, %mul3A_406 : i32
      %dma_start3A_408 = arith.constant 4 : i32
      %dma_start3A_409 = arith.constant 4 : i32
      %dma_start3A_410 = arith.constant 0 : i32
      %dma_start3A_411 = arith.constant 0 : i32
      %dma_start3A_412 = tpu.memref_slice %arg7[%dma_start3A_408, %dma_start3A_410, %dma_start3A_411] : memref<5x40x128xf32, #tpu.memory_space<vmem>> -> memref<1x40x128xf32, #tpu.memory_space<vmem>>
      %dma_start3A_413 = tpu.memref_squeeze %dma_start3A_412 : memref<1x40x128xf32, #tpu.memory_space<vmem>> -> memref<40x128xf32, #tpu.memory_space<vmem>>
      %dma_start3A_414 = arith.constant 0 : i32
      %dma_start3A_415 = tpu.memref_slice %arg4[%add3A_407, %dma_start3A_414] : memref<800000x128xf32, #tpu.memory_space<hbm>> -> memref<40x128xf32, #tpu.memory_space<hbm>>
      %dma_start3A_416 = tpu.memref_slice %arg9[%dma_start3A_409] : memref<5x!tpu.dma_semaphore, #tpu.memory_space<semaphore_mem>> -> memref<1x!tpu.dma_semaphore, #tpu.memory_space<semaphore_mem>>
      %dma_start3A_417 = tpu.memref_squeeze %dma_start3A_416 : memref<1x!tpu.dma_semaphore, #tpu.memory_space<semaphore_mem>> -> memref<!tpu.dma_semaphore, #tpu.memory_space<semaphore_mem>>
      %dma_start3A_418 = arith.constant 0 : i32
      %dma_start3A_419 = tpu.memref_slice %arg4[%add3A_407, %dma_start3A_418] : memref<800000x128xf32, #tpu.memory_space<hbm>> -> memref<40x128xf32, #tpu.memory_space<hbm>>
      %dma_start3A_420 = arith.constant 0 : i32
      %dma_start3A_421 = arith.constant 0 : i32
      %dma_start3A_422 = tpu.memref_slice %arg7[%dma_start3A_408, %dma_start3A_420, %dma_start3A_421] : memref<5x40x128xf32, #tpu.memory_space<vmem>> -> memref<1x40x128xf32, #tpu.memory_space<vmem>>
      %dma_start3A_423 = tpu.memref_squeeze %dma_start3A_422 : memref<1x40x128xf32, #tpu.memory_space<vmem>> -> memref<40x128xf32, #tpu.memory_space<vmem>>
      tpu.enqueue_dma source(%dma_start3A_423 : memref<40x128xf32, #tpu.memory_space<vmem>>) target(%dma_start3A_419 : memref<40x128xf32, #tpu.memory_space<hbm>>) target_semaphore(%dma_start3A_417 : memref<!tpu.dma_semaphore, #tpu.memory_space<semaphore_mem>>)
    }
    %scan3A_45 = arith.constant 125 : i32
    %dma_wait3A = arith.constant 0 : i32
    %dma_wait3A_46 = arith.constant 0 : i32
    %dma_wait3A_47 = arith.constant 0 : i32
    %dma_wait3A_48 = arith.constant 0 : i32
    %dma_wait3A_49 = tpu.memref_slice %arg7[%dma_wait3A, %dma_wait3A_47, %dma_wait3A_48] : memref<5x40x128xf32, #tpu.memory_space<vmem>> -> memref<1x40x128xf32, #tpu.memory_space<vmem>>
    %dma_wait3A_50 = tpu.memref_squeeze %dma_wait3A_49 : memref<1x40x128xf32, #tpu.memory_space<vmem>> -> memref<40x128xf32, #tpu.memory_space<vmem>>
    %dma_wait3A_51 = arith.constant 0 : i32
    %dma_wait3A_52 = tpu.memref_slice %arg4[%mul3A_2, %dma_wait3A_51] : memref<800000x128xf32, #tpu.memory_space<hbm>> -> memref<40x128xf32, #tpu.memory_space<hbm>>
    %dma_wait3A_53 = tpu.memref_slice %arg9[%dma_wait3A_46] : memref<5x!tpu.dma_semaphore, #tpu.memory_space<semaphore_mem>> -> memref<1x!tpu.dma_semaphore, #tpu.memory_space<semaphore_mem>>
    %dma_wait3A_54 = tpu.memref_squeeze %dma_wait3A_53 : memref<1x!tpu.dma_semaphore, #tpu.memory_space<semaphore_mem>> -> memref<!tpu.dma_semaphore, #tpu.memory_space<semaphore_mem>>
    %dma_wait3A_55 = arith.constant 0 : i32
    %dma_wait3A_56 = tpu.memref_slice %arg4[%mul3A_2, %dma_wait3A_55] : memref<800000x128xf32, #tpu.memory_space<hbm>> -> memref<40x128xf32, #tpu.memory_space<hbm>>
    %dma_wait3A_57 = arith.constant 0 : i32
    %dma_wait3A_58 = arith.constant 0 : i32
    %dma_wait3A_59 = tpu.memref_slice %arg7[%dma_wait3A, %dma_wait3A_57, %dma_wait3A_58] : memref<5x40x128xf32, #tpu.memory_space<vmem>> -> memref<1x40x128xf32, #tpu.memory_space<vmem>>
    %dma_wait3A_60 = tpu.memref_squeeze %dma_wait3A_59 : memref<1x40x128xf32, #tpu.memory_space<vmem>> -> memref<40x128xf32, #tpu.memory_space<vmem>>
    tpu.wait_dma2 semaphore(%dma_wait3A_54 : memref<!tpu.dma_semaphore, #tpu.memory_space<semaphore_mem>>) src(%dma_wait3A_60 : memref<40x128xf32, #tpu.memory_space<vmem>>) dst(%dma_wait3A_56 : memref<40x128xf32, #tpu.memory_space<hbm>>)
    %dma_wait3A_61 = arith.constant 1 : i32
    %dma_wait3A_62 = arith.constant 1 : i32
    %dma_wait3A_63 = arith.constant 0 : i32
    %dma_wait3A_64 = arith.constant 0 : i32
    %dma_wait3A_65 = tpu.memref_slice %arg7[%dma_wait3A_61, %dma_wait3A_63, %dma_wait3A_64] : memref<5x40x128xf32, #tpu.memory_space<vmem>> -> memref<1x40x128xf32, #tpu.memory_space<vmem>>
    %dma_wait3A_66 = tpu.memref_squeeze %dma_wait3A_65 : memref<1x40x128xf32, #tpu.memory_space<vmem>> -> memref<40x128xf32, #tpu.memory_space<vmem>>
    %dma_wait3A_67 = arith.constant 0 : i32
    %dma_wait3A_68 = tpu.memref_slice %arg4[%mul3A_2, %dma_wait3A_67] : memref<800000x128xf32, #tpu.memory_space<hbm>> -> memref<40x128xf32, #tpu.memory_space<hbm>>
    %dma_wait3A_69 = tpu.memref_slice %arg9[%dma_wait3A_62] : memref<5x!tpu.dma_semaphore, #tpu.memory_space<semaphore_mem>> -> memref<1x!tpu.dma_semaphore, #tpu.memory_space<semaphore_mem>>
    %dma_wait3A_70 = tpu.memref_squeeze %dma_wait3A_69 : memref<1x!tpu.dma_semaphore, #tpu.memory_space<semaphore_mem>> -> memref<!tpu.dma_semaphore, #tpu.memory_space<semaphore_mem>>
    %dma_wait3A_71 = arith.constant 0 : i32
    %dma_wait3A_72 = tpu.memref_slice %arg4[%mul3A_2, %dma_wait3A_71] : memref<800000x128xf32, #tpu.memory_space<hbm>> -> memref<40x128xf32, #tpu.memory_space<hbm>>
    %dma_wait3A_73 = arith.constant 0 : i32
    %dma_wait3A_74 = arith.constant 0 : i32
    %dma_wait3A_75 = tpu.memref_slice %arg7[%dma_wait3A_61, %dma_wait3A_73, %dma_wait3A_74] : memref<5x40x128xf32, #tpu.memory_space<vmem>> -> memref<1x40x128xf32, #tpu.memory_space<vmem>>
    %dma_wait3A_76 = tpu.memref_squeeze %dma_wait3A_75 : memref<1x40x128xf32, #tpu.memory_space<vmem>> -> memref<40x128xf32, #tpu.memory_space<vmem>>
    tpu.wait_dma2 semaphore(%dma_wait3A_70 : memref<!tpu.dma_semaphore, #tpu.memory_space<semaphore_mem>>) src(%dma_wait3A_76 : memref<40x128xf32, #tpu.memory_space<vmem>>) dst(%dma_wait3A_72 : memref<40x128xf32, #tpu.memory_space<hbm>>)
    %dma_wait3A_77 = arith.constant 2 : i32
    %dma_wait3A_78 = arith.constant 2 : i32
    %dma_wait3A_79 = arith.constant 0 : i32
    %dma_wait3A_80 = arith.constant 0 : i32
    %dma_wait3A_81 = tpu.memref_slice %arg7[%dma_wait3A_77, %dma_wait3A_79, %dma_wait3A_80] : memref<5x40x128xf32, #tpu.memory_space<vmem>> -> memref<1x40x128xf32, #tpu.memory_space<vmem>>
    %dma_wait3A_82 = tpu.memref_squeeze %dma_wait3A_81 : memref<1x40x128xf32, #tpu.memory_space<vmem>> -> memref<40x128xf32, #tpu.memory_space<vmem>>
    %dma_wait3A_83 = arith.constant 0 : i32
    %dma_wait3A_84 = tpu.memref_slice %arg4[%mul3A_2, %dma_wait3A_83] : memref<800000x128xf32, #tpu.memory_space<hbm>> -> memref<40x128xf32, #tpu.memory_space<hbm>>
    %dma_wait3A_85 = tpu.memref_slice %arg9[%dma_wait3A_78] : memref<5x!tpu.dma_semaphore, #tpu.memory_space<semaphore_mem>> -> memref<1x!tpu.dma_semaphore, #tpu.memory_space<semaphore_mem>>
    %dma_wait3A_86 = tpu.memref_squeeze %dma_wait3A_85 : memref<1x!tpu.dma_semaphore, #tpu.memory_space<semaphore_mem>> -> memref<!tpu.dma_semaphore, #tpu.memory_space<semaphore_mem>>
    %dma_wait3A_87 = arith.constant 0 : i32
    %dma_wait3A_88 = tpu.memref_slice %arg4[%mul3A_2, %dma_wait3A_87] : memref<800000x128xf32, #tpu.memory_space<hbm>> -> memref<40x128xf32, #tpu.memory_space<hbm>>
    %dma_wait3A_89 = arith.constant 0 : i32
    %dma_wait3A_90 = arith.constant 0 : i32
    %dma_wait3A_91 = tpu.memref_slice %arg7[%dma_wait3A_77, %dma_wait3A_89, %dma_wait3A_90] : memref<5x40x128xf32, #tpu.memory_space<vmem>> -> memref<1x40x128xf32, #tpu.memory_space<vmem>>
    %dma_wait3A_92 = tpu.memref_squeeze %dma_wait3A_91 : memref<1x40x128xf32, #tpu.memory_space<vmem>> -> memref<40x128xf32, #tpu.memory_space<vmem>>
    tpu.wait_dma2 semaphore(%dma_wait3A_86 : memref<!tpu.dma_semaphore, #tpu.memory_space<semaphore_mem>>) src(%dma_wait3A_92 : memref<40x128xf32, #tpu.memory_space<vmem>>) dst(%dma_wait3A_88 : memref<40x128xf32, #tpu.memory_space<hbm>>)
    %dma_wait3A_93 = arith.constant 3 : i32
    %dma_wait3A_94 = arith.constant 3 : i32
    %dma_wait3A_95 = arith.constant 0 : i32
    %dma_wait3A_96 = arith.constant 0 : i32
    %dma_wait3A_97 = tpu.memref_slice %arg7[%dma_wait3A_93, %dma_wait3A_95, %dma_wait3A_96] : memref<5x40x128xf32, #tpu.memory_space<vmem>> -> memref<1x40x128xf32, #tpu.memory_space<vmem>>
    %dma_wait3A_98 = tpu.memref_squeeze %dma_wait3A_97 : memref<1x40x128xf32, #tpu.memory_space<vmem>> -> memref<40x128xf32, #tpu.memory_space<vmem>>
    %dma_wait3A_99 = arith.constant 0 : i32
    %dma_wait3A_100 = tpu.memref_slice %arg4[%mul3A_2, %dma_wait3A_99] : memref<800000x128xf32, #tpu.memory_space<hbm>> -> memref<40x128xf32, #tpu.memory_space<hbm>>
    %dma_wait3A_101 = tpu.memref_slice %arg9[%dma_wait3A_94] : memref<5x!tpu.dma_semaphore, #tpu.memory_space<semaphore_mem>> -> memref<1x!tpu.dma_semaphore, #tpu.memory_space<semaphore_mem>>
    %dma_wait3A_102 = tpu.memref_squeeze %dma_wait3A_101 : memref<1x!tpu.dma_semaphore, #tpu.memory_space<semaphore_mem>> -> memref<!tpu.dma_semaphore, #tpu.memory_space<semaphore_mem>>
    %dma_wait3A_103 = arith.constant 0 : i32
    %dma_wait3A_104 = tpu.memref_slice %arg4[%mul3A_2, %dma_wait3A_103] : memref<800000x128xf32, #tpu.memory_space<hbm>> -> memref<40x128xf32, #tpu.memory_space<hbm>>
    %dma_wait3A_105 = arith.constant 0 : i32
    %dma_wait3A_106 = arith.constant 0 : i32
    %dma_wait3A_107 = tpu.memref_slice %arg7[%dma_wait3A_93, %dma_wait3A_105, %dma_wait3A_106] : memref<5x40x128xf32, #tpu.memory_space<vmem>> -> memref<1x40x128xf32, #tpu.memory_space<vmem>>
    %dma_wait3A_108 = tpu.memref_squeeze %dma_wait3A_107 : memref<1x40x128xf32, #tpu.memory_space<vmem>> -> memref<40x128xf32, #tpu.memory_space<vmem>>
    tpu.wait_dma2 semaphore(%dma_wait3A_102 : memref<!tpu.dma_semaphore, #tpu.memory_space<semaphore_mem>>) src(%dma_wait3A_108 : memref<40x128xf32, #tpu.memory_space<vmem>>) dst(%dma_wait3A_104 : memref<40x128xf32, #tpu.memory_space<hbm>>)
    %dma_wait3A_109 = arith.constant 4 : i32
    %dma_wait3A_110 = arith.constant 4 : i32
    %dma_wait3A_111 = arith.constant 0 : i32
    %dma_wait3A_112 = arith.constant 0 : i32
    %dma_wait3A_113 = tpu.memref_slice %arg7[%dma_wait3A_109, %dma_wait3A_111, %dma_wait3A_112] : memref<5x40x128xf32, #tpu.memory_space<vmem>> -> memref<1x40x128xf32, #tpu.memory_space<vmem>>
    %dma_wait3A_114 = tpu.memref_squeeze %dma_wait3A_113 : memref<1x40x128xf32, #tpu.memory_space<vmem>> -> memref<40x128xf32, #tpu.memory_space<vmem>>
    %dma_wait3A_115 = arith.constant 0 : i32
    %dma_wait3A_116 = tpu.memref_slice %arg4[%mul3A_2, %dma_wait3A_115] : memref<800000x128xf32, #tpu.memory_space<hbm>> -> memref<40x128xf32, #tpu.memory_space<hbm>>
    %dma_wait3A_117 = tpu.memref_slice %arg9[%dma_wait3A_110] : memref<5x!tpu.dma_semaphore, #tpu.memory_space<semaphore_mem>> -> memref<1x!tpu.dma_semaphore, #tpu.memory_space<semaphore_mem>>
    %dma_wait3A_118 = tpu.memref_squeeze %dma_wait3A_117 : memref<1x!tpu.dma_semaphore, #tpu.memory_space<semaphore_mem>> -> memref<!tpu.dma_semaphore, #tpu.memory_space<semaphore_mem>>
    %dma_wait3A_119 = arith.constant 0 : i32
    %dma_wait3A_120 = tpu.memref_slice %arg4[%mul3A_2, %dma_wait3A_119] : memref<800000x128xf32, #tpu.memory_space<hbm>> -> memref<40x128xf32, #tpu.memory_space<hbm>>
    %dma_wait3A_121 = arith.constant 0 : i32
    %dma_wait3A_122 = arith.constant 0 : i32
    %dma_wait3A_123 = tpu.memref_slice %arg7[%dma_wait3A_109, %dma_wait3A_121, %dma_wait3A_122] : memref<5x40x128xf32, #tpu.memory_space<vmem>> -> memref<1x40x128xf32, #tpu.memory_space<vmem>>
    %dma_wait3A_124 = tpu.memref_squeeze %dma_wait3A_123 : memref<1x40x128xf32, #tpu.memory_space<vmem>> -> memref<40x128xf32, #tpu.memory_space<vmem>>
    tpu.wait_dma2 semaphore(%dma_wait3A_118 : memref<!tpu.dma_semaphore, #tpu.memory_space<semaphore_mem>>) src(%dma_wait3A_124 : memref<40x128xf32, #tpu.memory_space<vmem>>) dst(%dma_wait3A_120 : memref<40x128xf32, #tpu.memory_space<hbm>>)
    return
  }
}

module attributes {stable_mosaic.version = 14 : i64} {
  func.func @_tc_body(%arg0: i32, %arg1: memref<16x400x128xf32, #tpu.memory_space<vmem>>, %arg2: memref<400x48xf32, #tpu.memory_space<vmem>>, %arg3: memref<96x240xf32, #tpu.memory_space<vmem>>, %arg4: memref<1x240xf32, #tpu.memory_space<vmem>>, %arg5: memref<15x960xf32, #tpu.memory_space<vmem>>, %arg6: memref<960x64xf32, #tpu.memory_space<vmem>>, %arg7: memref<400x64xf32, #tpu.memory_space<vmem>>) attributes {dimension_semantics = [#tpu.dimension_semantics<arbitrary>], iteration_bounds = array<i64: 125>, scalar_prefetch = 0 : i64, scratch_operands = 0 : i64, tpu.core_type = #tpu.core_type<tc>, window_params = [{transform_indices = @transform_0, window_bounds = array<i64: 16, 400, 128>}, {transform_indices = @transform_1, window_bounds = array<i64: 400, 48>}, {pipeline_mode = #tpu.pipeline_mode<synchronous>, transform_indices = @transform_2, window_bounds = array<i64: 96, 240>}, {pipeline_mode = #tpu.pipeline_mode<synchronous>, transform_indices = @transform_3, window_bounds = array<i64: 1, 240>}, {pipeline_mode = #tpu.pipeline_mode<synchronous>, transform_indices = @transform_4, window_bounds = array<i64: 15, 960>}, {pipeline_mode = #tpu.pipeline_mode<synchronous>, transform_indices = @transform_5, window_bounds = array<i64: 960, 64>}, {transform_indices = @transform_6, window_bounds = array<i64: 400, 64>}]} {
    %get3A = arith.constant 0 : index
    %get3A_0 = arith.constant 0 : index
    %get3A_1 = vector.load %arg2[%get3A, %get3A_0] : memref<400x48xf32, #tpu.memory_space<vmem>>, vector<400x48xf32>
    %get3A_2 = arith.constant 0 : index
    %get3A_3 = arith.constant 0 : index
    %get3A_4 = vector.load %arg3[%get3A_2, %get3A_3] : memref<96x240xf32, #tpu.memory_space<vmem>>, vector<96x240xf32>
    %get3A_5 = arith.constant 0 : index
    %get3A_6 = arith.constant 0 : index
    %get3A_7 = vector.load %arg4[%get3A_5, %get3A_6] : memref<1x240xf32, #tpu.memory_space<vmem>>, vector<1x240xf32>
    %get3A_8 = arith.constant 0 : index
    %get3A_9 = arith.constant 0 : index
    %get3A_10 = vector.load %arg5[%get3A_8, %get3A_9] : memref<15x960xf32, #tpu.memory_space<vmem>>, vector<15x960xf32>
    %get3A_11 = arith.constant 0 : index
    %get3A_12 = arith.constant 0 : index
    %get3A_13 = arith.constant 0 : index
    %get3A_14 = vector.load %arg1[%get3A_11, %get3A_12, %get3A_13] : memref<16x400x128xf32, #tpu.memory_space<vmem>>, vector<1x400x128xf32>
    %get3A_15 = vector.shape_cast %get3A_14 : vector<1x400x128xf32> to vector<400x128xf32>
    %slice3A = vector.extract_strided_slice %get3A_15 {offsets = [0, 64], sizes = [400, 3], strides = [1, 1]} : vector<400x128xf32> to vector<400x3xf32>
    %get3A_16 = arith.constant 1 : index
    %get3A_17 = arith.constant 0 : index
    %get3A_18 = arith.constant 0 : index
    %get3A_19 = vector.load %arg1[%get3A_16, %get3A_17, %get3A_18] : memref<16x400x128xf32, #tpu.memory_space<vmem>>, vector<1x400x128xf32>
    %get3A_20 = vector.shape_cast %get3A_19 : vector<1x400x128xf32> to vector<400x128xf32>
    %slice3A_21 = vector.extract_strided_slice %get3A_20 {offsets = [0, 64], sizes = [400, 3], strides = [1, 1]} : vector<400x128xf32> to vector<400x3xf32>
    %get3A_22 = arith.constant 2 : index
    %get3A_23 = arith.constant 0 : index
    %get3A_24 = arith.constant 0 : index
    %get3A_25 = vector.load %arg1[%get3A_22, %get3A_23, %get3A_24] : memref<16x400x128xf32, #tpu.memory_space<vmem>>, vector<1x400x128xf32>
    %get3A_26 = vector.shape_cast %get3A_25 : vector<1x400x128xf32> to vector<400x128xf32>
    %slice3A_27 = vector.extract_strided_slice %get3A_26 {offsets = [0, 64], sizes = [400, 3], strides = [1, 1]} : vector<400x128xf32> to vector<400x3xf32>
    %get3A_28 = arith.constant 3 : index
    %get3A_29 = arith.constant 0 : index
    %get3A_30 = arith.constant 0 : index
    %get3A_31 = vector.load %arg1[%get3A_28, %get3A_29, %get3A_30] : memref<16x400x128xf32, #tpu.memory_space<vmem>>, vector<1x400x128xf32>
    %get3A_32 = vector.shape_cast %get3A_31 : vector<1x400x128xf32> to vector<400x128xf32>
    %slice3A_33 = vector.extract_strided_slice %get3A_32 {offsets = [0, 64], sizes = [400, 3], strides = [1, 1]} : vector<400x128xf32> to vector<400x3xf32>
    %get3A_34 = arith.constant 4 : index
    %get3A_35 = arith.constant 0 : index
    %get3A_36 = arith.constant 0 : index
    %get3A_37 = vector.load %arg1[%get3A_34, %get3A_35, %get3A_36] : memref<16x400x128xf32, #tpu.memory_space<vmem>>, vector<1x400x128xf32>
    %get3A_38 = vector.shape_cast %get3A_37 : vector<1x400x128xf32> to vector<400x128xf32>
    %slice3A_39 = vector.extract_strided_slice %get3A_38 {offsets = [0, 64], sizes = [400, 3], strides = [1, 1]} : vector<400x128xf32> to vector<400x3xf32>
    %get3A_40 = arith.constant 5 : index
    %get3A_41 = arith.constant 0 : index
    %get3A_42 = arith.constant 0 : index
    %get3A_43 = vector.load %arg1[%get3A_40, %get3A_41, %get3A_42] : memref<16x400x128xf32, #tpu.memory_space<vmem>>, vector<1x400x128xf32>
    %get3A_44 = vector.shape_cast %get3A_43 : vector<1x400x128xf32> to vector<400x128xf32>
    %slice3A_45 = vector.extract_strided_slice %get3A_44 {offsets = [0, 64], sizes = [400, 3], strides = [1, 1]} : vector<400x128xf32> to vector<400x3xf32>
    %get3A_46 = arith.constant 6 : index
    %get3A_47 = arith.constant 0 : index
    %get3A_48 = arith.constant 0 : index
    %get3A_49 = vector.load %arg1[%get3A_46, %get3A_47, %get3A_48] : memref<16x400x128xf32, #tpu.memory_space<vmem>>, vector<1x400x128xf32>
    %get3A_50 = vector.shape_cast %get3A_49 : vector<1x400x128xf32> to vector<400x128xf32>
    %slice3A_51 = vector.extract_strided_slice %get3A_50 {offsets = [0, 64], sizes = [400, 3], strides = [1, 1]} : vector<400x128xf32> to vector<400x3xf32>
    %get3A_52 = arith.constant 7 : index
    %get3A_53 = arith.constant 0 : index
    %get3A_54 = arith.constant 0 : index
    %get3A_55 = vector.load %arg1[%get3A_52, %get3A_53, %get3A_54] : memref<16x400x128xf32, #tpu.memory_space<vmem>>, vector<1x400x128xf32>
    %get3A_56 = vector.shape_cast %get3A_55 : vector<1x400x128xf32> to vector<400x128xf32>
    %slice3A_57 = vector.extract_strided_slice %get3A_56 {offsets = [0, 64], sizes = [400, 3], strides = [1, 1]} : vector<400x128xf32> to vector<400x3xf32>
    %get3A_58 = arith.constant 8 : index
    %get3A_59 = arith.constant 0 : index
    %get3A_60 = arith.constant 0 : index
    %get3A_61 = vector.load %arg1[%get3A_58, %get3A_59, %get3A_60] : memref<16x400x128xf32, #tpu.memory_space<vmem>>, vector<1x400x128xf32>
    %get3A_62 = vector.shape_cast %get3A_61 : vector<1x400x128xf32> to vector<400x128xf32>
    %slice3A_63 = vector.extract_strided_slice %get3A_62 {offsets = [0, 64], sizes = [400, 3], strides = [1, 1]} : vector<400x128xf32> to vector<400x3xf32>
    %get3A_64 = arith.constant 9 : index
    %get3A_65 = arith.constant 0 : index
    %get3A_66 = arith.constant 0 : index
    %get3A_67 = vector.load %arg1[%get3A_64, %get3A_65, %get3A_66] : memref<16x400x128xf32, #tpu.memory_space<vmem>>, vector<1x400x128xf32>
    %get3A_68 = vector.shape_cast %get3A_67 : vector<1x400x128xf32> to vector<400x128xf32>
    %slice3A_69 = vector.extract_strided_slice %get3A_68 {offsets = [0, 64], sizes = [400, 3], strides = [1, 1]} : vector<400x128xf32> to vector<400x3xf32>
    %get3A_70 = arith.constant 10 : index
    %get3A_71 = arith.constant 0 : index
    %get3A_72 = arith.constant 0 : index
    %get3A_73 = vector.load %arg1[%get3A_70, %get3A_71, %get3A_72] : memref<16x400x128xf32, #tpu.memory_space<vmem>>, vector<1x400x128xf32>
    %get3A_74 = vector.shape_cast %get3A_73 : vector<1x400x128xf32> to vector<400x128xf32>
    %slice3A_75 = vector.extract_strided_slice %get3A_74 {offsets = [0, 64], sizes = [400, 3], strides = [1, 1]} : vector<400x128xf32> to vector<400x3xf32>
    %get3A_76 = arith.constant 11 : index
    %get3A_77 = arith.constant 0 : index
    %get3A_78 = arith.constant 0 : index
    %get3A_79 = vector.load %arg1[%get3A_76, %get3A_77, %get3A_78] : memref<16x400x128xf32, #tpu.memory_space<vmem>>, vector<1x400x128xf32>
    %get3A_80 = vector.shape_cast %get3A_79 : vector<1x400x128xf32> to vector<400x128xf32>
    %slice3A_81 = vector.extract_strided_slice %get3A_80 {offsets = [0, 64], sizes = [400, 3], strides = [1, 1]} : vector<400x128xf32> to vector<400x3xf32>
    %get3A_82 = arith.constant 12 : index
    %get3A_83 = arith.constant 0 : index
    %get3A_84 = arith.constant 0 : index
    %get3A_85 = vector.load %arg1[%get3A_82, %get3A_83, %get3A_84] : memref<16x400x128xf32, #tpu.memory_space<vmem>>, vector<1x400x128xf32>
    %get3A_86 = vector.shape_cast %get3A_85 : vector<1x400x128xf32> to vector<400x128xf32>
    %slice3A_87 = vector.extract_strided_slice %get3A_86 {offsets = [0, 64], sizes = [400, 3], strides = [1, 1]} : vector<400x128xf32> to vector<400x3xf32>
    %get3A_88 = arith.constant 13 : index
    %get3A_89 = arith.constant 0 : index
    %get3A_90 = arith.constant 0 : index
    %get3A_91 = vector.load %arg1[%get3A_88, %get3A_89, %get3A_90] : memref<16x400x128xf32, #tpu.memory_space<vmem>>, vector<1x400x128xf32>
    %get3A_92 = vector.shape_cast %get3A_91 : vector<1x400x128xf32> to vector<400x128xf32>
    %slice3A_93 = vector.extract_strided_slice %get3A_92 {offsets = [0, 64], sizes = [400, 3], strides = [1, 1]} : vector<400x128xf32> to vector<400x3xf32>
    %get3A_94 = arith.constant 14 : index
    %get3A_95 = arith.constant 0 : index
    %get3A_96 = arith.constant 0 : index
    %get3A_97 = vector.load %arg1[%get3A_94, %get3A_95, %get3A_96] : memref<16x400x128xf32, #tpu.memory_space<vmem>>, vector<1x400x128xf32>
    %get3A_98 = vector.shape_cast %get3A_97 : vector<1x400x128xf32> to vector<400x128xf32>
    %slice3A_99 = vector.extract_strided_slice %get3A_98 {offsets = [0, 64], sizes = [400, 3], strides = [1, 1]} : vector<400x128xf32> to vector<400x3xf32>
    %get3A_100 = arith.constant 15 : index
    %get3A_101 = arith.constant 0 : index
    %get3A_102 = arith.constant 0 : index
    %get3A_103 = vector.load %arg1[%get3A_100, %get3A_101, %get3A_102] : memref<16x400x128xf32, #tpu.memory_space<vmem>>, vector<1x400x128xf32>
    %get3A_104 = vector.shape_cast %get3A_103 : vector<1x400x128xf32> to vector<400x128xf32>
    %slice3A_105 = vector.extract_strided_slice %get3A_104 {offsets = [0, 64], sizes = [400, 3], strides = [1, 1]} : vector<400x128xf32> to vector<400x3xf32>
    %concatenate3A = tpu.concatenate %slice3A, %slice3A_21, %slice3A_27, %slice3A_33, %slice3A_39, %slice3A_45, %slice3A_51, %slice3A_57, %slice3A_63, %slice3A_69, %slice3A_75, %slice3A_81, %slice3A_87, %slice3A_93, %slice3A_99, %slice3A_105 in 1 : vector<400x3xf32>, vector<400x3xf32>, vector<400x3xf32>, vector<400x3xf32>, vector<400x3xf32>, vector<400x3xf32>, vector<400x3xf32>, vector<400x3xf32>, vector<400x3xf32>, vector<400x3xf32>, vector<400x3xf32>, vector<400x3xf32>, vector<400x3xf32>, vector<400x3xf32>, vector<400x3xf32>, vector<400x3xf32> -> vector<400x48xf32>
    %sub3A = arith.subf %concatenate3A, %get3A_1 : vector<400x48xf32>
    %mul3A = arith.mulf %sub3A, %sub3A : vector<400x48xf32>
    %concatenate3A_106 = tpu.concatenate %sub3A, %mul3A in 1 : vector<400x48xf32>, vector<400x48xf32> -> vector<400x96xf32>
    %dot_general3A = arith.constant dense<0.000000e+00> : vector<400x240xf32>
    %dot_general3A_107 = tpu.matmul %concatenate3A_106, %get3A_4, %dot_general3A {dimension_numbers = #tpu.dot_dimension_numbers<[1], [0], [0], [1], [0, 0, 1, 1], [], []>, transpose_lhs_hint = false} : vector<400x96xf32>, vector<96x240xf32>, vector<400x240xf32> -> vector<400x240xf32>
    %add3A = vector.broadcast %get3A_7 : vector<1x240xf32> to vector<400x240xf32>
    %add3A_108 = arith.addf %dot_general3A_107, %add3A : vector<400x240xf32>
    %max3A = arith.constant 0.000000e+00 : f32
    %max3A_109 = vector.broadcast %max3A : f32 to vector<400x240xf32>
    %max3A_110 = arith.maximumf %add3A_108, %max3A_109 : vector<400x240xf32>
    %sqrt3A = math.sqrt %max3A_110 : vector<400x240xf32>
    %mul3A_111 = arith.constant 0.833333313 : f32
    %mul3A_112 = vector.broadcast %mul3A_111 : f32 to vector<400x240xf32>
    %mul3A_113 = arith.mulf %sqrt3A, %mul3A_112 : vector<400x240xf32>
    %sub3A_114 = arith.constant 1.000000e+00 : f32
    %sub3A_115 = vector.broadcast %sub3A_114 : f32 to vector<400x240xf32>
    %sub3A_116 = arith.subf %sub3A_115, %mul3A_113 : vector<400x240xf32>
    %max3A_117 = arith.constant 0.000000e+00 : f32
    %max3A_118 = vector.broadcast %max3A_117 : f32 to vector<400x240xf32>
    %max3A_119 = arith.maximumf %sub3A_116, %max3A_118 : vector<400x240xf32>
    %broadcast_in_dim3A = arith.constant 0.000000e+00 : f32
    %broadcast_in_dim3A_120 = vector.broadcast %broadcast_in_dim3A : f32 to vector<400x960xf32>
    %broadcast_in_dim3A_121 = arith.constant 0.000000e+00 : f32
    %broadcast_in_dim3A_122 = vector.broadcast %broadcast_in_dim3A_121 : f32 to vector<400x1xf32>
    %get3A_123 = arith.constant 0 : index
    %get3A_124 = arith.constant 0 : index
    %get3A_125 = arith.constant 0 : index
    %get3A_126 = vector.load %arg1[%get3A_123, %get3A_124, %get3A_125] : memref<16x400x128xf32, #tpu.memory_space<vmem>>, vector<1x400x128xf32>
    %get3A_127 = vector.shape_cast %get3A_126 : vector<1x400x128xf32> to vector<400x128xf32>
    %slice3A_128 = vector.extract_strided_slice %get3A_127 {offsets = [0, 0], sizes = [400, 64], strides = [1, 1]} : vector<400x128xf32> to vector<400x64xf32>
    %slice3A_129 = vector.extract_strided_slice %max3A_119 {offsets = [0, 0], sizes = [400, 15], strides = [1, 1]} : vector<400x240xf32> to vector<400x15xf32>
    %dot_general3A_130 = arith.constant dense<0.000000e+00> : vector<400x960xf32>
    %dot_general3A_131 = tpu.matmul %slice3A_129, %get3A_10, %dot_general3A_130 {dimension_numbers = #tpu.dot_dimension_numbers<[1], [0], [0], [1], [0, 0, 1, 1], [], []>, transpose_lhs_hint = false} : vector<400x15xf32>, vector<15x960xf32>, vector<400x960xf32> -> vector<400x960xf32>
    %concatenate3A_132 = tpu.concatenate %slice3A_128, %slice3A_128, %slice3A_128, %slice3A_128, %slice3A_128, %slice3A_128, %slice3A_128, %slice3A_128, %slice3A_128, %slice3A_128, %slice3A_128, %slice3A_128, %slice3A_128, %slice3A_128, %slice3A_128 in 1 : vector<400x64xf32>, vector<400x64xf32>, vector<400x64xf32>, vector<400x64xf32>, vector<400x64xf32>, vector<400x64xf32>, vector<400x64xf32>, vector<400x64xf32>, vector<400x64xf32>, vector<400x64xf32>, vector<400x64xf32>, vector<400x64xf32>, vector<400x64xf32>, vector<400x64xf32>, vector<400x64xf32> -> vector<400x960xf32>
    %mul3A_133 = arith.mulf %dot_general3A_131, %concatenate3A_132 : vector<400x960xf32>
    %add3A_134 = arith.addf %broadcast_in_dim3A_120, %mul3A_133 : vector<400x960xf32>
    %reduce_sum3A = arith.constant dense<0.000000e+00> : vector<400xf32>
    %reduce_sum3A_135 = vector.multi_reduction <add>, %slice3A_128, %reduce_sum3A [1] : vector<400x64xf32> to vector<400xf32>
    %broadcast_in_dim3A_136 = vector.shape_cast %reduce_sum3A_135 : vector<400xf32> to vector<400x1xf32>
    %gt3A = arith.constant 0.000000e+00 : f32
    %gt3A_137 = vector.broadcast %gt3A : f32 to vector<400x1xf32>
    %gt3A_138 = arith.cmpf ogt, %broadcast_in_dim3A_136, %gt3A_137 : vector<400x1xf32>
    %convert_element_type3A = arith.extui %gt3A_138 : vector<400x1xi1> to vector<400x1xi32>
    %convert_element_type3A_139 = arith.sitofp %convert_element_type3A : vector<400x1xi32> to vector<400x1xf32>
    %add3A_140 = arith.addf %broadcast_in_dim3A_122, %convert_element_type3A_139 : vector<400x1xf32>
    %get3A_141 = arith.constant 1 : index
    %get3A_142 = arith.constant 0 : index
    %get3A_143 = arith.constant 0 : index
    %get3A_144 = vector.load %arg1[%get3A_141, %get3A_142, %get3A_143] : memref<16x400x128xf32, #tpu.memory_space<vmem>>, vector<1x400x128xf32>
    %get3A_145 = vector.shape_cast %get3A_144 : vector<1x400x128xf32> to vector<400x128xf32>
    %slice3A_146 = vector.extract_strided_slice %get3A_145 {offsets = [0, 0], sizes = [400, 64], strides = [1, 1]} : vector<400x128xf32> to vector<400x64xf32>
    %slice3A_147 = vector.extract_strided_slice %max3A_119 {offsets = [0, 15], sizes = [400, 15], strides = [1, 1]} : vector<400x240xf32> to vector<400x15xf32>
    %dot_general3A_148 = arith.constant dense<0.000000e+00> : vector<400x960xf32>
    %dot_general3A_149 = tpu.matmul %slice3A_147, %get3A_10, %dot_general3A_148 {dimension_numbers = #tpu.dot_dimension_numbers<[1], [0], [0], [1], [0, 0, 1, 1], [], []>, transpose_lhs_hint = false} : vector<400x15xf32>, vector<15x960xf32>, vector<400x960xf32> -> vector<400x960xf32>
    %concatenate3A_150 = tpu.concatenate %slice3A_146, %slice3A_146, %slice3A_146, %slice3A_146, %slice3A_146, %slice3A_146, %slice3A_146, %slice3A_146, %slice3A_146, %slice3A_146, %slice3A_146, %slice3A_146, %slice3A_146, %slice3A_146, %slice3A_146 in 1 : vector<400x64xf32>, vector<400x64xf32>, vector<400x64xf32>, vector<400x64xf32>, vector<400x64xf32>, vector<400x64xf32>, vector<400x64xf32>, vector<400x64xf32>, vector<400x64xf32>, vector<400x64xf32>, vector<400x64xf32>, vector<400x64xf32>, vector<400x64xf32>, vector<400x64xf32>, vector<400x64xf32> -> vector<400x960xf32>
    %mul3A_151 = arith.mulf %dot_general3A_149, %concatenate3A_150 : vector<400x960xf32>
    %add3A_152 = arith.addf %add3A_134, %mul3A_151 : vector<400x960xf32>
    %reduce_sum3A_153 = arith.constant dense<0.000000e+00> : vector<400xf32>
    %reduce_sum3A_154 = vector.multi_reduction <add>, %slice3A_146, %reduce_sum3A_153 [1] : vector<400x64xf32> to vector<400xf32>
    %broadcast_in_dim3A_155 = vector.shape_cast %reduce_sum3A_154 : vector<400xf32> to vector<400x1xf32>
    %gt3A_156 = arith.constant 0.000000e+00 : f32
    %gt3A_157 = vector.broadcast %gt3A_156 : f32 to vector<400x1xf32>
    %gt3A_158 = arith.cmpf ogt, %broadcast_in_dim3A_155, %gt3A_157 : vector<400x1xf32>
    %convert_element_type3A_159 = arith.extui %gt3A_158 : vector<400x1xi1> to vector<400x1xi32>
    %convert_element_type3A_160 = arith.sitofp %convert_element_type3A_159 : vector<400x1xi32> to vector<400x1xf32>
    %add3A_161 = arith.addf %add3A_140, %convert_element_type3A_160 : vector<400x1xf32>
    %get3A_162 = arith.constant 2 : index
    %get3A_163 = arith.constant 0 : index
    %get3A_164 = arith.constant 0 : index
    %get3A_165 = vector.load %arg1[%get3A_162, %get3A_163, %get3A_164] : memref<16x400x128xf32, #tpu.memory_space<vmem>>, vector<1x400x128xf32>
    %get3A_166 = vector.shape_cast %get3A_165 : vector<1x400x128xf32> to vector<400x128xf32>
    %slice3A_167 = vector.extract_strided_slice %get3A_166 {offsets = [0, 0], sizes = [400, 64], strides = [1, 1]} : vector<400x128xf32> to vector<400x64xf32>
    %slice3A_168 = vector.extract_strided_slice %max3A_119 {offsets = [0, 30], sizes = [400, 15], strides = [1, 1]} : vector<400x240xf32> to vector<400x15xf32>
    %dot_general3A_169 = arith.constant dense<0.000000e+00> : vector<400x960xf32>
    %dot_general3A_170 = tpu.matmul %slice3A_168, %get3A_10, %dot_general3A_169 {dimension_numbers = #tpu.dot_dimension_numbers<[1], [0], [0], [1], [0, 0, 1, 1], [], []>, transpose_lhs_hint = false} : vector<400x15xf32>, vector<15x960xf32>, vector<400x960xf32> -> vector<400x960xf32>
    %concatenate3A_171 = tpu.concatenate %slice3A_167, %slice3A_167, %slice3A_167, %slice3A_167, %slice3A_167, %slice3A_167, %slice3A_167, %slice3A_167, %slice3A_167, %slice3A_167, %slice3A_167, %slice3A_167, %slice3A_167, %slice3A_167, %slice3A_167 in 1 : vector<400x64xf32>, vector<400x64xf32>, vector<400x64xf32>, vector<400x64xf32>, vector<400x64xf32>, vector<400x64xf32>, vector<400x64xf32>, vector<400x64xf32>, vector<400x64xf32>, vector<400x64xf32>, vector<400x64xf32>, vector<400x64xf32>, vector<400x64xf32>, vector<400x64xf32>, vector<400x64xf32> -> vector<400x960xf32>
    %mul3A_172 = arith.mulf %dot_general3A_170, %concatenate3A_171 : vector<400x960xf32>
    %add3A_173 = arith.addf %add3A_152, %mul3A_172 : vector<400x960xf32>
    %reduce_sum3A_174 = arith.constant dense<0.000000e+00> : vector<400xf32>
    %reduce_sum3A_175 = vector.multi_reduction <add>, %slice3A_167, %reduce_sum3A_174 [1] : vector<400x64xf32> to vector<400xf32>
    %broadcast_in_dim3A_176 = vector.shape_cast %reduce_sum3A_175 : vector<400xf32> to vector<400x1xf32>
    %gt3A_177 = arith.constant 0.000000e+00 : f32
    %gt3A_178 = vector.broadcast %gt3A_177 : f32 to vector<400x1xf32>
    %gt3A_179 = arith.cmpf ogt, %broadcast_in_dim3A_176, %gt3A_178 : vector<400x1xf32>
    %convert_element_type3A_180 = arith.extui %gt3A_179 : vector<400x1xi1> to vector<400x1xi32>
    %convert_element_type3A_181 = arith.sitofp %convert_element_type3A_180 : vector<400x1xi32> to vector<400x1xf32>
    %add3A_182 = arith.addf %add3A_161, %convert_element_type3A_181 : vector<400x1xf32>
    %get3A_183 = arith.constant 3 : index
    %get3A_184 = arith.constant 0 : index
    %get3A_185 = arith.constant 0 : index
    %get3A_186 = vector.load %arg1[%get3A_183, %get3A_184, %get3A_185] : memref<16x400x128xf32, #tpu.memory_space<vmem>>, vector<1x400x128xf32>
    %get3A_187 = vector.shape_cast %get3A_186 : vector<1x400x128xf32> to vector<400x128xf32>
    %slice3A_188 = vector.extract_strided_slice %get3A_187 {offsets = [0, 0], sizes = [400, 64], strides = [1, 1]} : vector<400x128xf32> to vector<400x64xf32>
    %slice3A_189 = vector.extract_strided_slice %max3A_119 {offsets = [0, 45], sizes = [400, 15], strides = [1, 1]} : vector<400x240xf32> to vector<400x15xf32>
    %dot_general3A_190 = arith.constant dense<0.000000e+00> : vector<400x960xf32>
    %dot_general3A_191 = tpu.matmul %slice3A_189, %get3A_10, %dot_general3A_190 {dimension_numbers = #tpu.dot_dimension_numbers<[1], [0], [0], [1], [0, 0, 1, 1], [], []>, transpose_lhs_hint = false} : vector<400x15xf32>, vector<15x960xf32>, vector<400x960xf32> -> vector<400x960xf32>
    %concatenate3A_192 = tpu.concatenate %slice3A_188, %slice3A_188, %slice3A_188, %slice3A_188, %slice3A_188, %slice3A_188, %slice3A_188, %slice3A_188, %slice3A_188, %slice3A_188, %slice3A_188, %slice3A_188, %slice3A_188, %slice3A_188, %slice3A_188 in 1 : vector<400x64xf32>, vector<400x64xf32>, vector<400x64xf32>, vector<400x64xf32>, vector<400x64xf32>, vector<400x64xf32>, vector<400x64xf32>, vector<400x64xf32>, vector<400x64xf32>, vector<400x64xf32>, vector<400x64xf32>, vector<400x64xf32>, vector<400x64xf32>, vector<400x64xf32>, vector<400x64xf32> -> vector<400x960xf32>
    %mul3A_193 = arith.mulf %dot_general3A_191, %concatenate3A_192 : vector<400x960xf32>
    %add3A_194 = arith.addf %add3A_173, %mul3A_193 : vector<400x960xf32>
    %reduce_sum3A_195 = arith.constant dense<0.000000e+00> : vector<400xf32>
    %reduce_sum3A_196 = vector.multi_reduction <add>, %slice3A_188, %reduce_sum3A_195 [1] : vector<400x64xf32> to vector<400xf32>
    %broadcast_in_dim3A_197 = vector.shape_cast %reduce_sum3A_196 : vector<400xf32> to vector<400x1xf32>
    %gt3A_198 = arith.constant 0.000000e+00 : f32
    %gt3A_199 = vector.broadcast %gt3A_198 : f32 to vector<400x1xf32>
    %gt3A_200 = arith.cmpf ogt, %broadcast_in_dim3A_197, %gt3A_199 : vector<400x1xf32>
    %convert_element_type3A_201 = arith.extui %gt3A_200 : vector<400x1xi1> to vector<400x1xi32>
    %convert_element_type3A_202 = arith.sitofp %convert_element_type3A_201 : vector<400x1xi32> to vector<400x1xf32>
    %add3A_203 = arith.addf %add3A_182, %convert_element_type3A_202 : vector<400x1xf32>
    %get3A_204 = arith.constant 4 : index
    %get3A_205 = arith.constant 0 : index
    %get3A_206 = arith.constant 0 : index
    %get3A_207 = vector.load %arg1[%get3A_204, %get3A_205, %get3A_206] : memref<16x400x128xf32, #tpu.memory_space<vmem>>, vector<1x400x128xf32>
    %get3A_208 = vector.shape_cast %get3A_207 : vector<1x400x128xf32> to vector<400x128xf32>
    %slice3A_209 = vector.extract_strided_slice %get3A_208 {offsets = [0, 0], sizes = [400, 64], strides = [1, 1]} : vector<400x128xf32> to vector<400x64xf32>
    %slice3A_210 = vector.extract_strided_slice %max3A_119 {offsets = [0, 60], sizes = [400, 15], strides = [1, 1]} : vector<400x240xf32> to vector<400x15xf32>
    %dot_general3A_211 = arith.constant dense<0.000000e+00> : vector<400x960xf32>
    %dot_general3A_212 = tpu.matmul %slice3A_210, %get3A_10, %dot_general3A_211 {dimension_numbers = #tpu.dot_dimension_numbers<[1], [0], [0], [1], [0, 0, 1, 1], [], []>, transpose_lhs_hint = false} : vector<400x15xf32>, vector<15x960xf32>, vector<400x960xf32> -> vector<400x960xf32>
    %concatenate3A_213 = tpu.concatenate %slice3A_209, %slice3A_209, %slice3A_209, %slice3A_209, %slice3A_209, %slice3A_209, %slice3A_209, %slice3A_209, %slice3A_209, %slice3A_209, %slice3A_209, %slice3A_209, %slice3A_209, %slice3A_209, %slice3A_209 in 1 : vector<400x64xf32>, vector<400x64xf32>, vector<400x64xf32>, vector<400x64xf32>, vector<400x64xf32>, vector<400x64xf32>, vector<400x64xf32>, vector<400x64xf32>, vector<400x64xf32>, vector<400x64xf32>, vector<400x64xf32>, vector<400x64xf32>, vector<400x64xf32>, vector<400x64xf32>, vector<400x64xf32> -> vector<400x960xf32>
    %mul3A_214 = arith.mulf %dot_general3A_212, %concatenate3A_213 : vector<400x960xf32>
    %add3A_215 = arith.addf %add3A_194, %mul3A_214 : vector<400x960xf32>
    %reduce_sum3A_216 = arith.constant dense<0.000000e+00> : vector<400xf32>
    %reduce_sum3A_217 = vector.multi_reduction <add>, %slice3A_209, %reduce_sum3A_216 [1] : vector<400x64xf32> to vector<400xf32>
    %broadcast_in_dim3A_218 = vector.shape_cast %reduce_sum3A_217 : vector<400xf32> to vector<400x1xf32>
    %gt3A_219 = arith.constant 0.000000e+00 : f32
    %gt3A_220 = vector.broadcast %gt3A_219 : f32 to vector<400x1xf32>
    %gt3A_221 = arith.cmpf ogt, %broadcast_in_dim3A_218, %gt3A_220 : vector<400x1xf32>
    %convert_element_type3A_222 = arith.extui %gt3A_221 : vector<400x1xi1> to vector<400x1xi32>
    %convert_element_type3A_223 = arith.sitofp %convert_element_type3A_222 : vector<400x1xi32> to vector<400x1xf32>
    %add3A_224 = arith.addf %add3A_203, %convert_element_type3A_223 : vector<400x1xf32>
    %get3A_225 = arith.constant 5 : index
    %get3A_226 = arith.constant 0 : index
    %get3A_227 = arith.constant 0 : index
    %get3A_228 = vector.load %arg1[%get3A_225, %get3A_226, %get3A_227] : memref<16x400x128xf32, #tpu.memory_space<vmem>>, vector<1x400x128xf32>
    %get3A_229 = vector.shape_cast %get3A_228 : vector<1x400x128xf32> to vector<400x128xf32>
    %slice3A_230 = vector.extract_strided_slice %get3A_229 {offsets = [0, 0], sizes = [400, 64], strides = [1, 1]} : vector<400x128xf32> to vector<400x64xf32>
    %slice3A_231 = vector.extract_strided_slice %max3A_119 {offsets = [0, 75], sizes = [400, 15], strides = [1, 1]} : vector<400x240xf32> to vector<400x15xf32>
    %dot_general3A_232 = arith.constant dense<0.000000e+00> : vector<400x960xf32>
    %dot_general3A_233 = tpu.matmul %slice3A_231, %get3A_10, %dot_general3A_232 {dimension_numbers = #tpu.dot_dimension_numbers<[1], [0], [0], [1], [0, 0, 1, 1], [], []>, transpose_lhs_hint = false} : vector<400x15xf32>, vector<15x960xf32>, vector<400x960xf32> -> vector<400x960xf32>
    %concatenate3A_234 = tpu.concatenate %slice3A_230, %slice3A_230, %slice3A_230, %slice3A_230, %slice3A_230, %slice3A_230, %slice3A_230, %slice3A_230, %slice3A_230, %slice3A_230, %slice3A_230, %slice3A_230, %slice3A_230, %slice3A_230, %slice3A_230 in 1 : vector<400x64xf32>, vector<400x64xf32>, vector<400x64xf32>, vector<400x64xf32>, vector<400x64xf32>, vector<400x64xf32>, vector<400x64xf32>, vector<400x64xf32>, vector<400x64xf32>, vector<400x64xf32>, vector<400x64xf32>, vector<400x64xf32>, vector<400x64xf32>, vector<400x64xf32>, vector<400x64xf32> -> vector<400x960xf32>
    %mul3A_235 = arith.mulf %dot_general3A_233, %concatenate3A_234 : vector<400x960xf32>
    %add3A_236 = arith.addf %add3A_215, %mul3A_235 : vector<400x960xf32>
    %reduce_sum3A_237 = arith.constant dense<0.000000e+00> : vector<400xf32>
    %reduce_sum3A_238 = vector.multi_reduction <add>, %slice3A_230, %reduce_sum3A_237 [1] : vector<400x64xf32> to vector<400xf32>
    %broadcast_in_dim3A_239 = vector.shape_cast %reduce_sum3A_238 : vector<400xf32> to vector<400x1xf32>
    %gt3A_240 = arith.constant 0.000000e+00 : f32
    %gt3A_241 = vector.broadcast %gt3A_240 : f32 to vector<400x1xf32>
    %gt3A_242 = arith.cmpf ogt, %broadcast_in_dim3A_239, %gt3A_241 : vector<400x1xf32>
    %convert_element_type3A_243 = arith.extui %gt3A_242 : vector<400x1xi1> to vector<400x1xi32>
    %convert_element_type3A_244 = arith.sitofp %convert_element_type3A_243 : vector<400x1xi32> to vector<400x1xf32>
    %add3A_245 = arith.addf %add3A_224, %convert_element_type3A_244 : vector<400x1xf32>
    %get3A_246 = arith.constant 6 : index
    %get3A_247 = arith.constant 0 : index
    %get3A_248 = arith.constant 0 : index
    %get3A_249 = vector.load %arg1[%get3A_246, %get3A_247, %get3A_248] : memref<16x400x128xf32, #tpu.memory_space<vmem>>, vector<1x400x128xf32>
    %get3A_250 = vector.shape_cast %get3A_249 : vector<1x400x128xf32> to vector<400x128xf32>
    %slice3A_251 = vector.extract_strided_slice %get3A_250 {offsets = [0, 0], sizes = [400, 64], strides = [1, 1]} : vector<400x128xf32> to vector<400x64xf32>
    %slice3A_252 = vector.extract_strided_slice %max3A_119 {offsets = [0, 90], sizes = [400, 15], strides = [1, 1]} : vector<400x240xf32> to vector<400x15xf32>
    %dot_general3A_253 = arith.constant dense<0.000000e+00> : vector<400x960xf32>
    %dot_general3A_254 = tpu.matmul %slice3A_252, %get3A_10, %dot_general3A_253 {dimension_numbers = #tpu.dot_dimension_numbers<[1], [0], [0], [1], [0, 0, 1, 1], [], []>, transpose_lhs_hint = false} : vector<400x15xf32>, vector<15x960xf32>, vector<400x960xf32> -> vector<400x960xf32>
    %concatenate3A_255 = tpu.concatenate %slice3A_251, %slice3A_251, %slice3A_251, %slice3A_251, %slice3A_251, %slice3A_251, %slice3A_251, %slice3A_251, %slice3A_251, %slice3A_251, %slice3A_251, %slice3A_251, %slice3A_251, %slice3A_251, %slice3A_251 in 1 : vector<400x64xf32>, vector<400x64xf32>, vector<400x64xf32>, vector<400x64xf32>, vector<400x64xf32>, vector<400x64xf32>, vector<400x64xf32>, vector<400x64xf32>, vector<400x64xf32>, vector<400x64xf32>, vector<400x64xf32>, vector<400x64xf32>, vector<400x64xf32>, vector<400x64xf32>, vector<400x64xf32> -> vector<400x960xf32>
    %mul3A_256 = arith.mulf %dot_general3A_254, %concatenate3A_255 : vector<400x960xf32>
    %add3A_257 = arith.addf %add3A_236, %mul3A_256 : vector<400x960xf32>
    %reduce_sum3A_258 = arith.constant dense<0.000000e+00> : vector<400xf32>
    %reduce_sum3A_259 = vector.multi_reduction <add>, %slice3A_251, %reduce_sum3A_258 [1] : vector<400x64xf32> to vector<400xf32>
    %broadcast_in_dim3A_260 = vector.shape_cast %reduce_sum3A_259 : vector<400xf32> to vector<400x1xf32>
    %gt3A_261 = arith.constant 0.000000e+00 : f32
    %gt3A_262 = vector.broadcast %gt3A_261 : f32 to vector<400x1xf32>
    %gt3A_263 = arith.cmpf ogt, %broadcast_in_dim3A_260, %gt3A_262 : vector<400x1xf32>
    %convert_element_type3A_264 = arith.extui %gt3A_263 : vector<400x1xi1> to vector<400x1xi32>
    %convert_element_type3A_265 = arith.sitofp %convert_element_type3A_264 : vector<400x1xi32> to vector<400x1xf32>
    %add3A_266 = arith.addf %add3A_245, %convert_element_type3A_265 : vector<400x1xf32>
    %get3A_267 = arith.constant 7 : index
    %get3A_268 = arith.constant 0 : index
    %get3A_269 = arith.constant 0 : index
    %get3A_270 = vector.load %arg1[%get3A_267, %get3A_268, %get3A_269] : memref<16x400x128xf32, #tpu.memory_space<vmem>>, vector<1x400x128xf32>
    %get3A_271 = vector.shape_cast %get3A_270 : vector<1x400x128xf32> to vector<400x128xf32>
    %slice3A_272 = vector.extract_strided_slice %get3A_271 {offsets = [0, 0], sizes = [400, 64], strides = [1, 1]} : vector<400x128xf32> to vector<400x64xf32>
    %slice3A_273 = vector.extract_strided_slice %max3A_119 {offsets = [0, 105], sizes = [400, 15], strides = [1, 1]} : vector<400x240xf32> to vector<400x15xf32>
    %dot_general3A_274 = arith.constant dense<0.000000e+00> : vector<400x960xf32>
    %dot_general3A_275 = tpu.matmul %slice3A_273, %get3A_10, %dot_general3A_274 {dimension_numbers = #tpu.dot_dimension_numbers<[1], [0], [0], [1], [0, 0, 1, 1], [], []>, transpose_lhs_hint = false} : vector<400x15xf32>, vector<15x960xf32>, vector<400x960xf32> -> vector<400x960xf32>
    %concatenate3A_276 = tpu.concatenate %slice3A_272, %slice3A_272, %slice3A_272, %slice3A_272, %slice3A_272, %slice3A_272, %slice3A_272, %slice3A_272, %slice3A_272, %slice3A_272, %slice3A_272, %slice3A_272, %slice3A_272, %slice3A_272, %slice3A_272 in 1 : vector<400x64xf32>, vector<400x64xf32>, vector<400x64xf32>, vector<400x64xf32>, vector<400x64xf32>, vector<400x64xf32>, vector<400x64xf32>, vector<400x64xf32>, vector<400x64xf32>, vector<400x64xf32>, vector<400x64xf32>, vector<400x64xf32>, vector<400x64xf32>, vector<400x64xf32>, vector<400x64xf32> -> vector<400x960xf32>
    %mul3A_277 = arith.mulf %dot_general3A_275, %concatenate3A_276 : vector<400x960xf32>
    %add3A_278 = arith.addf %add3A_257, %mul3A_277 : vector<400x960xf32>
    %reduce_sum3A_279 = arith.constant dense<0.000000e+00> : vector<400xf32>
    %reduce_sum3A_280 = vector.multi_reduction <add>, %slice3A_272, %reduce_sum3A_279 [1] : vector<400x64xf32> to vector<400xf32>
    %broadcast_in_dim3A_281 = vector.shape_cast %reduce_sum3A_280 : vector<400xf32> to vector<400x1xf32>
    %gt3A_282 = arith.constant 0.000000e+00 : f32
    %gt3A_283 = vector.broadcast %gt3A_282 : f32 to vector<400x1xf32>
    %gt3A_284 = arith.cmpf ogt, %broadcast_in_dim3A_281, %gt3A_283 : vector<400x1xf32>
    %convert_element_type3A_285 = arith.extui %gt3A_284 : vector<400x1xi1> to vector<400x1xi32>
    %convert_element_type3A_286 = arith.sitofp %convert_element_type3A_285 : vector<400x1xi32> to vector<400x1xf32>
    %add3A_287 = arith.addf %add3A_266, %convert_element_type3A_286 : vector<400x1xf32>
    %get3A_288 = arith.constant 8 : index
    %get3A_289 = arith.constant 0 : index
    %get3A_290 = arith.constant 0 : index
    %get3A_291 = vector.load %arg1[%get3A_288, %get3A_289, %get3A_290] : memref<16x400x128xf32, #tpu.memory_space<vmem>>, vector<1x400x128xf32>
    %get3A_292 = vector.shape_cast %get3A_291 : vector<1x400x128xf32> to vector<400x128xf32>
    %slice3A_293 = vector.extract_strided_slice %get3A_292 {offsets = [0, 0], sizes = [400, 64], strides = [1, 1]} : vector<400x128xf32> to vector<400x64xf32>
    %slice3A_294 = vector.extract_strided_slice %max3A_119 {offsets = [0, 120], sizes = [400, 15], strides = [1, 1]} : vector<400x240xf32> to vector<400x15xf32>
    %dot_general3A_295 = arith.constant dense<0.000000e+00> : vector<400x960xf32>
    %dot_general3A_296 = tpu.matmul %slice3A_294, %get3A_10, %dot_general3A_295 {dimension_numbers = #tpu.dot_dimension_numbers<[1], [0], [0], [1], [0, 0, 1, 1], [], []>, transpose_lhs_hint = false} : vector<400x15xf32>, vector<15x960xf32>, vector<400x960xf32> -> vector<400x960xf32>
    %concatenate3A_297 = tpu.concatenate %slice3A_293, %slice3A_293, %slice3A_293, %slice3A_293, %slice3A_293, %slice3A_293, %slice3A_293, %slice3A_293, %slice3A_293, %slice3A_293, %slice3A_293, %slice3A_293, %slice3A_293, %slice3A_293, %slice3A_293 in 1 : vector<400x64xf32>, vector<400x64xf32>, vector<400x64xf32>, vector<400x64xf32>, vector<400x64xf32>, vector<400x64xf32>, vector<400x64xf32>, vector<400x64xf32>, vector<400x64xf32>, vector<400x64xf32>, vector<400x64xf32>, vector<400x64xf32>, vector<400x64xf32>, vector<400x64xf32>, vector<400x64xf32> -> vector<400x960xf32>
    %mul3A_298 = arith.mulf %dot_general3A_296, %concatenate3A_297 : vector<400x960xf32>
    %add3A_299 = arith.addf %add3A_278, %mul3A_298 : vector<400x960xf32>
    %reduce_sum3A_300 = arith.constant dense<0.000000e+00> : vector<400xf32>
    %reduce_sum3A_301 = vector.multi_reduction <add>, %slice3A_293, %reduce_sum3A_300 [1] : vector<400x64xf32> to vector<400xf32>
    %broadcast_in_dim3A_302 = vector.shape_cast %reduce_sum3A_301 : vector<400xf32> to vector<400x1xf32>
    %gt3A_303 = arith.constant 0.000000e+00 : f32
    %gt3A_304 = vector.broadcast %gt3A_303 : f32 to vector<400x1xf32>
    %gt3A_305 = arith.cmpf ogt, %broadcast_in_dim3A_302, %gt3A_304 : vector<400x1xf32>
    %convert_element_type3A_306 = arith.extui %gt3A_305 : vector<400x1xi1> to vector<400x1xi32>
    %convert_element_type3A_307 = arith.sitofp %convert_element_type3A_306 : vector<400x1xi32> to vector<400x1xf32>
    %add3A_308 = arith.addf %add3A_287, %convert_element_type3A_307 : vector<400x1xf32>
    %get3A_309 = arith.constant 9 : index
    %get3A_310 = arith.constant 0 : index
    %get3A_311 = arith.constant 0 : index
    %get3A_312 = vector.load %arg1[%get3A_309, %get3A_310, %get3A_311] : memref<16x400x128xf32, #tpu.memory_space<vmem>>, vector<1x400x128xf32>
    %get3A_313 = vector.shape_cast %get3A_312 : vector<1x400x128xf32> to vector<400x128xf32>
    %slice3A_314 = vector.extract_strided_slice %get3A_313 {offsets = [0, 0], sizes = [400, 64], strides = [1, 1]} : vector<400x128xf32> to vector<400x64xf32>
    %slice3A_315 = vector.extract_strided_slice %max3A_119 {offsets = [0, 135], sizes = [400, 15], strides = [1, 1]} : vector<400x240xf32> to vector<400x15xf32>
    %dot_general3A_316 = arith.constant dense<0.000000e+00> : vector<400x960xf32>
    %dot_general3A_317 = tpu.matmul %slice3A_315, %get3A_10, %dot_general3A_316 {dimension_numbers = #tpu.dot_dimension_numbers<[1], [0], [0], [1], [0, 0, 1, 1], [], []>, transpose_lhs_hint = false} : vector<400x15xf32>, vector<15x960xf32>, vector<400x960xf32> -> vector<400x960xf32>
    %concatenate3A_318 = tpu.concatenate %slice3A_314, %slice3A_314, %slice3A_314, %slice3A_314, %slice3A_314, %slice3A_314, %slice3A_314, %slice3A_314, %slice3A_314, %slice3A_314, %slice3A_314, %slice3A_314, %slice3A_314, %slice3A_314, %slice3A_314 in 1 : vector<400x64xf32>, vector<400x64xf32>, vector<400x64xf32>, vector<400x64xf32>, vector<400x64xf32>, vector<400x64xf32>, vector<400x64xf32>, vector<400x64xf32>, vector<400x64xf32>, vector<400x64xf32>, vector<400x64xf32>, vector<400x64xf32>, vector<400x64xf32>, vector<400x64xf32>, vector<400x64xf32> -> vector<400x960xf32>
    %mul3A_319 = arith.mulf %dot_general3A_317, %concatenate3A_318 : vector<400x960xf32>
    %add3A_320 = arith.addf %add3A_299, %mul3A_319 : vector<400x960xf32>
    %reduce_sum3A_321 = arith.constant dense<0.000000e+00> : vector<400xf32>
    %reduce_sum3A_322 = vector.multi_reduction <add>, %slice3A_314, %reduce_sum3A_321 [1] : vector<400x64xf32> to vector<400xf32>
    %broadcast_in_dim3A_323 = vector.shape_cast %reduce_sum3A_322 : vector<400xf32> to vector<400x1xf32>
    %gt3A_324 = arith.constant 0.000000e+00 : f32
    %gt3A_325 = vector.broadcast %gt3A_324 : f32 to vector<400x1xf32>
    %gt3A_326 = arith.cmpf ogt, %broadcast_in_dim3A_323, %gt3A_325 : vector<400x1xf32>
    %convert_element_type3A_327 = arith.extui %gt3A_326 : vector<400x1xi1> to vector<400x1xi32>
    %convert_element_type3A_328 = arith.sitofp %convert_element_type3A_327 : vector<400x1xi32> to vector<400x1xf32>
    %add3A_329 = arith.addf %add3A_308, %convert_element_type3A_328 : vector<400x1xf32>
    %get3A_330 = arith.constant 10 : index
    %get3A_331 = arith.constant 0 : index
    %get3A_332 = arith.constant 0 : index
    %get3A_333 = vector.load %arg1[%get3A_330, %get3A_331, %get3A_332] : memref<16x400x128xf32, #tpu.memory_space<vmem>>, vector<1x400x128xf32>
    %get3A_334 = vector.shape_cast %get3A_333 : vector<1x400x128xf32> to vector<400x128xf32>
    %slice3A_335 = vector.extract_strided_slice %get3A_334 {offsets = [0, 0], sizes = [400, 64], strides = [1, 1]} : vector<400x128xf32> to vector<400x64xf32>
    %slice3A_336 = vector.extract_strided_slice %max3A_119 {offsets = [0, 150], sizes = [400, 15], strides = [1, 1]} : vector<400x240xf32> to vector<400x15xf32>
    %dot_general3A_337 = arith.constant dense<0.000000e+00> : vector<400x960xf32>
    %dot_general3A_338 = tpu.matmul %slice3A_336, %get3A_10, %dot_general3A_337 {dimension_numbers = #tpu.dot_dimension_numbers<[1], [0], [0], [1], [0, 0, 1, 1], [], []>, transpose_lhs_hint = false} : vector<400x15xf32>, vector<15x960xf32>, vector<400x960xf32> -> vector<400x960xf32>
    %concatenate3A_339 = tpu.concatenate %slice3A_335, %slice3A_335, %slice3A_335, %slice3A_335, %slice3A_335, %slice3A_335, %slice3A_335, %slice3A_335, %slice3A_335, %slice3A_335, %slice3A_335, %slice3A_335, %slice3A_335, %slice3A_335, %slice3A_335 in 1 : vector<400x64xf32>, vector<400x64xf32>, vector<400x64xf32>, vector<400x64xf32>, vector<400x64xf32>, vector<400x64xf32>, vector<400x64xf32>, vector<400x64xf32>, vector<400x64xf32>, vector<400x64xf32>, vector<400x64xf32>, vector<400x64xf32>, vector<400x64xf32>, vector<400x64xf32>, vector<400x64xf32> -> vector<400x960xf32>
    %mul3A_340 = arith.mulf %dot_general3A_338, %concatenate3A_339 : vector<400x960xf32>
    %add3A_341 = arith.addf %add3A_320, %mul3A_340 : vector<400x960xf32>
    %reduce_sum3A_342 = arith.constant dense<0.000000e+00> : vector<400xf32>
    %reduce_sum3A_343 = vector.multi_reduction <add>, %slice3A_335, %reduce_sum3A_342 [1] : vector<400x64xf32> to vector<400xf32>
    %broadcast_in_dim3A_344 = vector.shape_cast %reduce_sum3A_343 : vector<400xf32> to vector<400x1xf32>
    %gt3A_345 = arith.constant 0.000000e+00 : f32
    %gt3A_346 = vector.broadcast %gt3A_345 : f32 to vector<400x1xf32>
    %gt3A_347 = arith.cmpf ogt, %broadcast_in_dim3A_344, %gt3A_346 : vector<400x1xf32>
    %convert_element_type3A_348 = arith.extui %gt3A_347 : vector<400x1xi1> to vector<400x1xi32>
    %convert_element_type3A_349 = arith.sitofp %convert_element_type3A_348 : vector<400x1xi32> to vector<400x1xf32>
    %add3A_350 = arith.addf %add3A_329, %convert_element_type3A_349 : vector<400x1xf32>
    %get3A_351 = arith.constant 11 : index
    %get3A_352 = arith.constant 0 : index
    %get3A_353 = arith.constant 0 : index
    %get3A_354 = vector.load %arg1[%get3A_351, %get3A_352, %get3A_353] : memref<16x400x128xf32, #tpu.memory_space<vmem>>, vector<1x400x128xf32>
    %get3A_355 = vector.shape_cast %get3A_354 : vector<1x400x128xf32> to vector<400x128xf32>
    %slice3A_356 = vector.extract_strided_slice %get3A_355 {offsets = [0, 0], sizes = [400, 64], strides = [1, 1]} : vector<400x128xf32> to vector<400x64xf32>
    %slice3A_357 = vector.extract_strided_slice %max3A_119 {offsets = [0, 165], sizes = [400, 15], strides = [1, 1]} : vector<400x240xf32> to vector<400x15xf32>
    %dot_general3A_358 = arith.constant dense<0.000000e+00> : vector<400x960xf32>
    %dot_general3A_359 = tpu.matmul %slice3A_357, %get3A_10, %dot_general3A_358 {dimension_numbers = #tpu.dot_dimension_numbers<[1], [0], [0], [1], [0, 0, 1, 1], [], []>, transpose_lhs_hint = false} : vector<400x15xf32>, vector<15x960xf32>, vector<400x960xf32> -> vector<400x960xf32>
    %concatenate3A_360 = tpu.concatenate %slice3A_356, %slice3A_356, %slice3A_356, %slice3A_356, %slice3A_356, %slice3A_356, %slice3A_356, %slice3A_356, %slice3A_356, %slice3A_356, %slice3A_356, %slice3A_356, %slice3A_356, %slice3A_356, %slice3A_356 in 1 : vector<400x64xf32>, vector<400x64xf32>, vector<400x64xf32>, vector<400x64xf32>, vector<400x64xf32>, vector<400x64xf32>, vector<400x64xf32>, vector<400x64xf32>, vector<400x64xf32>, vector<400x64xf32>, vector<400x64xf32>, vector<400x64xf32>, vector<400x64xf32>, vector<400x64xf32>, vector<400x64xf32> -> vector<400x960xf32>
    %mul3A_361 = arith.mulf %dot_general3A_359, %concatenate3A_360 : vector<400x960xf32>
    %add3A_362 = arith.addf %add3A_341, %mul3A_361 : vector<400x960xf32>
    %reduce_sum3A_363 = arith.constant dense<0.000000e+00> : vector<400xf32>
    %reduce_sum3A_364 = vector.multi_reduction <add>, %slice3A_356, %reduce_sum3A_363 [1] : vector<400x64xf32> to vector<400xf32>
    %broadcast_in_dim3A_365 = vector.shape_cast %reduce_sum3A_364 : vector<400xf32> to vector<400x1xf32>
    %gt3A_366 = arith.constant 0.000000e+00 : f32
    %gt3A_367 = vector.broadcast %gt3A_366 : f32 to vector<400x1xf32>
    %gt3A_368 = arith.cmpf ogt, %broadcast_in_dim3A_365, %gt3A_367 : vector<400x1xf32>
    %convert_element_type3A_369 = arith.extui %gt3A_368 : vector<400x1xi1> to vector<400x1xi32>
    %convert_element_type3A_370 = arith.sitofp %convert_element_type3A_369 : vector<400x1xi32> to vector<400x1xf32>
    %add3A_371 = arith.addf %add3A_350, %convert_element_type3A_370 : vector<400x1xf32>
    %get3A_372 = arith.constant 12 : index
    %get3A_373 = arith.constant 0 : index
    %get3A_374 = arith.constant 0 : index
    %get3A_375 = vector.load %arg1[%get3A_372, %get3A_373, %get3A_374] : memref<16x400x128xf32, #tpu.memory_space<vmem>>, vector<1x400x128xf32>
    %get3A_376 = vector.shape_cast %get3A_375 : vector<1x400x128xf32> to vector<400x128xf32>
    %slice3A_377 = vector.extract_strided_slice %get3A_376 {offsets = [0, 0], sizes = [400, 64], strides = [1, 1]} : vector<400x128xf32> to vector<400x64xf32>
    %slice3A_378 = vector.extract_strided_slice %max3A_119 {offsets = [0, 180], sizes = [400, 15], strides = [1, 1]} : vector<400x240xf32> to vector<400x15xf32>
    %dot_general3A_379 = arith.constant dense<0.000000e+00> : vector<400x960xf32>
    %dot_general3A_380 = tpu.matmul %slice3A_378, %get3A_10, %dot_general3A_379 {dimension_numbers = #tpu.dot_dimension_numbers<[1], [0], [0], [1], [0, 0, 1, 1], [], []>, transpose_lhs_hint = false} : vector<400x15xf32>, vector<15x960xf32>, vector<400x960xf32> -> vector<400x960xf32>
    %concatenate3A_381 = tpu.concatenate %slice3A_377, %slice3A_377, %slice3A_377, %slice3A_377, %slice3A_377, %slice3A_377, %slice3A_377, %slice3A_377, %slice3A_377, %slice3A_377, %slice3A_377, %slice3A_377, %slice3A_377, %slice3A_377, %slice3A_377 in 1 : vector<400x64xf32>, vector<400x64xf32>, vector<400x64xf32>, vector<400x64xf32>, vector<400x64xf32>, vector<400x64xf32>, vector<400x64xf32>, vector<400x64xf32>, vector<400x64xf32>, vector<400x64xf32>, vector<400x64xf32>, vector<400x64xf32>, vector<400x64xf32>, vector<400x64xf32>, vector<400x64xf32> -> vector<400x960xf32>
    %mul3A_382 = arith.mulf %dot_general3A_380, %concatenate3A_381 : vector<400x960xf32>
    %add3A_383 = arith.addf %add3A_362, %mul3A_382 : vector<400x960xf32>
    %reduce_sum3A_384 = arith.constant dense<0.000000e+00> : vector<400xf32>
    %reduce_sum3A_385 = vector.multi_reduction <add>, %slice3A_377, %reduce_sum3A_384 [1] : vector<400x64xf32> to vector<400xf32>
    %broadcast_in_dim3A_386 = vector.shape_cast %reduce_sum3A_385 : vector<400xf32> to vector<400x1xf32>
    %gt3A_387 = arith.constant 0.000000e+00 : f32
    %gt3A_388 = vector.broadcast %gt3A_387 : f32 to vector<400x1xf32>
    %gt3A_389 = arith.cmpf ogt, %broadcast_in_dim3A_386, %gt3A_388 : vector<400x1xf32>
    %convert_element_type3A_390 = arith.extui %gt3A_389 : vector<400x1xi1> to vector<400x1xi32>
    %convert_element_type3A_391 = arith.sitofp %convert_element_type3A_390 : vector<400x1xi32> to vector<400x1xf32>
    %add3A_392 = arith.addf %add3A_371, %convert_element_type3A_391 : vector<400x1xf32>
    %get3A_393 = arith.constant 13 : index
    %get3A_394 = arith.constant 0 : index
    %get3A_395 = arith.constant 0 : index
    %get3A_396 = vector.load %arg1[%get3A_393, %get3A_394, %get3A_395] : memref<16x400x128xf32, #tpu.memory_space<vmem>>, vector<1x400x128xf32>
    %get3A_397 = vector.shape_cast %get3A_396 : vector<1x400x128xf32> to vector<400x128xf32>
    %slice3A_398 = vector.extract_strided_slice %get3A_397 {offsets = [0, 0], sizes = [400, 64], strides = [1, 1]} : vector<400x128xf32> to vector<400x64xf32>
    %slice3A_399 = vector.extract_strided_slice %max3A_119 {offsets = [0, 195], sizes = [400, 15], strides = [1, 1]} : vector<400x240xf32> to vector<400x15xf32>
    %dot_general3A_400 = arith.constant dense<0.000000e+00> : vector<400x960xf32>
    %dot_general3A_401 = tpu.matmul %slice3A_399, %get3A_10, %dot_general3A_400 {dimension_numbers = #tpu.dot_dimension_numbers<[1], [0], [0], [1], [0, 0, 1, 1], [], []>, transpose_lhs_hint = false} : vector<400x15xf32>, vector<15x960xf32>, vector<400x960xf32> -> vector<400x960xf32>
    %concatenate3A_402 = tpu.concatenate %slice3A_398, %slice3A_398, %slice3A_398, %slice3A_398, %slice3A_398, %slice3A_398, %slice3A_398, %slice3A_398, %slice3A_398, %slice3A_398, %slice3A_398, %slice3A_398, %slice3A_398, %slice3A_398, %slice3A_398 in 1 : vector<400x64xf32>, vector<400x64xf32>, vector<400x64xf32>, vector<400x64xf32>, vector<400x64xf32>, vector<400x64xf32>, vector<400x64xf32>, vector<400x64xf32>, vector<400x64xf32>, vector<400x64xf32>, vector<400x64xf32>, vector<400x64xf32>, vector<400x64xf32>, vector<400x64xf32>, vector<400x64xf32> -> vector<400x960xf32>
    %mul3A_403 = arith.mulf %dot_general3A_401, %concatenate3A_402 : vector<400x960xf32>
    %add3A_404 = arith.addf %add3A_383, %mul3A_403 : vector<400x960xf32>
    %reduce_sum3A_405 = arith.constant dense<0.000000e+00> : vector<400xf32>
    %reduce_sum3A_406 = vector.multi_reduction <add>, %slice3A_398, %reduce_sum3A_405 [1] : vector<400x64xf32> to vector<400xf32>
    %broadcast_in_dim3A_407 = vector.shape_cast %reduce_sum3A_406 : vector<400xf32> to vector<400x1xf32>
    %gt3A_408 = arith.constant 0.000000e+00 : f32
    %gt3A_409 = vector.broadcast %gt3A_408 : f32 to vector<400x1xf32>
    %gt3A_410 = arith.cmpf ogt, %broadcast_in_dim3A_407, %gt3A_409 : vector<400x1xf32>
    %convert_element_type3A_411 = arith.extui %gt3A_410 : vector<400x1xi1> to vector<400x1xi32>
    %convert_element_type3A_412 = arith.sitofp %convert_element_type3A_411 : vector<400x1xi32> to vector<400x1xf32>
    %add3A_413 = arith.addf %add3A_392, %convert_element_type3A_412 : vector<400x1xf32>
    %get3A_414 = arith.constant 14 : index
    %get3A_415 = arith.constant 0 : index
    %get3A_416 = arith.constant 0 : index
    %get3A_417 = vector.load %arg1[%get3A_414, %get3A_415, %get3A_416] : memref<16x400x128xf32, #tpu.memory_space<vmem>>, vector<1x400x128xf32>
    %get3A_418 = vector.shape_cast %get3A_417 : vector<1x400x128xf32> to vector<400x128xf32>
    %slice3A_419 = vector.extract_strided_slice %get3A_418 {offsets = [0, 0], sizes = [400, 64], strides = [1, 1]} : vector<400x128xf32> to vector<400x64xf32>
    %slice3A_420 = vector.extract_strided_slice %max3A_119 {offsets = [0, 210], sizes = [400, 15], strides = [1, 1]} : vector<400x240xf32> to vector<400x15xf32>
    %dot_general3A_421 = arith.constant dense<0.000000e+00> : vector<400x960xf32>
    %dot_general3A_422 = tpu.matmul %slice3A_420, %get3A_10, %dot_general3A_421 {dimension_numbers = #tpu.dot_dimension_numbers<[1], [0], [0], [1], [0, 0, 1, 1], [], []>, transpose_lhs_hint = false} : vector<400x15xf32>, vector<15x960xf32>, vector<400x960xf32> -> vector<400x960xf32>
    %concatenate3A_423 = tpu.concatenate %slice3A_419, %slice3A_419, %slice3A_419, %slice3A_419, %slice3A_419, %slice3A_419, %slice3A_419, %slice3A_419, %slice3A_419, %slice3A_419, %slice3A_419, %slice3A_419, %slice3A_419, %slice3A_419, %slice3A_419 in 1 : vector<400x64xf32>, vector<400x64xf32>, vector<400x64xf32>, vector<400x64xf32>, vector<400x64xf32>, vector<400x64xf32>, vector<400x64xf32>, vector<400x64xf32>, vector<400x64xf32>, vector<400x64xf32>, vector<400x64xf32>, vector<400x64xf32>, vector<400x64xf32>, vector<400x64xf32>, vector<400x64xf32> -> vector<400x960xf32>
    %mul3A_424 = arith.mulf %dot_general3A_422, %concatenate3A_423 : vector<400x960xf32>
    %add3A_425 = arith.addf %add3A_404, %mul3A_424 : vector<400x960xf32>
    %reduce_sum3A_426 = arith.constant dense<0.000000e+00> : vector<400xf32>
    %reduce_sum3A_427 = vector.multi_reduction <add>, %slice3A_419, %reduce_sum3A_426 [1] : vector<400x64xf32> to vector<400xf32>
    %broadcast_in_dim3A_428 = vector.shape_cast %reduce_sum3A_427 : vector<400xf32> to vector<400x1xf32>
    %gt3A_429 = arith.constant 0.000000e+00 : f32
    %gt3A_430 = vector.broadcast %gt3A_429 : f32 to vector<400x1xf32>
    %gt3A_431 = arith.cmpf ogt, %broadcast_in_dim3A_428, %gt3A_430 : vector<400x1xf32>
    %convert_element_type3A_432 = arith.extui %gt3A_431 : vector<400x1xi1> to vector<400x1xi32>
    %convert_element_type3A_433 = arith.sitofp %convert_element_type3A_432 : vector<400x1xi32> to vector<400x1xf32>
    %add3A_434 = arith.addf %add3A_413, %convert_element_type3A_433 : vector<400x1xf32>
    %get3A_435 = arith.constant 15 : index
    %get3A_436 = arith.constant 0 : index
    %get3A_437 = arith.constant 0 : index
    %get3A_438 = vector.load %arg1[%get3A_435, %get3A_436, %get3A_437] : memref<16x400x128xf32, #tpu.memory_space<vmem>>, vector<1x400x128xf32>
    %get3A_439 = vector.shape_cast %get3A_438 : vector<1x400x128xf32> to vector<400x128xf32>
    %slice3A_440 = vector.extract_strided_slice %get3A_439 {offsets = [0, 0], sizes = [400, 64], strides = [1, 1]} : vector<400x128xf32> to vector<400x64xf32>
    %slice3A_441 = vector.extract_strided_slice %max3A_119 {offsets = [0, 225], sizes = [400, 15], strides = [1, 1]} : vector<400x240xf32> to vector<400x15xf32>
    %dot_general3A_442 = arith.constant dense<0.000000e+00> : vector<400x960xf32>
    %dot_general3A_443 = tpu.matmul %slice3A_441, %get3A_10, %dot_general3A_442 {dimension_numbers = #tpu.dot_dimension_numbers<[1], [0], [0], [1], [0, 0, 1, 1], [], []>, transpose_lhs_hint = false} : vector<400x15xf32>, vector<15x960xf32>, vector<400x960xf32> -> vector<400x960xf32>
    %concatenate3A_444 = tpu.concatenate %slice3A_440, %slice3A_440, %slice3A_440, %slice3A_440, %slice3A_440, %slice3A_440, %slice3A_440, %slice3A_440, %slice3A_440, %slice3A_440, %slice3A_440, %slice3A_440, %slice3A_440, %slice3A_440, %slice3A_440 in 1 : vector<400x64xf32>, vector<400x64xf32>, vector<400x64xf32>, vector<400x64xf32>, vector<400x64xf32>, vector<400x64xf32>, vector<400x64xf32>, vector<400x64xf32>, vector<400x64xf32>, vector<400x64xf32>, vector<400x64xf32>, vector<400x64xf32>, vector<400x64xf32>, vector<400x64xf32>, vector<400x64xf32> -> vector<400x960xf32>
    %mul3A_445 = arith.mulf %dot_general3A_443, %concatenate3A_444 : vector<400x960xf32>
    %add3A_446 = arith.addf %add3A_425, %mul3A_445 : vector<400x960xf32>
    %reduce_sum3A_447 = arith.constant dense<0.000000e+00> : vector<400xf32>
    %reduce_sum3A_448 = vector.multi_reduction <add>, %slice3A_440, %reduce_sum3A_447 [1] : vector<400x64xf32> to vector<400xf32>
    %broadcast_in_dim3A_449 = vector.shape_cast %reduce_sum3A_448 : vector<400xf32> to vector<400x1xf32>
    %gt3A_450 = arith.constant 0.000000e+00 : f32
    %gt3A_451 = vector.broadcast %gt3A_450 : f32 to vector<400x1xf32>
    %gt3A_452 = arith.cmpf ogt, %broadcast_in_dim3A_449, %gt3A_451 : vector<400x1xf32>
    %convert_element_type3A_453 = arith.extui %gt3A_452 : vector<400x1xi1> to vector<400x1xi32>
    %convert_element_type3A_454 = arith.sitofp %convert_element_type3A_453 : vector<400x1xi32> to vector<400x1xf32>
    %add3A_455 = arith.addf %add3A_434, %convert_element_type3A_454 : vector<400x1xf32>
    %get3A_456 = arith.constant 0 : index
    %get3A_457 = arith.constant 0 : index
    %get3A_458 = vector.load %arg6[%get3A_456, %get3A_457] : memref<960x64xf32, #tpu.memory_space<vmem>>, vector<960x64xf32>
    %dot_general3A_459 = arith.constant dense<0.000000e+00> : vector<400x64xf32>
    %dot_general3A_460 = tpu.matmul %add3A_446, %get3A_458, %dot_general3A_459 {dimension_numbers = #tpu.dot_dimension_numbers<[1], [0], [0], [1], [0, 0, 1, 1], [], []>, transpose_lhs_hint = false} : vector<400x960xf32>, vector<960x64xf32>, vector<400x64xf32> -> vector<400x64xf32>
    %max3A_461 = arith.constant 1.000000e+00 : f32
    %max3A_462 = vector.broadcast %max3A_461 : f32 to vector<400x1xf32>
    %max3A_463 = arith.maximumf %add3A_455, %max3A_462 : vector<400x1xf32>
    %div3A = vector.broadcast %max3A_463 : vector<400x1xf32> to vector<400x64xf32>
    %div3A_464 = arith.divf %dot_general3A_460, %div3A : vector<400x64xf32>
    %swap3A = arith.constant 0 : index
    %swap3A_465 = arith.constant 0 : index
    %swap3A_466 = vector.load %arg7[%swap3A, %swap3A_465] : memref<400x64xf32, #tpu.memory_space<vmem>>, vector<400x64xf32>
    tpu.vector_store %arg7[%swap3A, %swap3A_465], %div3A_464 {strides = array<i32>} : memref<400x64xf32, #tpu.memory_space<vmem>>, vector<400x64xf32>,
    return
  }
  func.func @transform_0(%arg0: i32) -> (i32, i32, i32) {
    %c0_i32 = arith.constant 0 : i32
    %c0_i32_0 = arith.constant 0 : i32
    %c0_i32_1 = arith.constant 0 : i32
    return %c0_i32, %arg0, %c0_i32_0 : i32, i32, i32
  }
  func.func @transform_1(%arg0: i32) -> (i32, i32) {
    %c0_i32 = arith.constant 0 : i32
    %c0_i32_0 = arith.constant 0 : i32
    return %arg0, %c0_i32 : i32, i32
  }
  func.func @transform_2(%arg0: i32) -> (i32, i32) {
    %c0_i32 = arith.constant 0 : i32
    %c0_i32_0 = arith.constant 0 : i32
    %c0_i32_1 = arith.constant 0 : i32
    return %c0_i32, %c0_i32_0 : i32, i32
  }
  func.func @transform_3(%arg0: i32) -> (i32, i32) {
    %c0_i32 = arith.constant 0 : i32
    %c0_i32_0 = arith.constant 0 : i32
    %c0_i32_1 = arith.constant 0 : i32
    return %c0_i32, %c0_i32_0 : i32, i32
  }
  func.func @transform_4(%arg0: i32) -> (i32, i32) {
    %c0_i32 = arith.constant 0 : i32
    %c0_i32_0 = arith.constant 0 : i32
    %c0_i32_1 = arith.constant 0 : i32
    return %c0_i32, %c0_i32_0 : i32, i32
  }
  func.func @transform_5(%arg0: i32) -> (i32, i32) {
    %c0_i32 = arith.constant 0 : i32
    %c0_i32_0 = arith.constant 0 : i32
    %c0_i32_1 = arith.constant 0 : i32
    return %c0_i32, %c0_i32_0 : i32, i32
  }
  func.func @transform_6(%arg0: i32) -> (i32, i32) {
    %c0_i32 = arith.constant 0 : i32
    %c0_i32_0 = arith.constant 0 : i32
    return %arg0, %c0_i32 : i32, i32
  }
}

</mosaic_0001>

<sc_bundles>
// kernel: kernel.4.cloned.1.call-start
scs
__scs_entry_jumppad:
0x0: {  	(pc) =	sbr.rel $0x88, $3  }
0x1: {  	(tag) =	ssettag $0x0;
	lr =	simm.s32 $0x1  }
0x2: {  	[smem:$0x3F9B] =	sst lr;
	_ =	strace $0xD0000000  }
0x3: {  	_ = 	snop  }
0x4: {  	_ = 	snop  }
0x5: {  	_ = 	snop  }
0x6: {  	_ = 	snop  }
0x7: {  	_ = 	snop  }
__scs_overlays_trampoline_lowered:
0x8: {  	[smem:$0x3FAA] =	sst s0  }
0x9: {  	[smem:$0x3FAB] =	sst s1  }
0xa: {  	[smem:$0x3FAC] =	sst s2  }
0xb: {  	[smem:$0x3FAD] =	sst s3  }
0xc: {  	[smem:$0x3FAE] =	sst s4  }
0xd: {  	[smem:$0x3FAF] =	sst s5  }
0xe: {  	[smem:$0x3FB0] =	sst s6  }
0xf: {  	[smem:$0x3FB1] =	sst s7  }
0x10: {  	[smem:$0x3FB2] =	sst s8  }
0x11: {  	[smem:$0x3FB3] =	sst s9;
	s0 =	simm.s32 @!p0 $0x0  }
0x12: {  	s1 =	sld [smem:$0x3F99];
	s0 =	simm.s32 @p0 $0x1  }
0x13: {  	[smem:$0x3FB4] =	sst s0;
	s0 =	simm.s32 @!p1 $0x0  }
0x14: {  	s2 =	sld [smem:$0x3F98];
	s0 =	simm.s32 @p1 $0x1  }
0x15: {  	[smem:$0x3FB5] =	sst s0;
	s0 =	simm.s32 @!p2 $0x0  }
0x16: {  	s3 =	sld [smem:$0x3FDB];
	s0 =	simm.s32 @p2 $0x1  }
0x17: {  	s4 =	simm.s32 $0x1BF5;
	[smem:$0x3FB7] =	sst s0  }
0x18: {  	s0 =	sld [smem:$0x3F9A];
	_ =	swait.ge [sflag:s4], $0x0  }
0x19: {  	s7 =	sld [smem:$0x3F9B]  }
0x1a: {  	s8 =	sadd.s32 $0xFFFFE003, lr  }
0x1b: {  	s9 =	sadd.s32 $0xFFFFFEF7, lr;
	s5 =	simm.s32 $0xFFFFFFFF;
	p2 =	slt.u32 s8, $0xFFFFF086  }
0x1c: {  	p1 =	slt.u32 s9, $0xF7A;
	s5 =	simm.s32 @!p2 $0x0  }
0x1d: {  	s5 =	simm.s32 @p1 $0x1;
	p0 =	seq.s32 s7, s2  }
0x1e: {  	s7 =	smul.u32 @!p0 $0xF7A, s2;
	p2 =	seq.s32 @!p0 s5, $0x0  }
0x1f: {  	s9 =	smul.u32 $0xF7A, s1;
	s8 =	simm.s32 @!p0 $0x1BF5;
	p2 =	por !p2, p0  }
0x20: {  	[sflag:s8] =	ssyncset.s32 @!p0 $0xFFFFF086;
	s6 =	sadd.s32 @!p0 s3, s7;
	s7 =	simm.s32 @!p0 $0x108  }
0x21: {  	s3 =	sadd.s32 s3, s9;
	s6 =	sadd.s32 @!p0 $0x88, s6;
	s7 =	simm.s32 @p2 $0x1082  }
0x22: {  	[simem:s7], [sflag:s8] =	dma.local @!p0 [hbm:s6], $0xF7A  }
0x23: {  	s9 =	sor.u32 $0xD0000000, s2;
	s6 =	simm.s32 $0x108;
	_ =	swait.ge @!p0 [sflag:s8], $0x0  }
0x24: {  	s3 =	sadd.s32 $0x88, s3;
	s6 =	simm.s32 @!p1 $0x1082;
	[sflag:s4] =	ssyncset.s32 $0xFFFFF086  }
0x25: {  	[simem:s6], [sflag:s4] =	dma.local [hbm:s3], $0xF7A  }
0x26: {  	[smem:$0x3F9B] =	sst s1;
	(tag) =	ssettag s2;
	_ =	strace s9  }
0x27: {  	s1 =	sld [smem:$0x3FAB]  }
0x28: {  	s2 =	sld [smem:$0x3FAC]  }
0x29: {  	s4 =	sld [smem:$0x3FAE]  }
0x2a: {  	p0 =	seq.s32 s5, $0x0;
	s5 =	sld [smem:$0x3FAF]  }
0x2b: {  	s6 =	sld [smem:$0x3FB0]  }
0x2c: {  	s7 =	sld [smem:$0x3FB1]  }
0x2d: {  	s3 =	simm.s32 $0x108;
	s8 =	sld [smem:$0x3FB2]  }
0x2e: {  	s3 =	simm.s32 @!p0 $0x1082;
	s9 =	sld [smem:$0x3FB3]  }
0x2f: {  	lr =	sadd.s32 s0, s3;
	s0 =	sld [smem:$0x3FAA]  }
0x30: {  	s3 =	sld [smem:$0x3FAD]  }
0x31: {  	[smem:$0x3FB6] =	sst s10  }
0x32: {  	s10 =	sld [smem:$0x3FB4];
	_ =	sdelay $0x3  }
0x33: {  	p0 =	seq.s32 s10, $0x1;
	s10 =	sld [smem:$0x3FB6];
	_ =	sdelay $0x3  }
0x34: {  	[smem:$0x3FB6] =	sst s10  }
0x35: {  	s10 =	sld [smem:$0x3FB5];
	_ =	sdelay $0x3  }
0x36: {  	p1 =	seq.s32 s10, $0x1;
	s10 =	sld [smem:$0x3FB6];
	_ =	sdelay $0x3  }
0x37: {  	[smem:$0x3FB6] =	sst s10  }
0x38: {  	s10 =	sld [smem:$0x3FB7]  }
0x39: {  	_ = 	snop;
	(pc) =	sbr.ind lr, $3  }
0x3a: {  	_ = 	snop  }
0x3b: {  	_ = 	snop  }
0x3c: {  	p2 =	seq.s32 s10, $0x1;
	s10 =	sld [smem:$0x3FB6]  }
0x3d: {  	_ =	shalt  }
0x3e: {  	_ =	shalt  }
0x3f: {  	_ =	shalt  }
0x40: {  	_ =	shalt  }
0x41: {  	_ =	shalt  }
0x42: {  	_ =	shalt  }
0x43: {  	_ =	shalt  }
0x44: {  	_ =	shalt  }
0x45: {  	_ =	shalt  }
0x46: {  	_ =	shalt  }
0x47: {  	_ =	shalt  }
0x48: {  	_ =	shalt  }
0x49: {  	_ =	shalt  }
0x4a: {  	_ =	shalt  }
0x4b: {  	_ =	shalt  }
0x4c: {  	_ =	shalt  }
0x4d: {  	_ =	shalt  }
0x4e: {  	_ =	shalt  }
0x4f: {  	_ =	shalt  }
0x50: {  	_ =	shalt  }
0x51: {  	_ =	shalt  }
0x52: {  	_ =	shalt  }
0x53: {  	_ =	shalt  }
0x54: {  	_ =	shalt  }
0x55: {  	_ =	shalt  }
0x56: {  	_ =	shalt  }
0x57: {  	_ =	shalt  }
0x58: {  	_ =	shalt  }
0x59: {  	_ =	shalt  }
0x5a: {  	_ =	shalt  }
0x5b: {  	_ =	shalt  }
0x5c: {  	_ =	shalt  }
0x5d: {  	_ =	shalt  }
0x5e: {  	_ =	shalt  }
0x5f: {  	_ =	shalt  }
0x60: {  	_ =	shalt  }
0x61: {  	_ =	shalt  }
0x62: {  	_ =	shalt  }
0x63: {  	_ =	shalt  }
0x64: {  	_ =	shalt  }
0x65: {  	_ =	shalt  }
0x66: {  	_ =	shalt  }
0x67: {  	_ =	shalt  }
0x68: {  	_ =	shalt  }
0x69: {  	_ =	shalt  }
0x6a: {  	_ =	shalt  }
0x6b: {  	_ =	shalt  }
0x6c: {  	_ =	shalt  }
0x6d: {  	_ =	shalt  }
0x6e: {  	_ =	shalt  }
0x6f: {  	_ =	shalt  }
0x70: {  	_ =	shalt  }
0x71: {  	_ =	shalt  }
0x72: {  	_ =	shalt  }
0x73: {  	_ =	shalt  }
0x74: {  	_ =	shalt  }
0x75: {  	_ =	shalt  }
0x76: {  	_ =	shalt  }
0x77: {  	_ =	shalt  }
0x78: {  	_ =	shalt  }
0x79: {  	_ =	shalt  }
0x7a: {  	_ =	shalt  }
0x7b: {  	_ =	shalt  }
0x7c: {  	_ =	shalt  }
0x7d: {  	_ =	shalt  }
0x7e: {  	_ =	shalt  }
0x7f: {  	_ =	shalt  }
0x80: {  	_ =	shalt  }
0x81: {  	_ =	shalt  }
0x82: {  	_ =	shalt  }
0x83: {  	_ =	shalt  }
0x84: {  	_ =	shalt  }
0x85: {  	_ =	shalt  }
0x86: {  	_ =	shalt  }
0x87: {  	_ =	shalt  }
.Lfunc_end0:
.L_simem_size_0:
called_computation_lowered:
.L_overlay_start_0:
0x88: {  	s2 =	sld [smem:$0x3FD9]  }
0x89: {  	s3 =	sld [smem:$0x3FFE];
	_ =	sdelay $0x1  }
0x8a: {  	s1 =	srdreg.scid  }
0x8b: {  	s0 =	sand.u32 $0x1, s1  }
0x8c: {  	s18 =	sshll.u32 s0, $0xA;
	s2 =	sadd.s32 s3, s2  }
0x8d: {  	s3 =	sadd.s32 s2, s18  }
0x8e: {  	[smem:$0x3FC2] =	sst s3  }
0x8f: {  	_ = 	snop  }
0x90: {  	s3 =	sld [smem:$0x3FD0];
	(tm) =	ssettm $0x1  }
0x91: {  	s4 =	sld [smem:$0x3FFB];
	_ =	sdelay $0x3  }
0x92: {  	_ =	strace s4  }
0x93: {  	s4 =	sld [smem:$0x3FFC];
	_ =	sdelay $0x3  }
0x94: {  	_ =	strace s4  }
0x95: {  	s4 =	sld [smem:$0x3FFD];
	_ =	sdelay $0x3  }
0x96: {  	_ =	strace s4  }
0x97: {  	_ =	strace $0x8FFFFFFF  }
0x98: {  	s19 =	sld [smem:$0x3FDB];
	_ =	sdelay $0x1  }
0x99: {  	s5 =	simm.s32 $_scs_section_size  }
0x9a: {  	s6 =	simm.s32 $_size__tile_overlayer_lowered;
	s7 =	simm.s32 $_tile_overlayer_lowered  }
0x9b: {  	s22 =	simm.s32 $0x1BFF;
	s21 =	sshll.u32 s7, $0x1;
	s4 =	sadd.s32 s5, s19  }
0x9c: {  	s8 =	simm.s32 $0x0;
	s20 =	sshll.u32 s6, $0x1;
	s6 =	sadd.s32 s21, s4  }
0x9d: {  	[timem:s8], [sflag:s22] =	dma.local [hbm:s6], s20  }
0x9e: {  	_ =	swait.ge [sflag:s22], s20  }
0x9f: {  	s5 =	ssub.s32 $0x0, s20;
	[sflag:s22] =	ssyncset.done $0x0  }
0xa0: {  	[sflag:s22] =	ssyncadd.s32 s5;
	_ =	sdelay $0x1  }
0xa1: {  	s23 =	simm.s32 $0x1B8B  }
0xa2: {  	_ =	swait.ge [sflag:s23], $0x1  }
0xa3: {  	[sflag:s23] =	ssyncset.done $0x0  }
0xa4: {  	s25 =	simm.s32 $0x1B8E;
	s24 =	sld [smem:$0x3FFE];
	[sflag:s23] =	ssyncadd.s32 $0xFFFFFFFF  }
0xa5: {  	s26 =	simm.s32 $execute0_lowered;
	[smem:$0x3FD2] =	sst s25  }
0xa6: {  	s6 =	sshll.u32 s26, $0x1;
	_ =	strace $0x80000046;
	[dreg:$0x1] =	wrdreg $0xFFFFFFFF  }
0xa7: {  	s28 =	simm.s32 $_size_execute0_lowered;
	s4 =	sadd.s32 s4, s6;
	[dreg:$0x0] =	wrdreg $0x0  }
0xa8: {  	s6 =	sshll.u32 s28, $0x1;
	[dreg:$0x2] =	wrdreg s4  }
0xa9: {  	[dreg:$0x3] =	wrdreg s6  }
0xaa: {  	[dreg:$0x4] =	wrdreg $0xC0  }
0xab: {  	_ =	task [dreg:s8], $0x5FFFF  }
0xac: {  	[dreg:$0x1] =	wrdreg $0xFFFFFFFF  }
0xad: {  	[dreg:$0x0] =	wrdreg $0x60  }
0xae: {  	[dreg:$0x2] =	wrdreg s24  }
0xaf: {  	s2 =	sadd.s32 $0x800, s2;
	[dreg:$0x3] =	wrdreg s3  }
0xb0: {  	[dreg:$0x4] =	wrdreg s2  }
0xb1: {  	[dreg:$0x5] =	wrdreg $0x9  }
0xb2: {  	_ =	task.clear_ibuf [dreg:s8], $0x6FFFF;
	_ =	strace $0x90000046  }
0xb3: {  	s29 =	simm.s32 $0x9;
	_ =	strace $0x80000048  }
0xb4: {  	_ =	swait.ge [sflag:s29], $0x1  }
0xb5: {  	[sflag:s29] =	ssyncadd.s32 $0xFFFFFFFF  }
0xb6: {  	_ =	strace $0x90000048  }
0xb7: {  	_ =	sfence  }
0xb8: {  	s30 =	sld [smem:$0x0];
	_ =	sdelay $0x2  }
0xb9: {  	s31 =	sshll.u32 s1, $0xD;
	s1 =	sshrl.u32 s1, $0x2  }
0xba: {  	s3 =	sand.u32 $0x4000, s31;
	s1 =	sadd.s32 s1, s30  }
0xbb: {  	s0 =	sor.u32 s3, s0;
	s1 =	sshll.u32 s1, $0x11  }
0xbc: {  	s0 =	sor.u32 s1, s0  }
0xbd: {  	s0 =	sadd.s32 $0x8F2B, s0  }
0xbe: {  	[sflag:s0] =	ssyncadd.remote.s32 $0x1  }
0xbf: {  	_ =	sfence.sel $0xFFFF  }
0xc0: {  	[dreg:$0x0] =	wrdreg $0xFFFFFFFF;
	(pc) =	sbr.abs _section_cstart, $3  }
0xc1: {  	[dreg:$0x1] =	wrdreg $0xFFFFFFFF  }
0xc2: {  	_ =	task.clear_ibuf [dreg:s8], $0x2FFFF;
	_ =	strace $0x9FFFFFFF  }
0xc3: {  	(tm) =	ssettm $0x7FFFFFFF  }
tec
execute0_lowered:
.L_overlay_start_1:
0x0: {  	(tag) =	ssettag $0x1  }
0x1: {  	s0 =	rddreg [dreg:$0x0]  }
0x2: {  	s1 =	rddreg [dreg:$0x1]  }
0x3: {  	s2 =	rddreg [dreg:$0x2]  }
0x4: {  	s12 =	stileid.u32;
	s4 =	srdreg.scid  }
0x5: {  	s3 =	simm.s32 $0x0;
	s13 =	simm.s32 $0x13C00;
	s14 =	simm.s32 $0x15000  }
0x6: {  	s15 =	simm.s32 $0x16400;
	s16 =	simm.s32 $0x1;
	s17 =	simm.s32 $0x2  }
0x7: {  	s18 =	simm.s32 $0x3;
	s20 =	simm.s32 $0x6;
	s21 =	simm.s32 $0x7  }
0x8: {  	s29 =	simm.s32 $0x8;
	s22 =	simm.s32 $0x28;
	s23 =	simm.s32 $0x18C00  }
0x9: {  	s31 =	simm.s32 $0x17800;
	s7 =	sand.u32 $0x1, s4;
	s4 =	smul.u32 $0x280, s12  }
0xa: {  	s5 =	sshll.u32 s12, $0x1;
	[smem:$0x7FF] =	sst s3;
	s11 =	smul.u32 $0xC3500, s12  }
0xb: {  	s28 =	sor.u32 $0x40, s12;
	p0 =	sgt.u32 s12, $0x1;
	s6 =	sor.u32 s7, s5  }
0xc: {  	_ =	strace $0x80000047;
	s25 =	smul.u32 $0x61A80, s7;
	[dreg:$0x8] =	wrdreg s28  }
0xd: {  	s9 =	ssub.s32 $0x2, s7;
	[dreg:$0x5] =	wrdreg s31;
	s5 =	smul.u32 $0x61A8, s6  }
0xe: {  	s7 =	simm.s32 $0x0;
	s8 =	sadd.s32 s4, s0;
	s10 =	smul.u32 $0x2780, s6  }
0xf: {  	s6 =	sadd.s32 $0x187800, s0;
	s24 =	sshrl.u32 s9, $0x1;
	s30 =	sadd.s32 s2, s4  }
0x10: {  	s0 =	ssub.s32 s9, s24;
	[dreg:$0x4] =	wrdreg s30;
	s1 =	sadd.s32 s1, s10  }
0x11: {  	s26 =	sadd.s32 s11, s6;
	s0 =	smax.u32 s0, $0x1;
	[dreg:$0x6] =	wrdreg s1  }
0x12: {  	s9 =	sadd.s32 $0xC4200, s8;
	[dreg:$0x7] =	wrdreg s0;
	s0 =	sadd.s32 s25, s26  }
0x13: {  	s24 =	simm.s32 $0x4;
	s25 =	simm.s32 $0x5;
	[dreg:$0x9] =	wrdreg s0  }
.LBB2_1:
0x14: {  	[dreg:$0xa] =	wrdreg s7  }
0x15: {  	s0 =	rddreg [dreg:$0x6];
	s12 =	simm.s32 $0xB  }
0x16: {  	[tilespmem:s3], [sflag:$0xB] =	stream.linear.gather [hbm4b:s0+s3], $0x13880, $0x38;
	[tilespmem:$0x1A000] =	vst v63  }
0x17: {  	p1 =	por $0x1, $0x1;
	_ =	swait.ge [sflag:s12], $0x13880  }
0x18: {  	p3 =	por p1, p1;
	[sflag:s12] =	ssyncset.done $0x0  }
0x19: {  	s0 =	simm.s32 @!p3 $0x6;
	[sflag:s12] =	ssyncadd.s32 $0xFFFEC780  }
0x1a: {  	_ =	swait.ge @!p3 [sflag:s0], $0x1400  }
0x1b: {  	[sflag:s0] =	ssyncset.done @!p3 $0x0  }
0x1c: {  	s19 =	sadd.s32 $0x0, s9;
	s1 =	simm.s32 @!p3 $0x7;
	[sflag:s0] =	ssyncadd.s32 @!p3 $0xFFFFEC00  }
0x1d: {  	[tilespmem:s13], [sflag:$0x1] =	stream.linear.gather [hbm4b:s19+s3], $0x1400, $0x38;
	[tilespmem:$0x1A000] =	vst v63  }
0x1e: {  	_ =	swait.ge @!p3 [sflag:s1], $0x1400  }
0x1f: {  	[sflag:s1] =	ssyncset.done @!p3 $0x0  }
0x20: {  	s26 =	sadd.s32 $0x2800, s19;
	s7 =	simm.s32 @!p3 $0x8;
	[sflag:s1] =	ssyncadd.s32 @!p3 $0xFFFFEC00  }
0x21: {  	[tilespmem:s14], [sflag:$0x2] =	stream.linear.gather [hbm4b:s26+s3], $0x1400, $0x38;
	[tilespmem:$0x1A000] =	vst v63  }
0x22: {  	_ =	swait.ge @!p3 [sflag:s7], $0x1400  }
0x23: {  	s0 =	sadd.s32 $0x5000, s19;
	[sflag:s7] =	ssyncset.done @!p3 $0x0;
	s10 =	rddreg [dreg:$0x8]  }
0x24: {  	s8 =	sadd.s32 $0xFFFFFFF0, s10;
	[sflag:s7] =	ssyncadd.s32 @!p3 $0xFFFFEC00;
	s7 =	simm.s32 @!p3 $0x9  }
0x25: {  	[tilespmem:s15], [sflag:$0x3] =	stream.linear.gather [hbm4b:s0+s3], $0x1400, $0x38;
	[tilespmem:$0x1A000] =	vst v63  }
0x26: {  	p1 =	sgt.u32 s8, $0x4E1;
	s0 =	simm.s32 @!p3 $0xA;
	_ =	swait.ge @!p3 [sflag:s7], $0x1400  }
0x27: {  	s1 =	sadd.s32 @!p1 $0x0, s9;
	s12 =	simm.s32 @!p1 $0x17800;
	[sflag:s7] =	ssyncset.done @!p3 $0x0  }
0x28: {  	s26 =	simm.s32 @!p1 $0x0;
	s1 =	sadd.s32 @!p1 $0x7800, s1;
	[sflag:s7] =	ssyncadd.s32 @!p3 $0xFFFFEC00  }
0x29: {  	[tilespmem:s12], [sflag:$0x4] =	stream.linear.gather @!p1 [hbm4b:s1+s26], $0x1400, $0x38;
	[tilespmem:$0x1A000] =	vst v63  }
0x2a: {  	p2 =	sgt.u32 s10, $0x4E1;
	_ =	swait.ge @!p3 [sflag:s0], $0x1400  }
0x2b: {  	s31 =	simm.s32 @!p2 $0x0;
	s1 =	sadd.s32 @!p2 $0x0, s9;
	[sflag:s0] =	ssyncset.done @!p3 $0x0  }
0x2c: {  	s7 =	simm.s32 @!p2 $0x18C00;
	[sflag:s0] =	ssyncadd.s32 @!p3 $0xFFFFEC00;
	s0 =	sadd.s32 @!p2 $0xA000, s1  }
0x2d: {  	[tilespmem:s7], [sflag:$0x5] =	stream.linear.gather @!p2 [hbm4b:s0+s31], $0x1400, $0x38;
	[tilespmem:$0x1A000] =	vst v63  }
0x2e: {  	_ =	swait.ge [sflag:s16], $0x1400  }
0x2f: {  	s11 =	rddreg [dreg:$0x4];
	[sflag:s16] =	ssyncset.done $0x0  }
0x30: {  	[sflag:s16] =	ssyncadd.s32 $0xFFFFEC00;
	s0 =	sadd.s32 $0x0, s11  }
0x31: {  	[hbm4b:s0+s3] =	stream.linear.scatter [tilespmem:s13], [sflag:$0x6], $0x1400, $0x38;
	[tilespmem:$0x1A000] =	vst v63  }
0x32: {  	_ =	swait.ge [sflag:s17], $0x1400  }
0x33: {  	[sflag:s17] =	ssyncset.done $0x0  }
0x34: {  	s19 =	sadd.s32 $0x2800, s0;
	[sflag:s17] =	ssyncadd.s32 $0xFFFFEC00  }
0x35: {  	[hbm4b:s19+s3] =	stream.linear.scatter [tilespmem:s14], [sflag:$0x7], $0x1400, $0x38;
	[tilespmem:$0x1A000] =	vst v63  }
0x36: {  	_ =	swait.ge [sflag:s18], $0x1400  }
0x37: {  	s30 =	simm.s32 $0xC800;
	p6 =	por $0x0, $0x0;
	[sflag:s18] =	ssyncset.done $0x0  }
0x38: {  	s8 =	simm.s32 @!p1 $0x4;
	s0 =	sadd.s32 $0x5000, s0;
	[sflag:s18] =	ssyncadd.s32 $0xFFFFEC00  }
0x39: {  	[hbm4b:s0+s3] =	stream.linear.scatter [tilespmem:s15], [sflag:$0x8], $0x1400, $0x38;
	[tilespmem:$0x1A000] =	vst v63  }
0x3a: {  	s28 =	sadd.s32 @!p2 s2, s4;
	s1 =	sadd.s32 @!p1 s2, s4;
	_ =	swait.ge @!p1 [sflag:s8], $0x1400  }
0x3b: {  	s0 =	sadd.s32 @!p1 $0x0, s1;
	s1 =	simm.s32 $0x19000;
	[sflag:s8] =	ssyncset.done @!p1 $0x0  }
0x3c: {  	s0 =	sadd.s32 @!p1 $0x7800, s0;
	[sflag:s8] =	ssyncadd.s32 @!p1 $0xFFFFEC00;
	s8 =	simm.s32 @!p2 $0x5  }
0x3d: {  	[hbm4b:s0+s26] =	stream.linear.scatter @!p1 [tilespmem:s12], [sflag:$0x9], $0x1400, $0x38;
	[tilespmem:$0x1A000] =	vst v63  }
0x3e: {  	s0 =	sadd.s32 @!p2 $0x0, s28;
	p1 =	por p6, p6;
	_ =	swait.ge @!p2 [sflag:s8], $0x1400  }
0x3f: {  	s28 =	sadd.s32 @!p2 $0xA000, s0;
	s0 =	sadd.s32 $0x50, s10;
	[sflag:s8] =	ssyncset.done @!p2 $0x0  }
.LBB2_2:
0x40: {  	s12 =	simm.s32 @!p1 $0x6;
	[sflag:s8] =	ssyncadd.s32 @!p2 $0xFFFFEC00  }
0x41: {  	[hbm4b:s28+s31] =	stream.linear.scatter @!p2 [tilespmem:s7], [sflag:$0xA], $0x1400, $0x38;
	[tilespmem:$0x1A000] =	vst v63  }
0x42: {  	_ =	swait.ge @!p1 [sflag:s12], $0x1400  }
0x43: {  	[sflag:s12] =	ssyncset.done @!p1 $0x0  }
0x44: {  	s19 =	sadd.s32 s30, s9;
	[sflag:s12] =	ssyncadd.s32 @!p1 $0xFFFFEC00;
	s12 =	simm.s32 @!p1 $0x7  }
0x45: {  	[tilespmem:s13], [sflag:$0x1] =	stream.linear.gather [hbm4b:s19+s3], $0x1400, $0x38;
	[tilespmem:$0x1A000] =	vst v63  }
0x46: {  	_ =	swait.ge @!p1 [sflag:s12], $0x1400  }
0x47: {  	[sflag:s12] =	ssyncset.done @!p1 $0x0  }
0x48: {  	s26 =	simm.s32 @!p1 $0x8;
	s10 =	sadd.s32 $0x2800, s19;
	[sflag:s12] =	ssyncadd.s32 @!p1 $0xFFFFEC00  }
0x49: {  	[tilespmem:s14], [sflag:$0x2] =	stream.linear.gather [hbm4b:s10+s3], $0x1400, $0x38;
	[tilespmem:$0x1A000] =	vst v63  }
0x4a: {  	_ =	swait.ge @!p1 [sflag:s26], $0x1400  }
0x4b: {  	s11 =	sadd.s32 $0xFFFFFFF0, s0;
	[sflag:s26] =	ssyncset.done @!p1 $0x0  }
0x4c: {  	s7 =	sadd.s32 $0x5000, s19;
	[sflag:s26] =	ssyncadd.s32 @!p1 $0xFFFFEC00;
	s26 =	simm.s32 @!p1 $0x9  }
0x4d: {  	[tilespmem:s15], [sflag:$0x3] =	stream.linear.gather [hbm4b:s7+s3], $0x1400, $0x38;
	[tilespmem:$0x1A000] =	vst v63  }
0x4e: {  	p5 =	sgt.u32 s11, $0x4E1;
	s28 =	simm.s32 @!p1 $0xA;
	_ =	swait.ge @!p1 [sflag:s26], $0x1400  }
0x4f: {  	s12 =	simm.s32 @!p5 $0x17800;
	s7 =	sadd.s32 @!p5 s30, s9;
	[sflag:s26] =	ssyncset.done @!p1 $0x0  }
0x50: {  	s7 =	sadd.s32 @!p5 $0x7800, s7;
	[sflag:s26] =	ssyncadd.s32 @!p1 $0xFFFFEC00;
	s26 =	simm.s32 @!p5 $0x0  }
0x51: {  	[tilespmem:s12], [sflag:$0x4] =	stream.linear.gather @!p5 [hbm4b:s7+s26], $0x1400, $0x38;
	[tilespmem:$0x1A000] =	vst v63  }
0x52: {  	s31 =	sadd.s32 @!p5 s2, s4;
	_ =	swait.ge @!p1 [sflag:s28], $0x1400  }
0x53: {  	p2 =	sgt.u32 s0, $0x4E1;
	s31 =	sadd.s32 @!p5 s30, s31;
	[sflag:s28] =	ssyncset.done @!p1 $0x0  }
0x54: {  	s10 =	sadd.s32 @!p5 $0x7800, s31;
	[sflag:s28] =	ssyncadd.s32 @!p1 $0xFFFFEC00;
	s28 =	sadd.s32 @!p2 s30, s9  }
0x55: {  	s31 =	simm.s32 @!p2 $0x0;
	s7 =	simm.s32 @!p2 $0x18C00;
	s28 =	sadd.s32 @!p2 $0xA000, s28  }
0x56: {  	[tilespmem:s7], [sflag:$0x5] =	stream.linear.gather @!p2 [hbm4b:s28+s31], $0x1400, $0x38;
	[tilespmem:$0x1A000] =	vst v63  }
0x57: {  	s11 =	sadd.s32 @!p2 s2, s4;
	_ =	swait.ge [sflag:s16], $0x1400  }
0x58: {  	s11 =	sadd.s32 @!p2 s30, s11;
	[sflag:s16] =	ssyncset.done $0x0;
	s19 =	rddreg [dreg:$0x4]  }
0x59: {  	s28 =	sadd.s32 @!p2 $0xA000, s11;
	[sflag:s16] =	ssyncadd.s32 $0xFFFFEC00;
	s11 =	sadd.s32 s30, s19  }
0x5a: {  	[hbm4b:s11+s3] =	stream.linear.scatter [tilespmem:s13], [sflag:$0x6], $0x1400, $0x38;
	[tilespmem:$0x1A000] =	vst v63  }
0x5b: {  	_ =	swait.ge [sflag:s17], $0x1400  }
0x5c: {  	[sflag:s17] =	ssyncset.done $0x0  }
0x5d: {  	s19 =	sadd.s32 $0x2800, s11;
	[sflag:s17] =	ssyncadd.s32 $0xFFFFEC00  }
0x5e: {  	[hbm4b:s19+s3] =	stream.linear.scatter [tilespmem:s14], [sflag:$0x7], $0x1400, $0x38;
	[tilespmem:$0x1A000] =	vst v63  }
0x5f: {  	p4 =	seq.s32 s1, $0x0;
	_ =	swait.ge [sflag:s18], $0x1400  }
0x60: {  	s8 =	smov.u32 s1;
	s1 =	sadd.s32 $0xC800, s1;
	[sflag:s18] =	ssyncset.done $0x0  }
0x61: {  	s19 =	sadd.s32 $0x5000, s11;
	s11 =	simm.s32 @!p5 $0x4;
	[sflag:s18] =	ssyncadd.s32 $0xFFFFEC00  }
0x62: {  	[hbm4b:s19+s3] =	stream.linear.scatter [tilespmem:s15], [sflag:$0x8], $0x1400, $0x38;
	[tilespmem:$0x1A000] =	vst v63  }
0x63: {  	p3 =	sne.s32 s1, $0xC8000;
	_ =	swait.ge @!p5 [sflag:s11], $0x1400  }
.Ltmp0:
0x64: {  	[sflag:s11] =	ssyncset.done @!p5 $0x0;
	(pc) =	sbr.rel @p3 .LBB2_2-.Ltmp0, $4  }
0x65: {  	s30 =	smov.u32 s8;
	s8 =	simm.s32 @!p2 $0x5;
	[sflag:s11] =	ssyncadd.s32 @!p5 $0xFFFFEC00  }
0x66: {  	[hbm4b:s10+s26] =	stream.linear.scatter @!p5 [tilespmem:s12], [sflag:$0x9], $0x1400, $0x38;
	[tilespmem:$0x1A000] =	vst v63  }
0x67: {  	_ =	swait.ge @!p2 [sflag:s8], $0x1400  }
0x68: {  	s0 =	sadd.s32 $0x50, s0;
	p1 =	por p4, p4;
	[sflag:s8] =	ssyncset.done @!p2 $0x0  }
0x69: {  	s1 =	simm.s32 @!p1 $0x6;
	[sflag:s8] =	ssyncadd.s32 @!p2 $0xFFFFEC00  }
0x6a: {  	[hbm4b:s28+s31] =	stream.linear.scatter @!p2 [tilespmem:s7], [sflag:$0xA], $0x1400, $0x38;
	[tilespmem:$0x1A000] =	vst v63  }
0x6b: {  	_ =	swait.ge @!p1 [sflag:s1], $0x1400  }
0x6c: {  	[sflag:s1] =	ssyncset.done @!p1 $0x0  }
0x6d: {  	s12 =	sadd.s32 s30, s9;
	s7 =	simm.s32 @!p1 $0x7;
	[sflag:s1] =	ssyncadd.s32 @!p1 $0xFFFFEC00  }
0x6e: {  	[tilespmem:s13], [sflag:$0x1] =	stream.linear.gather [hbm4b:s12+s3], $0x1400, $0x38;
	[tilespmem:$0x1A000] =	vst v63  }
0x6f: {  	_ =	swait.ge @!p1 [sflag:s7], $0x1400  }
0x70: {  	[sflag:s7] =	ssyncset.done @!p1 $0x0  }
0x71: {  	s8 =	simm.s32 @!p1 $0x8;
	s19 =	sadd.s32 $0x2800, s12;
	[sflag:s7] =	ssyncadd.s32 @!p1 $0xFFFFEC00  }
0x72: {  	[tilespmem:s14], [sflag:$0x2] =	stream.linear.gather [hbm4b:s19+s3], $0x1400, $0x38;
	[tilespmem:$0x1A000] =	vst v63  }
0x73: {  	s26 =	sadd.s32 $0xFFFFFFF0, s0;
	_ =	swait.ge @!p1 [sflag:s8], $0x1400  }
0x74: {  	p2 =	sgt.u32 s26, $0x4E1;
	[sflag:s8] =	ssyncset.done @!p1 $0x0  }
0x75: {  	s1 =	sadd.s32 $0x5000, s12;
	[sflag:s8] =	ssyncadd.s32 @!p1 $0xFFFFEC00;
	s8 =	simm.s32 @!p1 $0x9  }
0x76: {  	[tilespmem:s15], [sflag:$0x3] =	stream.linear.gather [hbm4b:s1+s3], $0x1400, $0x38;
	[tilespmem:$0x1A000] =	vst v63  }
0x77: {  	s7 =	sadd.s32 @!p2 s30, s9;
	_ =	swait.ge @!p1 [sflag:s8], $0x1400  }
0x78: {  	s10 =	simm.s32 @!p2 $0x17800;
	s7 =	sadd.s32 @!p2 $0x7800, s7;
	[sflag:s8] =	ssyncset.done @!p1 $0x0  }
0x79: {  	s1 =	simm.s32 @!p1 $0xA;
	[sflag:s8] =	ssyncadd.s32 @!p1 $0xFFFFEC00;
	s8 =	simm.s32 @!p2 $0x0  }
0x7a: {  	[tilespmem:s10], [sflag:$0x4] =	stream.linear.gather @!p2 [hbm4b:s7+s8], $0x1400, $0x38;
	[tilespmem:$0x1A000] =	vst v63  }
0x7b: {  	p3 =	sgt.u32 s0, $0x4E1;
	_ =	swait.ge @!p1 [sflag:s1], $0x1400  }
0x7c: {  	s0 =	simm.s32 @!p3 $0x18C00;
	s7 =	sadd.s32 @!p3 s30, s9;
	[sflag:s1] =	ssyncset.done @!p1 $0x0  }
0x7d: {  	[sflag:s1] =	ssyncadd.s32 @!p1 $0xFFFFEC00;
	s1 =	sadd.s32 @!p3 $0xA000, s7;
	s7 =	simm.s32 @!p3 $0x0  }
0x7e: {  	[tilespmem:s0], [sflag:$0x5] =	stream.linear.gather @!p3 [hbm4b:s1+s7], $0x1400, $0x38;
	[tilespmem:$0x1A000] =	vst v63  }
0x7f: {  	_ =	swait.ge [sflag:s16], $0x1400  }
0x80: {  	s28 =	rddreg [dreg:$0x4];
	[sflag:s16] =	ssyncset.done $0x0  }
0x81: {  	[sflag:s16] =	ssyncadd.s32 $0xFFFFEC00;
	s1 =	sadd.s32 s30, s28  }
0x82: {  	[hbm4b:s1+s3] =	stream.linear.scatter [tilespmem:s13], [sflag:$0x6], $0x1400, $0x38;
	[tilespmem:$0x1A000] =	vst v63  }
0x83: {  	_ =	swait.ge [sflag:s17], $0x1400  }
0x84: {  	[sflag:s17] =	ssyncset.done $0x0  }
0x85: {  	s11 =	sadd.s32 $0x2800, s1;
	[sflag:s17] =	ssyncadd.s32 $0xFFFFEC00  }
0x86: {  	[hbm4b:s11+s3] =	stream.linear.scatter [tilespmem:s14], [sflag:$0x7], $0x1400, $0x38;
	[tilespmem:$0x1A000] =	vst v63  }
0x87: {  	_ =	swait.ge [sflag:s18], $0x1400  }
0x88: {  	[sflag:s18] =	ssyncset.done $0x0  }
0x89: {  	s1 =	sadd.s32 $0x5000, s1;
	s11 =	simm.s32 @!p2 $0x4;
	[sflag:s18] =	ssyncadd.s32 $0xFFFFEC00  }
0x8a: {  	[hbm4b:s1+s3] =	stream.linear.scatter [tilespmem:s15], [sflag:$0x8], $0x1400, $0x38;
	[tilespmem:$0x1A000] =	vst v63  }
0x8b: {  	s1 =	sadd.s32 @!p2 s2, s4;
	_ =	swait.ge @!p2 [sflag:s11], $0x1400  }
0x8c: {  	s1 =	sadd.s32 @!p2 s30, s1;
	[sflag:s11] =	ssyncset.done @!p2 $0x0  }
0x8d: {  	s1 =	sadd.s32 @!p2 $0x7800, s1;
	[sflag:s11] =	ssyncadd.s32 @!p2 $0xFFFFEC00;
	s11 =	simm.s32 @!p3 $0x5  }
0x8e: {  	[hbm4b:s1+s8] =	stream.linear.scatter @!p2 [tilespmem:s10], [sflag:$0x9], $0x1400, $0x38;
	[tilespmem:$0x1A000] =	vst v63  }
0x8f: {  	s1 =	sadd.s32 @!p3 s2, s4;
	_ =	swait.ge @!p3 [sflag:s11], $0x1400  }
0x90: {  	s1 =	sadd.s32 @!p3 s30, s1;
	[sflag:s11] =	ssyncset.done @!p3 $0x0  }
0x91: {  	s1 =	sadd.s32 @!p3 $0xA000, s1;
	[sflag:s11] =	ssyncadd.s32 @!p3 $0xFFFFEC00  }
0x92: {  	[hbm4b:s1+s7] =	stream.linear.scatter @!p3 [tilespmem:s0], [sflag:$0xA], $0x1400, $0x38;
	[tilespmem:$0x1A000] =	vst v63  }
0x93: {  	_ =	swait.ge [sflag:s20], $0x1400  }
0x94: {  	[sflag:s20] =	ssyncset.done $0x0  }
0x95: {  	[sflag:s20] =	ssyncadd.s32 $0xFFFFEC00  }
0x96: {  	_ =	swait.ge [sflag:s21], $0x1400  }
0x97: {  	[sflag:s21] =	ssyncset.done $0x0  }
0x98: {  	[sflag:s21] =	ssyncadd.s32 $0xFFFFEC00  }
0x99: {  	_ =	swait.ge [sflag:s29], $0x1400  }
0x9a: {  	[sflag:s29] =	ssyncset.done $0x0  }
0x9b: {  	s0 =	simm.s32 @!p0 $0x9;
	[sflag:s29] =	ssyncadd.s32 $0xFFFFEC00  }
0x9c: {  	_ =	swait.ge @!p0 [sflag:s0], $0x1400  }
0x9d: {  	p5 =	por $0x1, $0x1;
	[sflag:s0] =	ssyncset.done @!p0 $0x0  }
0x9e: {  	p1 =	por p5, p5;
	[sflag:s0] =	ssyncadd.s32 @!p0 $0xFFFFEC00  }
0x9f: {  	s0 =	simm.s32 @!p1 $0x6;
	[bflag:$0x0] =	sbarrier.arrive $0xFFFF  }
0xa0: {  	_ =	swait.ge @!p1 [sflag:s0], $0x1400  }
0xa1: {  	[sflag:s0] =	ssyncset.done @!p1 $0x0  }
0xa2: {  	s11 =	simm.s32 $0x0;
	[sflag:s0] =	ssyncadd.s32 @!p1 $0xFFFFEC00;
	p1 =	por $0x0, $0x0  }
0xa3: {  	[tilespmem:s13], [sflag:$0x1] =	stream.indirect.gather [hbm4b:s2+s22], $0x80, s11, s22, $0xb8;
	[tilespmem:$0x1A000] =	vst v63  }
0xa4: {  	s0 =	simm.s32 @p1 $0x7  }
0xa5: {  	_ =	swait.ge @p1 [sflag:s0], $0x1400  }
0xa6: {  	s1 =	simm.s32 @p1 $0x80;
	s7 =	simm.s32 @p1 $0x28;
	[sflag:s0] =	ssyncset.done @p1 $0x0  }
0xa7: {  	s8 =	simm.s32 @p1 $0x15000;
	[sflag:s0] =	ssyncadd.s32 @p1 $0xFFFFEC00;
	s0 =	simm.s32 @p1 $0x8  }
0xa8: {  	[tilespmem:s8], [sflag:$0x2] =	stream.indirect.gather @p1 [hbm4b:s2+s7], $0x80, s1, s7, $0xb8;
	[tilespmem:$0x1A000] =	vst v63  }
0xa9: {  	_ =	swait.ge @p1 [sflag:s0], $0x1400  }
0xaa: {  	s1 =	simm.s32 @p1 $0x100;
	[sflag:s0] =	ssyncset.done @p1 $0x0  }
0xab: {  	s8 =	simm.s32 @p1 $0x16400;
	[sflag:s0] =	ssyncadd.s32 @p1 $0xFFFFEC00;
	s0 =	simm.s32 @p1 $0x9  }
0xac: {  	[tilespmem:s8], [sflag:$0x3] =	stream.indirect.gather @p1 [hbm4b:s2+s7], $0x80, s1, s7, $0xb8;
	[tilespmem:$0x1A000] =	vst v63  }
0xad: {  	_ =	swait.ge @p1 [sflag:s0], $0x1400  }
0xae: {  	s1 =	simm.s32 @p1 $0x180;
	[sflag:s0] =	ssyncset.done @p1 $0x0  }
0xaf: {  	s8 =	simm.s32 @p1 $0x17800;
	[sflag:s0] =	ssyncadd.s32 @p1 $0xFFFFEC00;
	s0 =	simm.s32 @p1 $0xA  }
0xb0: {  	[tilespmem:s8], [sflag:$0x4] =	stream.indirect.gather @p1 [hbm4b:s2+s7], $0x80, s1, s7, $0xb8;
	[tilespmem:$0x1A000] =	vst v63  }
0xb1: {  	_ =	swait.ge @p1 [sflag:s0], $0x1400  }
0xb2: {  	s10 =	simm.s32 @!p1 $0x80;
	s1 =	simm.s32 $0x4;
	[sflag:s0] =	ssyncset.done @p1 $0x0  }
0xb3: {  	s7 =	simm.s32 @!p1 $0x15000;
	s8 =	simm.s32 @!p1 $0x28;
	[sflag:s0] =	ssyncadd.s32 @p1 $0xFFFFEC00  }
0xb4: {  	[tilespmem:s7], [sflag:$0x2] =	stream.indirect.gather @!p1 [hbm4b:s2+s8], $0x80, s10, s8, $0xb8;
	[tilespmem:$0x1A000] =	vst v63  }
0xb5: {  	s1 =	simm.s32 @!p1 $0x4;
	s0 =	simm.s32 @!p1 $0x100;
	s7 =	simm.s32 @!p1 $0x16400  }
0xb6: {  	[tilespmem:s7], [sflag:$0x3] =	stream.indirect.gather @!p1 [hbm4b:s2+s8], $0x80, s0, s8, $0xb8;
	[tilespmem:$0x1A000] =	vst v63  }
0xb7: {  	s12 =	sshll.u32 s1, $0x7;
	s10 =	simm.s32 @!p1 $0x17800;
	s7 =	simm.s32 @!p1 $0x180  }
0xb8: {  	[tilespmem:s10], [sflag:$0x4] =	stream.indirect.gather @!p1 [hbm4b:s2+s8], $0x80, s7, s8, $0xb8;
	[tilespmem:$0x1A000] =	vst v63  }
0xb9: {  	s0 =	sand.u32 $0x3FFFFF80, s12  }
0xba: {  	[tilespmem:s23], [sflag:$0x5] =	stream.indirect.gather [hbm4b:s2+s22], $0x80, s0, s22, $0xb8;
	[tilespmem:$0x1A000] =	vst v63  }
0xbb: {  	_ =	swait.ge [sflag:s16], $0x1400  }
0xbc: {  	p6 =	por $0x0, $0x0;
	[sflag:s16] =	ssyncset.done $0x0  }
0xbd: {  	s31 =	simm.s32 $0x140;
	s19 =	rddreg [dreg:$0x9];
	[sflag:s16] =	ssyncadd.s32 $0xFFFFEC00  }
0xbe: {  	[hbm4b:s19+s3] =	stream.linear.scatter [tilespmem:s13], [sflag:$0x6], $0x1400, $0x38;
	[tilespmem:$0x1A000] =	vst v63  }
0xbf: {  	s30 =	simm.s32 $0x9;
	p3 =	por p6, p6;
	_ =	swait.ge [sflag:s17], $0x1400  }
0xc0: {  	s21 =	smul.u32 $0x28, s1;
	s8 =	simm.s32 @p1 $0x50;
	[sflag:s17] =	ssyncset.done $0x0  }
0xc1: {  	s8 =	simm.s32 @!p1 $0x50;
	s20 =	sadd.s32 $0x280, s19;
	[sflag:s17] =	ssyncadd.s32 $0xFFFFEC00  }
0xc2: {  	[hbm4b:s20+s3] =	stream.linear.scatter [tilespmem:s14], [sflag:$0x7], $0x1400, $0x38;
	[tilespmem:$0x1A000] =	vst v63  }
0xc3: {  	s1 =	simm.s32 $0x1400;
	s8 =	sadd.s32 s5, s8;
	_ =	swait.ge [sflag:s18], $0x1400  }
0xc4: {  	s0 =	simm.s32 $0x78;
	s8 =	sshll.u32 s8, $0x4;
	[sflag:s18] =	ssyncset.done $0x0  }
0xc5: {  	s0 =	simm.s32 @!p1 $0x78;
	s26 =	sadd.s32 s6, s8;
	[sflag:s18] =	ssyncadd.s32 $0xFFFFEC00  }
0xc6: {  	[hbm4b:s26+s3] =	stream.linear.scatter [tilespmem:s15], [sflag:$0x8], $0x1400, $0x38;
	[tilespmem:$0x1A000] =	vst v63  }
0xc7: {  	s28 =	sadd.s32 s5, s21;
	s0 =	sadd.s32 s5, s0;
	_ =	swait.ge [sflag:s24], $0x1400  }
0xc8: {  	s12 =	simm.s32 @!p3 $0x6;
	s0 =	sshll.u32 s0, $0x4;
	[sflag:s24] =	ssyncset.done $0x0  }
0xc9: {  	s0 =	sadd.s32 s6, s0;
	s29 =	rddreg [dreg:$0x5];
	[sflag:s24] =	ssyncadd.s32 $0xFFFFEC00  }
0xca: {  	[hbm4b:s0+s3] =	stream.linear.scatter [tilespmem:s29], [sflag:$0x9], $0x1400, $0x38;
	[tilespmem:$0x1A000] =	vst v63  }
0xcb: {  	s7 =	simm.s32 $0xA00;
	s8 =	sshll.u32 s28, $0x4;
	_ =	swait.ge [sflag:s25], $0x1400  }
0xcc: {  	s26 =	sadd.s32 s6, s8;
	s0 =	sadd.s32 $0xC80, s19;
	[sflag:s25] =	ssyncset.done $0x0  }
.LBB2_4:
0xcd: {  	[sflag:s25] =	ssyncadd.s32 $0xFFFFEC00  }
0xce: {  	[hbm4b:s26+s3] =	stream.linear.scatter [tilespmem:s23], [sflag:$0xA], $0x1400, $0x38;
	[tilespmem:$0x1A000] =	vst v63  }
0xcf: {  	_ =	swait.ge @!p3 [sflag:s12], $0x1400  }
0xd0: {  	[sflag:s12] =	ssyncset.done @!p3 $0x0  }
0xd1: {  	s10 =	sshra.s32 s7, $0x2;
	[sflag:s12] =	ssyncadd.s32 @!p3 $0xFFFFEC00;
	p3 =	sne.s32 s7, $0x0  }
0xd2: {  	[tilespmem:s13], [sflag:$0x1] =	stream.indirect.gather [hbm4b:s2+s22], $0x80, s10, s22, $0xb8;
	[tilespmem:$0x1A000] =	vst v63  }
0xd3: {  	s10 =	simm.s32 @p3 $0x7  }
0xd4: {  	s11 =	smov.u32 s30;
	s7 =	sshra.s32 @p3 s7, $0x2;
	_ =	swait.ge @p3 [sflag:s10], $0x1400  }
0xd5: {  	s26 =	simm.s32 @p3 $0x28;
	s28 =	simm.s32 @p3 $0x15000;
	[sflag:s10] =	ssyncset.done @p3 $0x0  }
0xd6: {  	s12 =	sadd.s32 @p3 $0x80, s7;
	[sflag:s10] =	ssyncadd.s32 @p3 $0xFFFFEC00;
	s10 =	simm.s32 @p3 $0x8  }
0xd7: {  	[tilespmem:s28], [sflag:$0x2] =	stream.indirect.gather @p3 [hbm4b:s2+s26], $0x80, s12, s26, $0xb8;
	[tilespmem:$0x1A000] =	vst v63  }
0xd8: {  	s11 =	simm.s32 @!p3 $0x4;
	_ =	swait.ge @p3 [sflag:s10], $0x1400  }
0xd9: {  	s20 =	simm.s32 @p3 $0x16400;
	s21 =	simm.s32 @p3 $0x17800;
	[sflag:s10] =	ssyncset.done @p3 $0x0  }
0xda: {  	s19 =	sadd.s32 @p3 $0x100, s7;
	[sflag:s10] =	ssyncadd.s32 @p3 $0xFFFFEC00;
	s10 =	simm.s32 @p3 $0x9  }
0xdb: {  	[tilespmem:s20], [sflag:$0x3] =	stream.indirect.gather @p3 [hbm4b:s2+s26], $0x80, s19, s26, $0xb8;
	[tilespmem:$0x1A000] =	vst v63  }
0xdc: {  	s7 =	sadd.s32 @p3 $0x180, s7;
	s12 =	sadd.s32 @p3 $0xFFFFFFD8, s31;
	_ =	swait.ge @p3 [sflag:s10], $0x1400  }
0xdd: {  	s28 =	sshll.u32 s11, $0x7;
	s12 =	simm.s32 @!p3 $0x50;
	[sflag:s10] =	ssyncset.done @p3 $0x0  }
0xde: {  	s19 =	smov.u32 s31;
	[sflag:s10] =	ssyncadd.s32 @p3 $0xFFFFEC00;
	s10 =	simm.s32 @p3 $0xA  }
0xdf: {  	[tilespmem:s21], [sflag:$0x4] =	stream.indirect.gather @p3 [hbm4b:s2+s26], $0x80, s7, s26, $0xb8;
	[tilespmem:$0x1A000] =	vst v63  }
0xe0: {  	s12 =	sadd.s32 s5, s12;
	s19 =	simm.s32 @!p3 $0x78;
	_ =	swait.ge @p3 [sflag:s10], $0x1400  }
0xe1: {  	s29 =	sadd.s32 s5, s19;
	s19 =	simm.s32 @!p3 $0x28;
	[sflag:s10] =	ssyncset.done @p3 $0x0  }
0xe2: {  	s7 =	simm.s32 @!p3 $0x15000;
	s21 =	simm.s32 @!p3 $0x80;
	[sflag:s10] =	ssyncadd.s32 @p3 $0xFFFFEC00  }
0xe3: {  	[tilespmem:s7], [sflag:$0x2] =	stream.indirect.gather @!p3 [hbm4b:s2+s19], $0x80, s21, s19, $0xb8;
	[tilespmem:$0x1A000] =	vst v63  }
0xe4: {  	s20 =	sshll.u32 s12, $0x4;
	s26 =	simm.s32 @!p3 $0x16400;
	s10 =	simm.s32 @!p3 $0x100  }
0xe5: {  	[tilespmem:s26], [sflag:$0x3] =	stream.indirect.gather @!p3 [hbm4b:s2+s19], $0x80, s10, s19, $0xb8;
	[tilespmem:$0x1A000] =	vst v63  }
0xe6: {  	s12 =	sshll.u32 s29, $0x4;
	s29 =	simm.s32 @!p3 $0x17800;
	s21 =	simm.s32 @!p3 $0x180  }
0xe7: {  	[tilespmem:s29], [sflag:$0x4] =	stream.indirect.gather @!p3 [hbm4b:s2+s19], $0x80, s21, s19, $0xb8;
	[tilespmem:$0x1A000] =	vst v63  }
0xe8: {  	s28 =	sand.u32 $0x3FFFFF80, s28  }
0xe9: {  	[tilespmem:s23], [sflag:$0x5] =	stream.indirect.gather [hbm4b:s2+s22], $0x80, s28, s22, $0xb8;
	[tilespmem:$0x1A000] =	vst v63  }
0xea: {  	_ =	swait.ge [sflag:s16], $0x1400  }
0xeb: {  	[sflag:s16] =	ssyncset.done $0x0  }
0xec: {  	[sflag:s16] =	ssyncadd.s32 $0xFFFFEC00  }
0xed: {  	[hbm4b:s0+s3] =	stream.linear.scatter [tilespmem:s13], [sflag:$0x6], $0x1400, $0x38;
	[tilespmem:$0x1A000] =	vst v63  }
0xee: {  	_ =	swait.ge [sflag:s17], $0x1400  }
0xef: {  	p2 =	seq.s32 s1, $0x0;
	[sflag:s17] =	ssyncset.done $0x0  }
0xf0: {  	s8 =	smov.u32 s1;
	s21 =	sadd.s32 $0x280, s0;
	[sflag:s17] =	ssyncadd.s32 $0xFFFFEC00  }
0xf1: {  	[hbm4b:s21+s3] =	stream.linear.scatter [tilespmem:s14], [sflag:$0x7], $0x1400, $0x38;
	[tilespmem:$0x1A000] =	vst v63  }
0xf2: {  	s1 =	sadd.s32 $0xA00, s1;
	s11 =	smul.u32 $0x28, s11;
	_ =	swait.ge [sflag:s18], $0x1400  }
0xf3: {  	s30 =	sadd.s32 $0x5, s30;
	p1 =	sne.s32 s1, $0x4E200;
	[sflag:s18] =	ssyncset.done $0x0  }
0xf4: {  	s11 =	sadd.s32 s5, s11;
	s26 =	sadd.s32 s6, s20;
	[sflag:s18] =	ssyncadd.s32 $0xFFFFEC00  }
0xf5: {  	[hbm4b:s26+s3] =	stream.linear.scatter [tilespmem:s15], [sflag:$0x8], $0x1400, $0x38;
	[tilespmem:$0x1A000] =	vst v63  }
0xf6: {  	s11 =	sshll.u32 s11, $0x4;
	s31 =	sadd.s32 $0xC8, s31;
	_ =	swait.ge [sflag:s24], $0x1400  }
.Ltmp1:
0xf7: {  	p3 =	por p2, p2;
	[sflag:s24] =	ssyncset.done $0x0;
	(pc) =	sbr.rel @p1 .LBB2_4-.Ltmp1, $4  }
0xf8: {  	s29 =	sadd.s32 s6, s12;
	s28 =	rddreg [dreg:$0x5];
	[sflag:s24] =	ssyncadd.s32 $0xFFFFEC00  }
0xf9: {  	[hbm4b:s29+s3] =	stream.linear.scatter [tilespmem:s28], [sflag:$0x9], $0x1400, $0x38;
	[tilespmem:$0x1A000] =	vst v63  }
0xfa: {  	s7 =	smov.u32 s8;
	s12 =	simm.s32 @!p3 $0x6;
	_ =	swait.ge [sflag:s25], $0x1400  }
0xfb: {  	s0 =	sadd.s32 $0xC80, s0;
	s26 =	sadd.s32 s6, s11;
	[sflag:s25] =	ssyncset.done $0x0  }
0xfc: {  	[sflag:s25] =	ssyncadd.s32 $0xFFFFEC00  }
0xfd: {  	[hbm4b:s26+s3] =	stream.linear.scatter [tilespmem:s23], [sflag:$0xA], $0x1400, $0x38;
	[tilespmem:$0x1A000] =	vst v63  }
0xfe: {  	_ =	swait.ge @!p3 [sflag:s12], $0x1400  }
0xff: {  	[sflag:s12] =	ssyncset.done @!p3 $0x0  }
0x100: {  	p1 =	sne.s32 s7, $0x0;
	s1 =	sshra.s32 s7, $0x2;
	[sflag:s12] =	ssyncadd.s32 @!p3 $0xFFFFEC00  }
0x101: {  	[tilespmem:s13], [sflag:$0x1] =	stream.indirect.gather [hbm4b:s2+s22], $0x80, s1, s22, $0xb8;
	[tilespmem:$0x1A000] =	vst v63  }
0x102: {  	s1 =	simm.s32 @p1 $0x7  }
0x103: {  	_ =	swait.ge @p1 [sflag:s1], $0x1400  }
0x104: {  	s7 =	sshra.s32 @p1 s7, $0x2;
	s10 =	simm.s32 @p1 $0x28;
	[sflag:s1] =	ssyncset.done @p1 $0x0  }
0x105: {  	s8 =	sadd.s32 @p1 $0x80, s7;
	[sflag:s1] =	ssyncadd.s32 @p1 $0xFFFFEC00;
	s1 =	simm.s32 @p1 $0x15000  }
0x106: {  	[tilespmem:s1], [sflag:$0x2] =	stream.indirect.gather @p1 [hbm4b:s2+s10], $0x80, s8, s10, $0xb8;
	[tilespmem:$0x1A000] =	vst v63  }
0x107: {  	s1 =	simm.s32 @p1 $0x8  }
0x108: {  	_ =	swait.ge @p1 [sflag:s1], $0x1400  }
0x109: {  	[sflag:s1] =	ssyncset.done @p1 $0x0  }
0x10a: {  	s8 =	sadd.s32 @p1 $0x100, s7;
	[sflag:s1] =	ssyncadd.s32 @p1 $0xFFFFEC00;
	s1 =	simm.s32 @p1 $0x16400  }
0x10b: {  	[tilespmem:s1], [sflag:$0x3] =	stream.indirect.gather @p1 [hbm4b:s2+s10], $0x80, s8, s10, $0xb8;
	[tilespmem:$0x1A000] =	vst v63  }
0x10c: {  	s1 =	simm.s32 @p1 $0x9  }
0x10d: {  	_ =	swait.ge @p1 [sflag:s1], $0x1400  }
0x10e: {  	[sflag:s1] =	ssyncset.done @p1 $0x0  }
0x10f: {  	s7 =	sadd.s32 @p1 $0x180, s7;
	[sflag:s1] =	ssyncadd.s32 @p1 $0xFFFFEC00;
	s1 =	simm.s32 @p1 $0x17800  }
0x110: {  	[tilespmem:s1], [sflag:$0x4] =	stream.indirect.gather @p1 [hbm4b:s2+s10], $0x80, s7, s10, $0xb8;
	[tilespmem:$0x1A000] =	vst v63  }
0x111: {  	s1 =	simm.s32 @p1 $0xA  }
0x112: {  	_ =	swait.ge @p1 [sflag:s1], $0x1400  }
0x113: {  	s8 =	simm.s32 @!p1 $0x28;
	[sflag:s1] =	ssyncset.done @p1 $0x0  }
0x114: {  	s7 =	simm.s32 @!p1 $0x15000;
	[sflag:s1] =	ssyncadd.s32 @p1 $0xFFFFEC00;
	s1 =	simm.s32 @!p1 $0x80  }
0x115: {  	[tilespmem:s7], [sflag:$0x2] =	stream.indirect.gather @!p1 [hbm4b:s2+s8], $0x80, s1, s8, $0xb8;
	[tilespmem:$0x1A000] =	vst v63  }
0x116: {  	s30 =	simm.s32 @!p1 $0x4;
	s1 =	simm.s32 @!p1 $0x100;
	s7 =	simm.s32 @!p1 $0x16400  }
0x117: {  	[tilespmem:s7], [sflag:$0x3] =	stream.indirect.gather @!p1 [hbm4b:s2+s8], $0x80, s1, s8, $0xb8;
	[tilespmem:$0x1A000] =	vst v63  }
0x118: {  	s10 =	sshll.u32 s30, $0x7;
	s1 =	simm.s32 @!p1 $0x180;
	s7 =	simm.s32 @!p1 $0x17800  }
0x119: {  	[tilespmem:s7], [sflag:$0x4] =	stream.indirect.gather @!p1 [hbm4b:s2+s8], $0x80, s1, s8, $0xb8;
	[tilespmem:$0x1A000] =	vst v63  }
0x11a: {  	s1 =	sand.u32 $0x3FFFFF80, s10  }
0x11b: {  	[tilespmem:s23], [sflag:$0x5] =	stream.indirect.gather [hbm4b:s2+s22], $0x80, s1, s22, $0xb8;
	[tilespmem:$0x1A000] =	vst v63  }
0x11c: {  	_ =	swait.ge [sflag:s16], $0x1400  }
0x11d: {  	[sflag:s16] =	ssyncset.done $0x0  }
0x11e: {  	[sflag:s16] =	ssyncadd.s32 $0xFFFFEC00  }
0x11f: {  	[hbm4b:s0+s3] =	stream.linear.scatter [tilespmem:s13], [sflag:$0x6], $0x1400, $0x38;
	[tilespmem:$0x1A000] =	vst v63  }
0x120: {  	_ =	swait.ge [sflag:s17], $0x1400  }
0x121: {  	s11 =	sadd.s32 $0x280, s0;
	s0 =	sadd.s32 @p1 $0xFFFFFFD8, s31;
	[sflag:s17] =	ssyncset.done $0x0  }
0x122: {  	s0 =	simm.s32 @!p1 $0x50;
	[sflag:s17] =	ssyncadd.s32 $0xFFFFEC00  }
0x123: {  	[hbm4b:s11+s3] =	stream.linear.scatter [tilespmem:s14], [sflag:$0x7], $0x1400, $0x38;
	[tilespmem:$0x1A000] =	vst v63  }
0x124: {  	s0 =	sadd.s32 s5, s0;
	_ =	swait.ge [sflag:s18], $0x1400  }
0x125: {  	s0 =	sshll.u32 s0, $0x4;
	[sflag:s18] =	ssyncset.done $0x0  }
0x126: {  	s31 =	simm.s32 @!p1 $0x78;
	s0 =	sadd.s32 s6, s0;
	[sflag:s18] =	ssyncadd.s32 $0xFFFFEC00  }
0x127: {  	[hbm4b:s0+s3] =	stream.linear.scatter [tilespmem:s15], [sflag:$0x8], $0x1400, $0x38;
	[tilespmem:$0x1A000] =	vst v63  }
0x128: {  	s12 =	sadd.s32 s5, s31;
	_ =	swait.ge [sflag:s24], $0x1400  }
0x129: {  	s20 =	smul.u32 $0x28, s30;
	s0 =	sshll.u32 s12, $0x4;
	[sflag:s24] =	ssyncset.done $0x0  }
0x12a: {  	s0 =	sadd.s32 s6, s0;
	s19 =	rddreg [dreg:$0x5];
	[sflag:s24] =	ssyncadd.s32 $0xFFFFEC00  }
0x12b: {  	[hbm4b:s0+s3] =	stream.linear.scatter [tilespmem:s19], [sflag:$0x9], $0x1400, $0x38;
	[tilespmem:$0x1A000] =	vst v63  }
0x12c: {  	s21 =	sadd.s32 s5, s20;
	_ =	swait.ge [sflag:s25], $0x1400  }
0x12d: {  	s0 =	sshll.u32 s21, $0x4;
	[sflag:s25] =	ssyncset.done $0x0  }
0x12e: {  	s20 =	simm.s32 $0x6;
	s0 =	sadd.s32 s6, s0;
	[sflag:s25] =	ssyncadd.s32 $0xFFFFEC00  }
0x12f: {  	[hbm4b:s0+s3] =	stream.linear.scatter [tilespmem:s23], [sflag:$0xA], $0x1400, $0x38;
	[tilespmem:$0x1A000] =	vst v63  }
0x130: {  	_ =	swait.ge [sflag:s20], $0x1400  }
0x131: {  	[sflag:s20] =	ssyncset.done $0x0  }
0x132: {  	s21 =	simm.s32 $0x7;
	[sflag:s20] =	ssyncadd.s32 $0xFFFFEC00  }
0x133: {  	_ =	swait.ge [sflag:s21], $0x1400  }
0x134: {  	[sflag:s21] =	ssyncset.done $0x0  }
0x135: {  	s29 =	simm.s32 $0x8;
	[sflag:s21] =	ssyncadd.s32 $0xFFFFEC00  }
0x136: {  	_ =	swait.ge [sflag:s29], $0x1400  }
0x137: {  	[sflag:s29] =	ssyncset.done $0x0  }
0x138: {  	s26 =	simm.s32 $0x9;
	[sflag:s29] =	ssyncadd.s32 $0xFFFFEC00  }
0x139: {  	_ =	swait.ge [sflag:s26], $0x1400  }
0x13a: {  	[sflag:s26] =	ssyncset.done $0x0  }
0x13b: {  	s28 =	simm.s32 $0xA;
	[sflag:s26] =	ssyncadd.s32 $0xFFFFEC00  }
0x13c: {  	_ =	swait.ge [sflag:s28], $0x1400  }
0x13d: {  	s30 =	rddreg [dreg:$0xa]  }
0x13e: {  	s31 =	rddreg [dreg:$0x7];
	s7 =	sadd.s32 $0x1, s30  }
0x13f: {  	p1 =	sne.s32 s7, s31  }
.Ltmp2:
0x140: {  	_ = 	snop;
	(pc) =	sbr.rel @p1 .LBB2_1-.Ltmp2, $3  }
0x141: {  	_ =	sdelay $0x1  }
0x142: {  	[sflag:s28] =	ssyncset.done $0x0  }
0x143: {  	[sflag:s28] =	ssyncadd.s32 $0xFFFFEC00  }
0x144: {  	_ =	sfence.sel $0x180000  }
0x145: {  	[bflag:$0x0] =	sbarrier.arrive $0xFFFF  }
0x146: {  	_ =	strace $0x90000047  }
0x147: {  	s0 =	stileid.u32;
	[bflag:$0x2] =	sbarrier.arrive $0xFFFF  }
0x148: {  	p0 =	sne.s32 s0, $0x0;
	s0 =	rddreg [dreg:$0x3]  }
0x149: {  	s0 =	sadd.s32 @!p0 $0x100000, s0  }
0x14a: {  	[sflag:s0] =	ssyncadd.tile.s32 @!p0 $0x1;
	_ =	shalt  }
.Lfunc_end2:
_tile_overlayer_lowered:
.L_overlay_start_2:
0x14b: {  	(tag) =	ssettag $0x2  }
0x14c: {  	s0 =	rddreg [dreg:$0x0];
	s2 =	stileid.u32  }
0x14d: {  	s1 =	rddreg [dreg:$0x1];
	p0 =	sne.s32 s2, $0x0  }
0x14e: {  	s3 =	rddreg [dreg:$0x2];
	[bflag:$0x3] =	sbarrier.arrive $0xFFFF;
	s2 =	simm.s32 @!p0 $0x1C0B  }
0x14f: {  	[timem:s3], [sflag:s2] =	dma.local @!p0 [hbm:s0], s1  }
0x150: {  	s0 =	simm.s32 @!p0 $0xB  }
0x151: {  	_ =	swait.ge @!p0 [sflag:s0], s1  }
0x152: {  	s1 =	ssub.s32 @!p0 $0x0, s1;
	[sflag:s0] =	ssyncset.done @!p0 $0x0  }
0x153: {  	[sflag:s0] =	ssyncadd.s32 @!p0 s1  }
0x154: {  	[bflag:$0x3] =	sbarrier.arrive $0xFFFF  }
0x155: {  	_ =	shalt  }

</sc_bundles>
